<compile_context>
chip_gen: v7x
topology: tpu7x:2x2x1
jax: 0.10.2.dev20260603
libtpu: 0.0.44.dev20260713+nightly
codegen_flags: <defaults>
</compile_context>

<pallas_src>
import functools

import jax
import jax.numpy as jnp
from jax import lax
from jax.experimental import pallas as pl
from jax.experimental.pallas import tpu as pltpu
from jax.experimental.pallas import tpu_sc as plsc

N = 10000
D = 128
H = 128
E = 320000

NC = 2
NS = 16
NW = NC * NS
CH = 128
K = 80
T = K * CH
E_PAD = NW * T
ACC_ROWS = 10240
ZROWS = ACC_ROWS // NS
WROWS = N // NS


L = 16
GRP = CH // L
NV = H // L
DUMP = N


def _sc_segsum_body(h_hbm, src_hbm, dst_hbm, zeros_hbm, out_hbm,
                    src_v, dst_v, rows_v, agg_sp, sem):
  cid = lax.axis_index("c")
  sid = lax.axis_index("s")
  wid = cid * NS + sid

  pltpu.sync_copy(zeros_hbm.at[pl.ds(sid * ZROWS, ZROWS)],
                  agg_sp.at[pl.ds(sid * ZROWS, ZROWS)])
  pltpu.sync_copy(src_hbm.at[wid], src_v)
  pltpu.sync_copy(dst_hbm.at[wid], dst_v)
  plsc.subcore_barrier()

  def chunk(j, c):
    pltpu.async_copy(h_hbm.at[src_v.at[j]], rows_v, sem).wait()
    pltpu.sync_copy(rows_v, agg_sp.at[dst_v.at[j]], add=True)
    return c

  lax.fori_loop(0, K, chunk, 0, unroll=False)
  plsc.subcore_barrier()

  pltpu.sync_copy(agg_sp.at[pl.ds(sid * ZROWS, ZROWS)],
                  out_hbm.at[cid, pl.ds(sid * ZROWS, ZROWS)])


@functools.cache
def _get_sc_segsum():
  return pl.kernel(
      _sc_segsum_body,
      out_type=jax.ShapeDtypeStruct((NC, ACC_ROWS, H), jnp.float32),
      mesh=plsc.VectorSubcoreMesh(core_axis_name="c", subcore_axis_name="s",
                                  num_cores=NC, num_subcores=NS),
      scratch_types=[
          pltpu.VMEM((K, CH), jnp.int32),
          pltpu.VMEM((K, CH), jnp.int32),
          pltpu.VMEM((CH, H), jnp.float32),
          pltpu.VMEM_SHARED((ACC_ROWS, H), jnp.float32),
          pltpu.SemaphoreType.DMA,
      ],
  )


def _sc_segsum(h, srcr, dstr, zeros):
  return _get_sc_segsum()(h, srcr, dstr, zeros)


def _dot(a, b):
  return jnp.dot(a, b, preferred_element_type=jnp.float32)


def _mlp_body(residual, h_ref, p_ref, s_ref, w1_ref, b1_ref, g1_ref, be1_ref,
              w2_ref, b2_ref, o_ref):
  h = h_ref[...]
  z = h * s_ref[0, 0] + p_ref[0] + p_ref[1]
  z = _dot(z, w1_ref[...]) + b1_ref[...]
  m = jnp.mean(z, axis=-1, keepdims=True)
  v = jnp.mean(jnp.square(z - m), axis=-1, keepdims=True)
  z = (z - m) / jnp.sqrt(v + 1e-5) * g1_ref[...] + be1_ref[...]
  z = jnp.maximum(z, 0.0)
  z = _dot(z, w2_ref[...]) + b2_ref[...]
  z = jnp.maximum(z, 0.0)
  if residual:
    z = z + h
  o_ref[...] = z


_MLP_BR = 1000


def _tc_mlp(h, partials, p, residual):
  full = lambda s: pl.BlockSpec(s, lambda i: (0,) * len(s))
  grid = N // _MLP_BR
  body = functools.partial(_mlp_body, residual)
  return pl.pallas_call(
      body,
      grid=(grid,),
      in_specs=[
          pl.BlockSpec((_MLP_BR, H), lambda i: (i, 0)),
          pl.BlockSpec((NC, _MLP_BR, H), lambda i: (0, i, 0)),
          pl.BlockSpec(memory_space=pltpu.SMEM),
          full((H, H)), full((1, H)), full((1, H)), full((1, H)),
          full((H, H)), full((1, H)),
      ],
      out_specs=pl.BlockSpec((_MLP_BR, H), lambda i: (i, 0)),
      out_shape=jax.ShapeDtypeStruct((N, H), jnp.float32),
  )(h, partials, (1.0 + p['eps']).reshape(1, 1),
    p['W1'], p['b1'].reshape(1, H), p['g1'].reshape(1, H),
    p['be1'].reshape(1, H), p['W2'], p['b2'].reshape(1, H))


def _ln_row(z, g, b):
  m = jnp.mean(z, axis=-1, keepdims=True)
  v = jnp.mean(jnp.square(z - m), axis=-1, keepdims=True)
  return (z - m) / jnp.sqrt(v + 1e-5) * g + b


def _head_body(h_ref, wa_ref, ba_ref, a1_ref, ab1_ref, ag1_ref, abe1_ref,
               a2_ref, ab2_ref, ag2_ref, abe2_ref, a3_ref, ab3_ref,
               r1_ref, rb1_ref, rg1_ref, rbe1_ref, r2_ref, rb2_ref,
               o_ref, s_ref):
  h = h_ref[...]
  att = jax.nn.sigmoid(
      _dot(h, wa_ref[...])
      + ba_ref[0, 0])
  hw = h * att
  a = _dot(hw, a1_ref[...]) + ab1_ref[...]
  a = jnp.maximum(_ln_row(a, ag1_ref[...], abe1_ref[...]), 0.0)
  a = _dot(a, a2_ref[...]) + ab2_ref[...]
  a = jnp.maximum(_ln_row(a, ag2_ref[...], abe2_ref[...]), 0.0)
  ang = jnp.tanh(
      _dot(a, a3_ref[...])
      + ab3_ref[0, 0]) * jnp.pi
  r = _dot(hw, r1_ref[...]) + rb1_ref[...]
  r = jnp.maximum(_ln_row(r, rg1_ref[...], rbe1_ref[...]), 0.0)
  rad = 0.9 + 0.2 * jax.nn.sigmoid(
      _dot(r, r2_ref[...])
      + rb2_ref[0, 0])
  coords = jnp.concatenate([rad * jnp.cos(ang), rad * jnp.sin(ang)], axis=1)
  o_ref[...] = coords
  s_ref[...] = jnp.concatenate(
      [jnp.sum(coords, axis=0, keepdims=True), jnp.zeros((7, 2), jnp.float32)])


def _center_body(c_ref, s_ref, o_ref):
  o_ref[...] = c_ref[...] - jnp.sum(s_ref[...], axis=0, keepdims=True) / N


_HEAD_BR = 1000


def _tc_head(h, p):
  full = lambda s: pl.BlockSpec(s, lambda i: (0,) * len(s))
  grid = N // _HEAD_BR
  args = (h, p['Wa'], p['ba'].reshape(1, 1),
          p['A1'], p['ab1'].reshape(1, 2 * H), p['ag1'].reshape(1, 2 * H),
          p['abe1'].reshape(1, 2 * H),
          p['A2'], p['ab2'].reshape(1, H), p['ag2'].reshape(1, H),
          p['abe2'].reshape(1, H),
          p['A3'], p['ab3'].reshape(1, 1),
          p['R1'], p['rb1'].reshape(1, H), p['rg1'].reshape(1, H),
          p['rbe1'].reshape(1, H),
          p['R2'], p['rb2'].reshape(1, 1))
  coords, sums = pl.pallas_call(
      _head_body,
      grid=(grid,),
      in_specs=[
          pl.BlockSpec((_HEAD_BR, H), lambda i: (i, 0)),
          full((H, 1)), full((1, 1)),
          full((H, 2 * H)), full((1, 2 * H)), full((1, 2 * H)),
          full((1, 2 * H)),
          full((2 * H, H)), full((1, H)), full((1, H)), full((1, H)),
          full((H, 1)), full((1, 1)),
          full((H, H)), full((1, H)), full((1, H)), full((1, H)),
          full((H, 1)), full((1, 1)),
      ],
      out_specs=[pl.BlockSpec((_HEAD_BR, 2), lambda i: (i, 0)),
                 pl.BlockSpec((8, 2), lambda i: (i, 0))],
      out_shape=[jax.ShapeDtypeStruct((N, 2), jnp.float32),
                 jax.ShapeDtypeStruct((grid * 8, 2), jnp.float32)],
  )(*args)
  return pl.pallas_call(
      _center_body,
      grid=(grid,),
      in_specs=[pl.BlockSpec((_HEAD_BR, 2), lambda i: (i, 0)),
                full((grid * 8, 2))],
      out_specs=pl.BlockSpec((_HEAD_BR, 2), lambda i: (i, 0)),
      out_shape=jax.ShapeDtypeStruct((N, 2), jnp.float32),
  )(coords, sums)


def kernel(x, edge_index, params):
  pad = E_PAD - E
  order = jnp.argsort(edge_index[1], stable=True)
  src = jnp.concatenate([edge_index[0][order], jnp.zeros((pad,), jnp.int32)])
  dst = jnp.concatenate([edge_index[1][order], jnp.full((pad,), N, jnp.int32)])
  srcr = src.reshape(NW, K, CH)
  dstr = dst.reshape(NW, K, CH)
  zeros = jnp.zeros((ACC_ROWS, H), jnp.float32)

  h = x
  for i, name in enumerate(('c1', 'c2', 'c3', 'c4')):
    partials = _sc_segsum(h, srcr, dstr, zeros)
    h = _tc_mlp(h, partials, params[name], residual=(i > 0))
  return _tc_head(h, params)

# --- scband reference (transcript-rebuilt; emitter-appended) ---
"""Pipeline reference for scband-gnn-model-gin-86045374808687 (READ-ONLY COPY).

The authoritative reference and input builder live on the scoring server;
editing this copy changes nothing except your own understanding.
"""

import jax, jax.numpy as jnp
import numpy as np

N = 10000
E = 320000
D = 128  # input_dim = max_nodes + 1
H = 128

def _ln(x, g, b):
    m = jnp.mean(x, axis=-1, keepdims=True)
    v = jnp.var(x, axis=-1, keepdims=True)
    return (x - m) / jnp.sqrt(v + 1e-5) * g + b

def _lin_init(key, fan_in, fan_out, gain=0.5):
    a = gain * np.sqrt(6.0 / (fan_in + fan_out))
    return jax.random.uniform(key, (fan_in, fan_out), minval=-a, maxval=a, dtype=jnp.float32)

def _gin_params(key, din, h):
    k = jax.random.split(key, 2)
    return {'W1': _lin_init(k[0], din, h), 'b1': jnp.zeros((h,), jnp.float32),
            'g1': jnp.ones((h,), jnp.float32), 'be1': jnp.zeros((h,), jnp.float32),
            'W2': _lin_init(k[1], h, h), 'b2': jnp.zeros((h,), jnp.float32),
            'eps': jnp.zeros((), jnp.float32)}

def _make_params(key):
    ks = jax.random.split(key, 10)
    return {'c1': _gin_params(ks[0], D, H), 'c2': _gin_params(ks[1], H, H),
            'c3': _gin_params(ks[2], H, H), 'c4': _gin_params(ks[3], H, H),
            'Wa': _lin_init(ks[4], H, 1), 'ba': jnp.zeros((1,), jnp.float32),
            'A1': _lin_init(ks[5], H, 2 * H), 'ab1': jnp.zeros((2 * H,), jnp.float32),
            'ag1': jnp.ones((2 * H,), jnp.float32), 'abe1': jnp.zeros((2 * H,), jnp.float32),
            'A2': _lin_init(ks[6], 2 * H, H), 'ab2': jnp.zeros((H,), jnp.float32),
            'ag2': jnp.ones((H,), jnp.float32), 'abe2': jnp.zeros((H,), jnp.float32),
            'A3': _lin_init(ks[7], H, 1), 'ab3': jnp.zeros((1,), jnp.float32),
            'R1': _lin_init(ks[8], H, H), 'rb1': jnp.zeros((H,), jnp.float32),
            'rg1': jnp.ones((H,), jnp.float32), 'rbe1': jnp.zeros((H,), jnp.float32),
            'R2': _lin_init(ks[9], H, 1), 'rb2': jnp.zeros((1,), jnp.float32)}

def _gin_nn(h, p):
    h = h @ p['W1'] + p['b1']
    h = _ln(h, p['g1'], p['be1'])
    h = jax.nn.relu(h)
    return h @ p['W2'] + p['b2']

def _gin_conv(x, edge_index, p):
    src = edge_index[0]
    dst = edge_index[1]
    agg = jax.ops.segment_sum(x[src], dst, num_segments=x.shape[0])
    return _gin_nn((1.0 + p['eps']) * x + agg, p)

def _forward(x, edge_index, params):
    # eval mode: dropout disabled
    h1 = jax.nn.relu(_gin_conv(x, edge_index, params['c1']))
    h2 = jax.nn.relu(_gin_conv(h1, edge_index, params['c2'])) + h1
    h3 = jax.nn.relu(_gin_conv(h2, edge_index, params['c3'])) + h2
    h4 = jax.nn.relu(_gin_conv(h3, edge_index, params['c4'])) + h3
    att = jax.nn.sigmoid(h4 @ params['Wa'] + params['ba'])
    hw = h4 * att
    a = _ln(hw @ params['A1'] + params['ab1'], params['ag1'], params['abe1'])
    a = jax.nn.relu(a)
    a = _ln(a @ params['A2'] + params['ab2'], params['ag2'], params['abe2'])
    a = jax.nn.relu(a)
    angles = jnp.tanh(a @ params['A3'] + params['ab3']) * jnp.pi
    r = _ln(hw @ params['R1'] + params['rb1'], params['rg1'], params['rbe1'])
    r = jax.nn.relu(r)
    radius = 0.9 + 0.2 * jax.nn.sigmoid(r @ params['R2'] + params['rb2'])
    ang = angles[:, 0]
    rad = radius[:, 0]
    coords = jnp.stack([rad * jnp.cos(ang), rad * jnp.sin(ang)], axis=1)
    return coords - jnp.mean(coords, axis=0, keepdims=True)

def setup_inputs(seed: int = 0):
    key = jax.random.key(seed)
    k1, k2, k3 = jax.random.split(key, 3)
    x = jax.random.normal(k1, (N, D), dtype=jnp.float32)
    edge_index = jax.random.randint(k2, (2, E), 0, N, dtype=jnp.int32)
    params = _make_params(k3)
    return {'x': x, 'edge_index': edge_index, 'params': params}

def reference(x, edge_index, params):
    return _forward(x, edge_index, params)

if __name__ == "__main__":
    import jax
    _d = setup_inputs()
    print(jax.jit(kernel)(*tuple(_d.values())))

</pallas_src>

<mosaic_0001>
#map = affine_map<(d0, d1) -> (0, 0)>
#map1 = affine_map<(d0, d1) -> (0, 0, 0)>
module attributes {stable_mosaic.version = 14 : i64} {
  func.func @_sc_segsum_body(%arg0: i32, %arg1: i32, %arg2: memref<10000x128xf32, #tpu.memory_space<hbm>>, %arg3: memref<32x80x128xi32, #tpu.memory_space<hbm>>, %arg4: memref<32x80x128xi32, #tpu.memory_space<hbm>>, %arg5: memref<10240x128xf32, #tpu.memory_space<hbm>>, %arg6: memref<2x10240x128xf32, #tpu.memory_space<hbm>>, %arg7: memref<80x128xi32, #tpu.memory_space<vmem>>, %arg8: memref<80x128xi32, #tpu.memory_space<vmem>>, %arg9: memref<128x128xf32, #tpu.memory_space<vmem>>, %arg10: memref<10240x128xf32, #tpu.memory_space<vmem_shared>>, %arg11: memref<!tpu.dma_semaphore, #tpu.memory_space<semaphore_mem>>) attributes {dimension_semantics = [#tpu.dimension_semantics<core_parallel>, #tpu.dimension_semantics<subcore_parallel>], iteration_bounds = array<i64: 2, 16>, scalar_prefetch = 0 : i64, scratch_operands = 5 : i64, tpu.core_type = #tpu.core_type<sc_vector_subcore>, window_params = [{transform_indices = #map}, {transform_indices = #map1}, {transform_indices = #map1}, {transform_indices = #map}, {transform_indices = #map1}]} {
    %mul3A = arith.constant 16 : i32
    %mul3A_0 = arith.muli %arg0, %mul3A : i32
    %add3A = arith.addi %mul3A_0, %arg1 : i32
    %mul3A_1 = arith.constant 640 : i32
    %mul3A_2 = arith.muli %arg1, %mul3A_1 : i32
    %mul3A_3 = arith.constant 640 : i32
    %mul3A_4 = arith.muli %arg1, %mul3A_3 : i32
    "tpu.region"() ({
      %run_scoped3A = tpu.sem_alloc : memref<!tpu.dma_semaphore, #tpu.memory_space<semaphore_mem>>
      %dma_start3A = arith.constant 0 : i32
      %dma_start3A_15 = tpu.memref_slice %arg10[%mul3A_4, %dma_start3A] : memref<10240x128xf32, #tpu.memory_space<vmem_shared>> -> memref<640x128xf32, #tpu.memory_space<vmem_shared>>
      %dma_start3A_16 = arith.constant 0 : i32
      %dma_start3A_17 = tpu.memref_slice %arg5[%mul3A_2, %dma_start3A_16] : memref<10240x128xf32, #tpu.memory_space<hbm>> -> memref<640x128xf32, #tpu.memory_space<hbm>>
      tpu.enqueue_dma source(%dma_start3A_17 : memref<640x128xf32, #tpu.memory_space<hbm>>) target(%dma_start3A_15 : memref<640x128xf32, #tpu.memory_space<vmem_shared>>) target_semaphore(%run_scoped3A : memref<!tpu.dma_semaphore, #tpu.memory_space<semaphore_mem>>)
      %dma_wait3A = arith.constant 0 : i32
      %dma_wait3A_18 = tpu.memref_slice %arg10[%mul3A_4, %dma_wait3A] : memref<10240x128xf32, #tpu.memory_space<vmem_shared>> -> memref<640x128xf32, #tpu.memory_space<vmem_shared>>
      %dma_wait3A_19 = arith.constant 0 : i32
      %dma_wait3A_20 = tpu.memref_slice %arg5[%mul3A_2, %dma_wait3A_19] : memref<10240x128xf32, #tpu.memory_space<hbm>> -> memref<640x128xf32, #tpu.memory_space<hbm>>
      tpu.wait_dma2 semaphore(%run_scoped3A : memref<!tpu.dma_semaphore, #tpu.memory_space<semaphore_mem>>) src(%dma_wait3A_20 : memref<640x128xf32, #tpu.memory_space<hbm>>) dst(%dma_wait3A_18 : memref<640x128xf32, #tpu.memory_space<vmem_shared>>)
      tpu.yield
    }) : () -> ()
    "tpu.region"() ({
      %run_scoped3A = tpu.sem_alloc : memref<!tpu.dma_semaphore, #tpu.memory_space<semaphore_mem>>
      %dma_start3A = arith.constant 0 : i32
      %dma_start3A_15 = arith.constant 0 : i32
      %dma_start3A_16 = tpu.memref_slice %arg3[%add3A, %dma_start3A, %dma_start3A_15] : memref<32x80x128xi32, #tpu.memory_space<hbm>> -> memref<1x80x128xi32, #tpu.memory_space<hbm>>
      %dma_start3A_17 = tpu.memref_squeeze %dma_start3A_16 : memref<1x80x128xi32, #tpu.memory_space<hbm>> -> memref<80x128xi32, #tpu.memory_space<hbm>>
      %dma_start3A_18 = arith.constant 0 : i32
      %dma_start3A_19 = arith.constant 0 : i32
      %dma_start3A_20 = tpu.memref_slice %arg3[%add3A, %dma_start3A_18, %dma_start3A_19] : memref<32x80x128xi32, #tpu.memory_space<hbm>> -> memref<1x80x128xi32, #tpu.memory_space<hbm>>
      %dma_start3A_21 = tpu.memref_squeeze %dma_start3A_20 : memref<1x80x128xi32, #tpu.memory_space<hbm>> -> memref<80x128xi32, #tpu.memory_space<hbm>>
      tpu.enqueue_dma source(%dma_start3A_21 : memref<80x128xi32, #tpu.memory_space<hbm>>) target(%arg7 : memref<80x128xi32, #tpu.memory_space<vmem>>) target_semaphore(%run_scoped3A : memref<!tpu.dma_semaphore, #tpu.memory_space<semaphore_mem>>)
      %dma_wait3A = arith.constant 0 : i32
      %dma_wait3A_22 = arith.constant 0 : i32
      %dma_wait3A_23 = tpu.memref_slice %arg3[%add3A, %dma_wait3A, %dma_wait3A_22] : memref<32x80x128xi32, #tpu.memory_space<hbm>> -> memref<1x80x128xi32, #tpu.memory_space<hbm>>
      %dma_wait3A_24 = tpu.memref_squeeze %dma_wait3A_23 : memref<1x80x128xi32, #tpu.memory_space<hbm>> -> memref<80x128xi32, #tpu.memory_space<hbm>>
      %dma_wait3A_25 = arith.constant 0 : i32
      %dma_wait3A_26 = arith.constant 0 : i32
      %dma_wait3A_27 = tpu.memref_slice %arg3[%add3A, %dma_wait3A_25, %dma_wait3A_26] : memref<32x80x128xi32, #tpu.memory_space<hbm>> -> memref<1x80x128xi32, #tpu.memory_space<hbm>>
      %dma_wait3A_28 = tpu.memref_squeeze %dma_wait3A_27 : memref<1x80x128xi32, #tpu.memory_space<hbm>> -> memref<80x128xi32, #tpu.memory_space<hbm>>
      tpu.wait_dma2 semaphore(%run_scoped3A : memref<!tpu.dma_semaphore, #tpu.memory_space<semaphore_mem>>) src(%dma_wait3A_28 : memref<80x128xi32, #tpu.memory_space<hbm>>) dst(%arg7 : memref<80x128xi32, #tpu.memory_space<vmem>>)
      tpu.yield
    }) : () -> ()
    "tpu.region"() ({
      %run_scoped3A = tpu.sem_alloc : memref<!tpu.dma_semaphore, #tpu.memory_space<semaphore_mem>>
      %dma_start3A = arith.constant 0 : i32
      %dma_start3A_15 = arith.constant 0 : i32
      %dma_start3A_16 = tpu.memref_slice %arg4[%add3A, %dma_start3A, %dma_start3A_15] : memref<32x80x128xi32, #tpu.memory_space<hbm>> -> memref<1x80x128xi32, #tpu.memory_space<hbm>>
      %dma_start3A_17 = tpu.memref_squeeze %dma_start3A_16 : memref<1x80x128xi32, #tpu.memory_space<hbm>> -> memref<80x128xi32, #tpu.memory_space<hbm>>
      %dma_start3A_18 = arith.constant 0 : i32
      %dma_start3A_19 = arith.constant 0 : i32
      %dma_start3A_20 = tpu.memref_slice %arg4[%add3A, %dma_start3A_18, %dma_start3A_19] : memref<32x80x128xi32, #tpu.memory_space<hbm>> -> memref<1x80x128xi32, #tpu.memory_space<hbm>>
      %dma_start3A_21 = tpu.memref_squeeze %dma_start3A_20 : memref<1x80x128xi32, #tpu.memory_space<hbm>> -> memref<80x128xi32, #tpu.memory_space<hbm>>
      tpu.enqueue_dma source(%dma_start3A_21 : memref<80x128xi32, #tpu.memory_space<hbm>>) target(%arg8 : memref<80x128xi32, #tpu.memory_space<vmem>>) target_semaphore(%run_scoped3A : memref<!tpu.dma_semaphore, #tpu.memory_space<semaphore_mem>>)
      %dma_wait3A = arith.constant 0 : i32
      %dma_wait3A_22 = arith.constant 0 : i32
      %dma_wait3A_23 = tpu.memref_slice %arg4[%add3A, %dma_wait3A, %dma_wait3A_22] : memref<32x80x128xi32, #tpu.memory_space<hbm>> -> memref<1x80x128xi32, #tpu.memory_space<hbm>>
      %dma_wait3A_24 = tpu.memref_squeeze %dma_wait3A_23 : memref<1x80x128xi32, #tpu.memory_space<hbm>> -> memref<80x128xi32, #tpu.memory_space<hbm>>
      %dma_wait3A_25 = arith.constant 0 : i32
      %dma_wait3A_26 = arith.constant 0 : i32
      %dma_wait3A_27 = tpu.memref_slice %arg4[%add3A, %dma_wait3A_25, %dma_wait3A_26] : memref<32x80x128xi32, #tpu.memory_space<hbm>> -> memref<1x80x128xi32, #tpu.memory_space<hbm>>
      %dma_wait3A_28 = tpu.memref_squeeze %dma_wait3A_27 : memref<1x80x128xi32, #tpu.memory_space<hbm>> -> memref<80x128xi32, #tpu.memory_space<hbm>>
      tpu.wait_dma2 semaphore(%run_scoped3A : memref<!tpu.dma_semaphore, #tpu.memory_space<semaphore_mem>>) src(%dma_wait3A_28 : memref<80x128xi32, #tpu.memory_space<hbm>>) dst(%arg8 : memref<80x128xi32, #tpu.memory_space<vmem>>)
      tpu.yield
    }) : () -> ()
    %barrier3A = arith.constant 0 : index
    tpu.barrier barrier_id(%barrier3A)
    %scan3A = arith.constant 0 : i32
    %scan3A_5 = arith.constant 0 : i32
    %scan3A_6 = arith.constant 80 : i32
    %scan3A_7 = arith.addi %scan3A_5, %scan3A_6 : i32
    %scan3A_8 = arith.constant 1 : i32
    scf.for %scan3A_15 = %scan3A_5 to %scan3A_7 step %scan3A_8  : i32 {
      %dma_start3A = arith.constant 0 : i32
      %dma_start3A_16 = tpu.memref_slice %arg7[%scan3A_15, %dma_start3A] : memref<80x128xi32, #tpu.memory_space<vmem>> -> memref<1x128xi32, #tpu.memory_space<vmem>>
      %dma_start3A_17 = tpu.memref_squeeze %dma_start3A_16 : memref<1x128xi32, #tpu.memory_space<vmem>> -> memref<128xi32, #tpu.memory_space<vmem>>
      %dma_start3A_18 = arith.constant 0 : i32
      %dma_start3A_19 = arith.constant 0 : i32
      %dma_start3A_20 = tpu.memref_slice %arg2[%dma_start3A_18, %dma_start3A_19] : memref<10000x128xf32, #tpu.memory_space<hbm>> -> memref<10000x128xf32, #tpu.memory_space<hbm>>
      tpu.enqueue_indirect_dma source(%dma_start3A_20 : memref<10000x128xf32, #tpu.memory_space<hbm>>) target(%arg9 : memref<128x128xf32, #tpu.memory_space<vmem>>) offsets(%dma_start3A_17 : memref<128xi32, #tpu.memory_space<vmem>>) semaphore(%arg11 : memref<!tpu.dma_semaphore, #tpu.memory_space<semaphore_mem>>)
      %dma_wait3A = arith.constant 0 : i32
      %dma_wait3A_21 = tpu.memref_slice %arg7[%scan3A_15, %dma_wait3A] : memref<80x128xi32, #tpu.memory_space<vmem>> -> memref<1x128xi32, #tpu.memory_space<vmem>>
      %dma_wait3A_22 = tpu.memref_squeeze %dma_wait3A_21 : memref<1x128xi32, #tpu.memory_space<vmem>> -> memref<128xi32, #tpu.memory_space<vmem>>
      %dma_wait3A_23 = arith.constant 0 : i32
      %dma_wait3A_24 = arith.constant 0 : i32
      %dma_wait3A_25 = tpu.memref_slice %arg2[%dma_wait3A_23, %dma_wait3A_24] : memref<10000x128xf32, #tpu.memory_space<hbm>> -> memref<10000x128xf32, #tpu.memory_space<hbm>>
      tpu.wait_indirect_dma semaphore(%arg11 : memref<!tpu.dma_semaphore, #tpu.memory_space<semaphore_mem>>) src(%dma_wait3A_25 : memref<10000x128xf32, #tpu.memory_space<hbm>>) dst(%arg9 : memref<128x128xf32, #tpu.memory_space<vmem>>)
      "tpu.region"() ({
        %run_scoped3A = tpu.sem_alloc : memref<!tpu.dma_semaphore, #tpu.memory_space<semaphore_mem>>
        %dma_start3A_26 = arith.constant 0 : i32
        %dma_start3A_27 = tpu.memref_slice %arg8[%scan3A_15, %dma_start3A_26] : memref<80x128xi32, #tpu.memory_space<vmem>> -> memref<1x128xi32, #tpu.memory_space<vmem>>
        %dma_start3A_28 = tpu.memref_squeeze %dma_start3A_27 : memref<1x128xi32, #tpu.memory_space<vmem>> -> memref<128xi32, #tpu.memory_space<vmem>>
        %dma_start3A_29 = arith.constant 0 : i32
        %dma_start3A_30 = arith.constant 0 : i32
        %dma_start3A_31 = tpu.memref_slice %arg10[%dma_start3A_29, %dma_start3A_30] : memref<10240x128xf32, #tpu.memory_space<vmem_shared>> -> memref<10240x128xf32, #tpu.memory_space<vmem_shared>>
        tpu.enqueue_indirect_dma source(%arg9 : memref<128x128xf32, #tpu.memory_space<vmem>>) target(%dma_start3A_31 : memref<10240x128xf32, #tpu.memory_space<vmem_shared>>) offsets(%dma_start3A_28 : memref<128xi32, #tpu.memory_space<vmem>>) semaphore(%run_scoped3A : memref<!tpu.dma_semaphore, #tpu.memory_space<semaphore_mem>>) {add = true}
        %dma_wait3A_32 = arith.constant 0 : i32
        %dma_wait3A_33 = tpu.memref_slice %arg8[%scan3A_15, %dma_wait3A_32] : memref<80x128xi32, #tpu.memory_space<vmem>> -> memref<1x128xi32, #tpu.memory_space<vmem>>
        %dma_wait3A_34 = tpu.memref_squeeze %dma_wait3A_33 : memref<1x128xi32, #tpu.memory_space<vmem>> -> memref<128xi32, #tpu.memory_space<vmem>>
        %dma_wait3A_35 = arith.constant 0 : i32
        %dma_wait3A_36 = arith.constant 0 : i32
        %dma_wait3A_37 = tpu.memref_slice %arg10[%dma_wait3A_35, %dma_wait3A_36] : memref<10240x128xf32, #tpu.memory_space<vmem_shared>> -> memref<10240x128xf32, #tpu.memory_space<vmem_shared>>
        tpu.wait_indirect_dma semaphore(%run_scoped3A : memref<!tpu.dma_semaphore, #tpu.memory_space<semaphore_mem>>) src(%arg9 : memref<128x128xf32, #tpu.memory_space<vmem>>) dst(%dma_wait3A_37 : memref<10240x128xf32, #tpu.memory_space<vmem_shared>>)
        tpu.yield
      }) : () -> ()
    }
    %scan3A_9 = arith.constant 80 : i32
    %barrier3A_10 = arith.constant 0 : index
    tpu.barrier barrier_id(%barrier3A_10)
    %mul3A_11 = arith.constant 640 : i32
    %mul3A_12 = arith.muli %arg1, %mul3A_11 : i32
    %mul3A_13 = arith.constant 640 : i32
    %mul3A_14 = arith.muli %arg1, %mul3A_13 : i32
    "tpu.region"() ({
      %run_scoped3A = tpu.sem_alloc : memref<!tpu.dma_semaphore, #tpu.memory_space<semaphore_mem>>
      %dma_start3A = arith.constant 0 : i32
      %dma_start3A_15 = tpu.memref_slice %arg6[%arg0, %mul3A_14, %dma_start3A] : memref<2x10240x128xf32, #tpu.memory_space<hbm>> -> memref<1x640x128xf32, #tpu.memory_space<hbm>>
      %dma_start3A_16 = tpu.memref_squeeze %dma_start3A_15 : memref<1x640x128xf32, #tpu.memory_space<hbm>> -> memref<640x128xf32, #tpu.memory_space<hbm>>
      %dma_start3A_17 = arith.constant 0 : i32
      %dma_start3A_18 = tpu.memref_slice %arg10[%mul3A_12, %dma_start3A_17] : memref<10240x128xf32, #tpu.memory_space<vmem_shared>> -> memref<640x128xf32, #tpu.memory_space<vmem_shared>>
      tpu.enqueue_dma source(%dma_start3A_18 : memref<640x128xf32, #tpu.memory_space<vmem_shared>>) target(%dma_start3A_16 : memref<640x128xf32, #tpu.memory_space<hbm>>) target_semaphore(%run_scoped3A : memref<!tpu.dma_semaphore, #tpu.memory_space<semaphore_mem>>)
      %dma_wait3A = arith.constant 0 : i32
      %dma_wait3A_19 = tpu.memref_slice %arg6[%arg0, %mul3A_14, %dma_wait3A] : memref<2x10240x128xf32, #tpu.memory_space<hbm>> -> memref<1x640x128xf32, #tpu.memory_space<hbm>>
      %dma_wait3A_20 = tpu.memref_squeeze %dma_wait3A_19 : memref<1x640x128xf32, #tpu.memory_space<hbm>> -> memref<640x128xf32, #tpu.memory_space<hbm>>
      %dma_wait3A_21 = arith.constant 0 : i32
      %dma_wait3A_22 = tpu.memref_slice %arg10[%mul3A_12, %dma_wait3A_21] : memref<10240x128xf32, #tpu.memory_space<vmem_shared>> -> memref<640x128xf32, #tpu.memory_space<vmem_shared>>
      tpu.wait_dma2 semaphore(%run_scoped3A : memref<!tpu.dma_semaphore, #tpu.memory_space<semaphore_mem>>) src(%dma_wait3A_22 : memref<640x128xf32, #tpu.memory_space<vmem_shared>>) dst(%dma_wait3A_20 : memref<640x128xf32, #tpu.memory_space<hbm>>)
      tpu.yield
    }) : () -> ()
    return
  }
}

#map = affine_map<(d0, d1) -> (0, 0)>
#map1 = affine_map<(d0, d1) -> (0, 0, 0)>
module attributes {stable_mosaic.version = 14 : i64} {
  func.func @_sc_segsum_body(%arg0: i32, %arg1: i32, %arg2: memref<10000x128xf32, #tpu.memory_space<hbm>>, %arg3: memref<32x80x128xi32, #tpu.memory_space<hbm>>, %arg4: memref<32x80x128xi32, #tpu.memory_space<hbm>>, %arg5: memref<10240x128xf32, #tpu.memory_space<hbm>>, %arg6: memref<2x10240x128xf32, #tpu.memory_space<hbm>>, %arg7: memref<80x128xi32, #tpu.memory_space<vmem>>, %arg8: memref<80x128xi32, #tpu.memory_space<vmem>>, %arg9: memref<128x128xf32, #tpu.memory_space<vmem>>, %arg10: memref<10240x128xf32, #tpu.memory_space<vmem_shared>>, %arg11: memref<!tpu.dma_semaphore, #tpu.memory_space<semaphore_mem>>) attributes {dimension_semantics = [#tpu.dimension_semantics<core_parallel>, #tpu.dimension_semantics<subcore_parallel>], iteration_bounds = array<i64: 2, 16>, scalar_prefetch = 0 : i64, scratch_operands = 5 : i64, tpu.core_type = #tpu.core_type<sc_vector_subcore>, window_params = [{transform_indices = #map}, {transform_indices = #map1}, {transform_indices = #map1}, {transform_indices = #map}, {transform_indices = #map1}]} {
    %mul3A = arith.constant 16 : i32
    %mul3A_0 = arith.muli %arg0, %mul3A : i32
    %add3A = arith.addi %mul3A_0, %arg1 : i32
    %mul3A_1 = arith.constant 640 : i32
    %mul3A_2 = arith.muli %arg1, %mul3A_1 : i32
    %mul3A_3 = arith.constant 640 : i32
    %mul3A_4 = arith.muli %arg1, %mul3A_3 : i32
    "tpu.region"() ({
      %run_scoped3A = tpu.sem_alloc : memref<!tpu.dma_semaphore, #tpu.memory_space<semaphore_mem>>
      %dma_start3A = arith.constant 0 : i32
      %dma_start3A_15 = tpu.memref_slice %arg10[%mul3A_4, %dma_start3A] : memref<10240x128xf32, #tpu.memory_space<vmem_shared>> -> memref<640x128xf32, #tpu.memory_space<vmem_shared>>
      %dma_start3A_16 = arith.constant 0 : i32
      %dma_start3A_17 = tpu.memref_slice %arg5[%mul3A_2, %dma_start3A_16] : memref<10240x128xf32, #tpu.memory_space<hbm>> -> memref<640x128xf32, #tpu.memory_space<hbm>>
      tpu.enqueue_dma source(%dma_start3A_17 : memref<640x128xf32, #tpu.memory_space<hbm>>) target(%dma_start3A_15 : memref<640x128xf32, #tpu.memory_space<vmem_shared>>) target_semaphore(%run_scoped3A : memref<!tpu.dma_semaphore, #tpu.memory_space<semaphore_mem>>)
      %dma_wait3A = arith.constant 0 : i32
      %dma_wait3A_18 = tpu.memref_slice %arg10[%mul3A_4, %dma_wait3A] : memref<10240x128xf32, #tpu.memory_space<vmem_shared>> -> memref<640x128xf32, #tpu.memory_space<vmem_shared>>
      %dma_wait3A_19 = arith.constant 0 : i32
      %dma_wait3A_20 = tpu.memref_slice %arg5[%mul3A_2, %dma_wait3A_19] : memref<10240x128xf32, #tpu.memory_space<hbm>> -> memref<640x128xf32, #tpu.memory_space<hbm>>
      tpu.wait_dma2 semaphore(%run_scoped3A : memref<!tpu.dma_semaphore, #tpu.memory_space<semaphore_mem>>) src(%dma_wait3A_20 : memref<640x128xf32, #tpu.memory_space<hbm>>) dst(%dma_wait3A_18 : memref<640x128xf32, #tpu.memory_space<vmem_shared>>)
      tpu.yield
    }) : () -> ()
    "tpu.region"() ({
      %run_scoped3A = tpu.sem_alloc : memref<!tpu.dma_semaphore, #tpu.memory_space<semaphore_mem>>
      %dma_start3A = arith.constant 0 : i32
      %dma_start3A_15 = arith.constant 0 : i32
      %dma_start3A_16 = tpu.memref_slice %arg3[%add3A, %dma_start3A, %dma_start3A_15] : memref<32x80x128xi32, #tpu.memory_space<hbm>> -> memref<1x80x128xi32, #tpu.memory_space<hbm>>
      %dma_start3A_17 = tpu.memref_squeeze %dma_start3A_16 : memref<1x80x128xi32, #tpu.memory_space<hbm>> -> memref<80x128xi32, #tpu.memory_space<hbm>>
      %dma_start3A_18 = arith.constant 0 : i32
      %dma_start3A_19 = arith.constant 0 : i32
      %dma_start3A_20 = tpu.memref_slice %arg3[%add3A, %dma_start3A_18, %dma_start3A_19] : memref<32x80x128xi32, #tpu.memory_space<hbm>> -> memref<1x80x128xi32, #tpu.memory_space<hbm>>
      %dma_start3A_21 = tpu.memref_squeeze %dma_start3A_20 : memref<1x80x128xi32, #tpu.memory_space<hbm>> -> memref<80x128xi32, #tpu.memory_space<hbm>>
      tpu.enqueue_dma source(%dma_start3A_21 : memref<80x128xi32, #tpu.memory_space<hbm>>) target(%arg7 : memref<80x128xi32, #tpu.memory_space<vmem>>) target_semaphore(%run_scoped3A : memref<!tpu.dma_semaphore, #tpu.memory_space<semaphore_mem>>)
      %dma_wait3A = arith.constant 0 : i32
      %dma_wait3A_22 = arith.constant 0 : i32
      %dma_wait3A_23 = tpu.memref_slice %arg3[%add3A, %dma_wait3A, %dma_wait3A_22] : memref<32x80x128xi32, #tpu.memory_space<hbm>> -> memref<1x80x128xi32, #tpu.memory_space<hbm>>
      %dma_wait3A_24 = tpu.memref_squeeze %dma_wait3A_23 : memref<1x80x128xi32, #tpu.memory_space<hbm>> -> memref<80x128xi32, #tpu.memory_space<hbm>>
      %dma_wait3A_25 = arith.constant 0 : i32
      %dma_wait3A_26 = arith.constant 0 : i32
      %dma_wait3A_27 = tpu.memref_slice %arg3[%add3A, %dma_wait3A_25, %dma_wait3A_26] : memref<32x80x128xi32, #tpu.memory_space<hbm>> -> memref<1x80x128xi32, #tpu.memory_space<hbm>>
      %dma_wait3A_28 = tpu.memref_squeeze %dma_wait3A_27 : memref<1x80x128xi32, #tpu.memory_space<hbm>> -> memref<80x128xi32, #tpu.memory_space<hbm>>
      tpu.wait_dma2 semaphore(%run_scoped3A : memref<!tpu.dma_semaphore, #tpu.memory_space<semaphore_mem>>) src(%dma_wait3A_28 : memref<80x128xi32, #tpu.memory_space<hbm>>) dst(%arg7 : memref<80x128xi32, #tpu.memory_space<vmem>>)
      tpu.yield
    }) : () -> ()
    "tpu.region"() ({
      %run_scoped3A = tpu.sem_alloc : memref<!tpu.dma_semaphore, #tpu.memory_space<semaphore_mem>>
      %dma_start3A = arith.constant 0 : i32
      %dma_start3A_15 = arith.constant 0 : i32
      %dma_start3A_16 = tpu.memref_slice %arg4[%add3A, %dma_start3A, %dma_start3A_15] : memref<32x80x128xi32, #tpu.memory_space<hbm>> -> memref<1x80x128xi32, #tpu.memory_space<hbm>>
      %dma_start3A_17 = tpu.memref_squeeze %dma_start3A_16 : memref<1x80x128xi32, #tpu.memory_space<hbm>> -> memref<80x128xi32, #tpu.memory_space<hbm>>
      %dma_start3A_18 = arith.constant 0 : i32
      %dma_start3A_19 = arith.constant 0 : i32
      %dma_start3A_20 = tpu.memref_slice %arg4[%add3A, %dma_start3A_18, %dma_start3A_19] : memref<32x80x128xi32, #tpu.memory_space<hbm>> -> memref<1x80x128xi32, #tpu.memory_space<hbm>>
      %dma_start3A_21 = tpu.memref_squeeze %dma_start3A_20 : memref<1x80x128xi32, #tpu.memory_space<hbm>> -> memref<80x128xi32, #tpu.memory_space<hbm>>
      tpu.enqueue_dma source(%dma_start3A_21 : memref<80x128xi32, #tpu.memory_space<hbm>>) target(%arg8 : memref<80x128xi32, #tpu.memory_space<vmem>>) target_semaphore(%run_scoped3A : memref<!tpu.dma_semaphore, #tpu.memory_space<semaphore_mem>>)
      %dma_wait3A = arith.constant 0 : i32
      %dma_wait3A_22 = arith.constant 0 : i32
      %dma_wait3A_23 = tpu.memref_slice %arg4[%add3A, %dma_wait3A, %dma_wait3A_22] : memref<32x80x128xi32, #tpu.memory_space<hbm>> -> memref<1x80x128xi32, #tpu.memory_space<hbm>>
      %dma_wait3A_24 = tpu.memref_squeeze %dma_wait3A_23 : memref<1x80x128xi32, #tpu.memory_space<hbm>> -> memref<80x128xi32, #tpu.memory_space<hbm>>
      %dma_wait3A_25 = arith.constant 0 : i32
      %dma_wait3A_26 = arith.constant 0 : i32
      %dma_wait3A_27 = tpu.memref_slice %arg4[%add3A, %dma_wait3A_25, %dma_wait3A_26] : memref<32x80x128xi32, #tpu.memory_space<hbm>> -> memref<1x80x128xi32, #tpu.memory_space<hbm>>
      %dma_wait3A_28 = tpu.memref_squeeze %dma_wait3A_27 : memref<1x80x128xi32, #tpu.memory_space<hbm>> -> memref<80x128xi32, #tpu.memory_space<hbm>>
      tpu.wait_dma2 semaphore(%run_scoped3A : memref<!tpu.dma_semaphore, #tpu.memory_space<semaphore_mem>>) src(%dma_wait3A_28 : memref<80x128xi32, #tpu.memory_space<hbm>>) dst(%arg8 : memref<80x128xi32, #tpu.memory_space<vmem>>)
      tpu.yield
    }) : () -> ()
    %barrier3A = arith.constant 0 : index
    tpu.barrier barrier_id(%barrier3A)
    %scan3A = arith.constant 0 : i32
    %scan3A_5 = arith.constant 0 : i32
    %scan3A_6 = arith.constant 80 : i32
    %scan3A_7 = arith.addi %scan3A_5, %scan3A_6 : i32
    %scan3A_8 = arith.constant 1 : i32
    scf.for %scan3A_15 = %scan3A_5 to %scan3A_7 step %scan3A_8  : i32 {
      %dma_start3A = arith.constant 0 : i32
      %dma_start3A_16 = tpu.memref_slice %arg7[%scan3A_15, %dma_start3A] : memref<80x128xi32, #tpu.memory_space<vmem>> -> memref<1x128xi32, #tpu.memory_space<vmem>>
      %dma_start3A_17 = tpu.memref_squeeze %dma_start3A_16 : memref<1x128xi32, #tpu.memory_space<vmem>> -> memref<128xi32, #tpu.memory_space<vmem>>
      %dma_start3A_18 = arith.constant 0 : i32
      %dma_start3A_19 = arith.constant 0 : i32
      %dma_start3A_20 = tpu.memref_slice %arg2[%dma_start3A_18, %dma_start3A_19] : memref<10000x128xf32, #tpu.memory_space<hbm>> -> memref<10000x128xf32, #tpu.memory_space<hbm>>
      tpu.enqueue_indirect_dma source(%dma_start3A_20 : memref<10000x128xf32, #tpu.memory_space<hbm>>) target(%arg9 : memref<128x128xf32, #tpu.memory_space<vmem>>) offsets(%dma_start3A_17 : memref<128xi32, #tpu.memory_space<vmem>>) semaphore(%arg11 : memref<!tpu.dma_semaphore, #tpu.memory_space<semaphore_mem>>)
      %dma_wait3A = arith.constant 0 : i32
      %dma_wait3A_21 = tpu.memref_slice %arg7[%scan3A_15, %dma_wait3A] : memref<80x128xi32, #tpu.memory_space<vmem>> -> memref<1x128xi32, #tpu.memory_space<vmem>>
      %dma_wait3A_22 = tpu.memref_squeeze %dma_wait3A_21 : memref<1x128xi32, #tpu.memory_space<vmem>> -> memref<128xi32, #tpu.memory_space<vmem>>
      %dma_wait3A_23 = arith.constant 0 : i32
      %dma_wait3A_24 = arith.constant 0 : i32
      %dma_wait3A_25 = tpu.memref_slice %arg2[%dma_wait3A_23, %dma_wait3A_24] : memref<10000x128xf32, #tpu.memory_space<hbm>> -> memref<10000x128xf32, #tpu.memory_space<hbm>>
      tpu.wait_indirect_dma semaphore(%arg11 : memref<!tpu.dma_semaphore, #tpu.memory_space<semaphore_mem>>) src(%dma_wait3A_25 : memref<10000x128xf32, #tpu.memory_space<hbm>>) dst(%arg9 : memref<128x128xf32, #tpu.memory_space<vmem>>)
      "tpu.region"() ({
        %run_scoped3A = tpu.sem_alloc : memref<!tpu.dma_semaphore, #tpu.memory_space<semaphore_mem>>
        %dma_start3A_26 = arith.constant 0 : i32
        %dma_start3A_27 = tpu.memref_slice %arg8[%scan3A_15, %dma_start3A_26] : memref<80x128xi32, #tpu.memory_space<vmem>> -> memref<1x128xi32, #tpu.memory_space<vmem>>
        %dma_start3A_28 = tpu.memref_squeeze %dma_start3A_27 : memref<1x128xi32, #tpu.memory_space<vmem>> -> memref<128xi32, #tpu.memory_space<vmem>>
        %dma_start3A_29 = arith.constant 0 : i32
        %dma_start3A_30 = arith.constant 0 : i32
        %dma_start3A_31 = tpu.memref_slice %arg10[%dma_start3A_29, %dma_start3A_30] : memref<10240x128xf32, #tpu.memory_space<vmem_shared>> -> memref<10240x128xf32, #tpu.memory_space<vmem_shared>>
        tpu.enqueue_indirect_dma source(%arg9 : memref<128x128xf32, #tpu.memory_space<vmem>>) target(%dma_start3A_31 : memref<10240x128xf32, #tpu.memory_space<vmem_shared>>) offsets(%dma_start3A_28 : memref<128xi32, #tpu.memory_space<vmem>>) semaphore(%run_scoped3A : memref<!tpu.dma_semaphore, #tpu.memory_space<semaphore_mem>>) {add = true}
        %dma_wait3A_32 = arith.constant 0 : i32
        %dma_wait3A_33 = tpu.memref_slice %arg8[%scan3A_15, %dma_wait3A_32] : memref<80x128xi32, #tpu.memory_space<vmem>> -> memref<1x128xi32, #tpu.memory_space<vmem>>
        %dma_wait3A_34 = tpu.memref_squeeze %dma_wait3A_33 : memref<1x128xi32, #tpu.memory_space<vmem>> -> memref<128xi32, #tpu.memory_space<vmem>>
        %dma_wait3A_35 = arith.constant 0 : i32
        %dma_wait3A_36 = arith.constant 0 : i32
        %dma_wait3A_37 = tpu.memref_slice %arg10[%dma_wait3A_35, %dma_wait3A_36] : memref<10240x128xf32, #tpu.memory_space<vmem_shared>> -> memref<10240x128xf32, #tpu.memory_space<vmem_shared>>
        tpu.wait_indirect_dma semaphore(%run_scoped3A : memref<!tpu.dma_semaphore, #tpu.memory_space<semaphore_mem>>) src(%arg9 : memref<128x128xf32, #tpu.memory_space<vmem>>) dst(%dma_wait3A_37 : memref<10240x128xf32, #tpu.memory_space<vmem_shared>>)
        tpu.yield
      }) : () -> ()
    }
    %scan3A_9 = arith.constant 80 : i32
    %barrier3A_10 = arith.constant 0 : index
    tpu.barrier barrier_id(%barrier3A_10)
    %mul3A_11 = arith.constant 640 : i32
    %mul3A_12 = arith.muli %arg1, %mul3A_11 : i32
    %mul3A_13 = arith.constant 640 : i32
    %mul3A_14 = arith.muli %arg1, %mul3A_13 : i32
    "tpu.region"() ({
      %run_scoped3A = tpu.sem_alloc : memref<!tpu.dma_semaphore, #tpu.memory_space<semaphore_mem>>
      %dma_start3A = arith.constant 0 : i32
      %dma_start3A_15 = tpu.memref_slice %arg6[%arg0, %mul3A_14, %dma_start3A] : memref<2x10240x128xf32, #tpu.memory_space<hbm>> -> memref<1x640x128xf32, #tpu.memory_space<hbm>>
      %dma_start3A_16 = tpu.memref_squeeze %dma_start3A_15 : memref<1x640x128xf32, #tpu.memory_space<hbm>> -> memref<640x128xf32, #tpu.memory_space<hbm>>
      %dma_start3A_17 = arith.constant 0 : i32
      %dma_start3A_18 = tpu.memref_slice %arg10[%mul3A_12, %dma_start3A_17] : memref<10240x128xf32, #tpu.memory_space<vmem_shared>> -> memref<640x128xf32, #tpu.memory_space<vmem_shared>>
      tpu.enqueue_dma source(%dma_start3A_18 : memref<640x128xf32, #tpu.memory_space<vmem_shared>>) target(%dma_start3A_16 : memref<640x128xf32, #tpu.memory_space<hbm>>) target_semaphore(%run_scoped3A : memref<!tpu.dma_semaphore, #tpu.memory_space<semaphore_mem>>)
      %dma_wait3A = arith.constant 0 : i32
      %dma_wait3A_19 = tpu.memref_slice %arg6[%arg0, %mul3A_14, %dma_wait3A] : memref<2x10240x128xf32, #tpu.memory_space<hbm>> -> memref<1x640x128xf32, #tpu.memory_space<hbm>>
      %dma_wait3A_20 = tpu.memref_squeeze %dma_wait3A_19 : memref<1x640x128xf32, #tpu.memory_space<hbm>> -> memref<640x128xf32, #tpu.memory_space<hbm>>
      %dma_wait3A_21 = arith.constant 0 : i32
      %dma_wait3A_22 = tpu.memref_slice %arg10[%mul3A_12, %dma_wait3A_21] : memref<10240x128xf32, #tpu.memory_space<vmem_shared>> -> memref<640x128xf32, #tpu.memory_space<vmem_shared>>
      tpu.wait_dma2 semaphore(%run_scoped3A : memref<!tpu.dma_semaphore, #tpu.memory_space<semaphore_mem>>) src(%dma_wait3A_22 : memref<640x128xf32, #tpu.memory_space<vmem_shared>>) dst(%dma_wait3A_20 : memref<640x128xf32, #tpu.memory_space<hbm>>)
      tpu.yield
    }) : () -> ()
    return
  }
}

#map = affine_map<(d0, d1) -> (0, 0)>
#map1 = affine_map<(d0, d1) -> (0, 0, 0)>
module attributes {stable_mosaic.version = 14 : i64} {
  func.func @_sc_segsum_body(%arg0: i32, %arg1: i32, %arg2: memref<10000x128xf32, #tpu.memory_space<hbm>>, %arg3: memref<32x80x128xi32, #tpu.memory_space<hbm>>, %arg4: memref<32x80x128xi32, #tpu.memory_space<hbm>>, %arg5: memref<10240x128xf32, #tpu.memory_space<hbm>>, %arg6: memref<2x10240x128xf32, #tpu.memory_space<hbm>>, %arg7: memref<80x128xi32, #tpu.memory_space<vmem>>, %arg8: memref<80x128xi32, #tpu.memory_space<vmem>>, %arg9: memref<128x128xf32, #tpu.memory_space<vmem>>, %arg10: memref<10240x128xf32, #tpu.memory_space<vmem_shared>>, %arg11: memref<!tpu.dma_semaphore, #tpu.memory_space<semaphore_mem>>) attributes {dimension_semantics = [#tpu.dimension_semantics<core_parallel>, #tpu.dimension_semantics<subcore_parallel>], iteration_bounds = array<i64: 2, 16>, scalar_prefetch = 0 : i64, scratch_operands = 5 : i64, tpu.core_type = #tpu.core_type<sc_vector_subcore>, window_params = [{transform_indices = #map}, {transform_indices = #map1}, {transform_indices = #map1}, {transform_indices = #map}, {transform_indices = #map1}]} {
    %mul3A = arith.constant 16 : i32
    %mul3A_0 = arith.muli %arg0, %mul3A : i32
    %add3A = arith.addi %mul3A_0, %arg1 : i32
    %mul3A_1 = arith.constant 640 : i32
    %mul3A_2 = arith.muli %arg1, %mul3A_1 : i32
    %mul3A_3 = arith.constant 640 : i32
    %mul3A_4 = arith.muli %arg1, %mul3A_3 : i32
    "tpu.region"() ({
      %run_scoped3A = tpu.sem_alloc : memref<!tpu.dma_semaphore, #tpu.memory_space<semaphore_mem>>
      %dma_start3A = arith.constant 0 : i32
      %dma_start3A_15 = tpu.memref_slice %arg10[%mul3A_4, %dma_start3A] : memref<10240x128xf32, #tpu.memory_space<vmem_shared>> -> memref<640x128xf32, #tpu.memory_space<vmem_shared>>
      %dma_start3A_16 = arith.constant 0 : i32
      %dma_start3A_17 = tpu.memref_slice %arg5[%mul3A_2, %dma_start3A_16] : memref<10240x128xf32, #tpu.memory_space<hbm>> -> memref<640x128xf32, #tpu.memory_space<hbm>>
      tpu.enqueue_dma source(%dma_start3A_17 : memref<640x128xf32, #tpu.memory_space<hbm>>) target(%dma_start3A_15 : memref<640x128xf32, #tpu.memory_space<vmem_shared>>) target_semaphore(%run_scoped3A : memref<!tpu.dma_semaphore, #tpu.memory_space<semaphore_mem>>)
      %dma_wait3A = arith.constant 0 : i32
      %dma_wait3A_18 = tpu.memref_slice %arg10[%mul3A_4, %dma_wait3A] : memref<10240x128xf32, #tpu.memory_space<vmem_shared>> -> memref<640x128xf32, #tpu.memory_space<vmem_shared>>
      %dma_wait3A_19 = arith.constant 0 : i32
      %dma_wait3A_20 = tpu.memref_slice %arg5[%mul3A_2, %dma_wait3A_19] : memref<10240x128xf32, #tpu.memory_space<hbm>> -> memref<640x128xf32, #tpu.memory_space<hbm>>
      tpu.wait_dma2 semaphore(%run_scoped3A : memref<!tpu.dma_semaphore, #tpu.memory_space<semaphore_mem>>) src(%dma_wait3A_20 : memref<640x128xf32, #tpu.memory_space<hbm>>) dst(%dma_wait3A_18 : memref<640x128xf32, #tpu.memory_space<vmem_shared>>)
      tpu.yield
    }) : () -> ()
    "tpu.region"() ({
      %run_scoped3A = tpu.sem_alloc : memref<!tpu.dma_semaphore, #tpu.memory_space<semaphore_mem>>
      %dma_start3A = arith.constant 0 : i32
      %dma_start3A_15 = arith.constant 0 : i32
      %dma_start3A_16 = tpu.memref_slice %arg3[%add3A, %dma_start3A, %dma_start3A_15] : memref<32x80x128xi32, #tpu.memory_space<hbm>> -> memref<1x80x128xi32, #tpu.memory_space<hbm>>
      %dma_start3A_17 = tpu.memref_squeeze %dma_start3A_16 : memref<1x80x128xi32, #tpu.memory_space<hbm>> -> memref<80x128xi32, #tpu.memory_space<hbm>>
      %dma_start3A_18 = arith.constant 0 : i32
      %dma_start3A_19 = arith.constant 0 : i32
      %dma_start3A_20 = tpu.memref_slice %arg3[%add3A, %dma_start3A_18, %dma_start3A_19] : memref<32x80x128xi32, #tpu.memory_space<hbm>> -> memref<1x80x128xi32, #tpu.memory_space<hbm>>
      %dma_start3A_21 = tpu.memref_squeeze %dma_start3A_20 : memref<1x80x128xi32, #tpu.memory_space<hbm>> -> memref<80x128xi32, #tpu.memory_space<hbm>>
      tpu.enqueue_dma source(%dma_start3A_21 : memref<80x128xi32, #tpu.memory_space<hbm>>) target(%arg7 : memref<80x128xi32, #tpu.memory_space<vmem>>) target_semaphore(%run_scoped3A : memref<!tpu.dma_semaphore, #tpu.memory_space<semaphore_mem>>)
      %dma_wait3A = arith.constant 0 : i32
      %dma_wait3A_22 = arith.constant 0 : i32
      %dma_wait3A_23 = tpu.memref_slice %arg3[%add3A, %dma_wait3A, %dma_wait3A_22] : memref<32x80x128xi32, #tpu.memory_space<hbm>> -> memref<1x80x128xi32, #tpu.memory_space<hbm>>
      %dma_wait3A_24 = tpu.memref_squeeze %dma_wait3A_23 : memref<1x80x128xi32, #tpu.memory_space<hbm>> -> memref<80x128xi32, #tpu.memory_space<hbm>>
      %dma_wait3A_25 = arith.constant 0 : i32
      %dma_wait3A_26 = arith.constant 0 : i32
      %dma_wait3A_27 = tpu.memref_slice %arg3[%add3A, %dma_wait3A_25, %dma_wait3A_26] : memref<32x80x128xi32, #tpu.memory_space<hbm>> -> memref<1x80x128xi32, #tpu.memory_space<hbm>>
      %dma_wait3A_28 = tpu.memref_squeeze %dma_wait3A_27 : memref<1x80x128xi32, #tpu.memory_space<hbm>> -> memref<80x128xi32, #tpu.memory_space<hbm>>
      tpu.wait_dma2 semaphore(%run_scoped3A : memref<!tpu.dma_semaphore, #tpu.memory_space<semaphore_mem>>) src(%dma_wait3A_28 : memref<80x128xi32, #tpu.memory_space<hbm>>) dst(%arg7 : memref<80x128xi32, #tpu.memory_space<vmem>>)
      tpu.yield
    }) : () -> ()
    "tpu.region"() ({
      %run_scoped3A = tpu.sem_alloc : memref<!tpu.dma_semaphore, #tpu.memory_space<semaphore_mem>>
      %dma_start3A = arith.constant 0 : i32
      %dma_start3A_15 = arith.constant 0 : i32
      %dma_start3A_16 = tpu.memref_slice %arg4[%add3A, %dma_start3A, %dma_start3A_15] : memref<32x80x128xi32, #tpu.memory_space<hbm>> -> memref<1x80x128xi32, #tpu.memory_space<hbm>>
      %dma_start3A_17 = tpu.memref_squeeze %dma_start3A_16 : memref<1x80x128xi32, #tpu.memory_space<hbm>> -> memref<80x128xi32, #tpu.memory_space<hbm>>
      %dma_start3A_18 = arith.constant 0 : i32
      %dma_start3A_19 = arith.constant 0 : i32
      %dma_start3A_20 = tpu.memref_slice %arg4[%add3A, %dma_start3A_18, %dma_start3A_19] : memref<32x80x128xi32, #tpu.memory_space<hbm>> -> memref<1x80x128xi32, #tpu.memory_space<hbm>>
      %dma_start3A_21 = tpu.memref_squeeze %dma_start3A_20 : memref<1x80x128xi32, #tpu.memory_space<hbm>> -> memref<80x128xi32, #tpu.memory_space<hbm>>
      tpu.enqueue_dma source(%dma_start3A_21 : memref<80x128xi32, #tpu.memory_space<hbm>>) target(%arg8 : memref<80x128xi32, #tpu.memory_space<vmem>>) target_semaphore(%run_scoped3A : memref<!tpu.dma_semaphore, #tpu.memory_space<semaphore_mem>>)
      %dma_wait3A = arith.constant 0 : i32
      %dma_wait3A_22 = arith.constant 0 : i32
      %dma_wait3A_23 = tpu.memref_slice %arg4[%add3A, %dma_wait3A, %dma_wait3A_22] : memref<32x80x128xi32, #tpu.memory_space<hbm>> -> memref<1x80x128xi32, #tpu.memory_space<hbm>>
      %dma_wait3A_24 = tpu.memref_squeeze %dma_wait3A_23 : memref<1x80x128xi32, #tpu.memory_space<hbm>> -> memref<80x128xi32, #tpu.memory_space<hbm>>
      %dma_wait3A_25 = arith.constant 0 : i32
      %dma_wait3A_26 = arith.constant 0 : i32
      %dma_wait3A_27 = tpu.memref_slice %arg4[%add3A, %dma_wait3A_25, %dma_wait3A_26] : memref<32x80x128xi32, #tpu.memory_space<hbm>> -> memref<1x80x128xi32, #tpu.memory_space<hbm>>
      %dma_wait3A_28 = tpu.memref_squeeze %dma_wait3A_27 : memref<1x80x128xi32, #tpu.memory_space<hbm>> -> memref<80x128xi32, #tpu.memory_space<hbm>>
      tpu.wait_dma2 semaphore(%run_scoped3A : memref<!tpu.dma_semaphore, #tpu.memory_space<semaphore_mem>>) src(%dma_wait3A_28 : memref<80x128xi32, #tpu.memory_space<hbm>>) dst(%arg8 : memref<80x128xi32, #tpu.memory_space<vmem>>)
      tpu.yield
    }) : () -> ()
    %barrier3A = arith.constant 0 : index
    tpu.barrier barrier_id(%barrier3A)
    %scan3A = arith.constant 0 : i32
    %scan3A_5 = arith.constant 0 : i32
    %scan3A_6 = arith.constant 80 : i32
    %scan3A_7 = arith.addi %scan3A_5, %scan3A_6 : i32
    %scan3A_8 = arith.constant 1 : i32
    scf.for %scan3A_15 = %scan3A_5 to %scan3A_7 step %scan3A_8  : i32 {
      %dma_start3A = arith.constant 0 : i32
      %dma_start3A_16 = tpu.memref_slice %arg7[%scan3A_15, %dma_start3A] : memref<80x128xi32, #tpu.memory_space<vmem>> -> memref<1x128xi32, #tpu.memory_space<vmem>>
      %dma_start3A_17 = tpu.memref_squeeze %dma_start3A_16 : memref<1x128xi32, #tpu.memory_space<vmem>> -> memref<128xi32, #tpu.memory_space<vmem>>
      %dma_start3A_18 = arith.constant 0 : i32
      %dma_start3A_19 = arith.constant 0 : i32
      %dma_start3A_20 = tpu.memref_slice %arg2[%dma_start3A_18, %dma_start3A_19] : memref<10000x128xf32, #tpu.memory_space<hbm>> -> memref<10000x128xf32, #tpu.memory_space<hbm>>
      tpu.enqueue_indirect_dma source(%dma_start3A_20 : memref<10000x128xf32, #tpu.memory_space<hbm>>) target(%arg9 : memref<128x128xf32, #tpu.memory_space<vmem>>) offsets(%dma_start3A_17 : memref<128xi32, #tpu.memory_space<vmem>>) semaphore(%arg11 : memref<!tpu.dma_semaphore, #tpu.memory_space<semaphore_mem>>)
      %dma_wait3A = arith.constant 0 : i32
      %dma_wait3A_21 = tpu.memref_slice %arg7[%scan3A_15, %dma_wait3A] : memref<80x128xi32, #tpu.memory_space<vmem>> -> memref<1x128xi32, #tpu.memory_space<vmem>>
      %dma_wait3A_22 = tpu.memref_squeeze %dma_wait3A_21 : memref<1x128xi32, #tpu.memory_space<vmem>> -> memref<128xi32, #tpu.memory_space<vmem>>
      %dma_wait3A_23 = arith.constant 0 : i32
      %dma_wait3A_24 = arith.constant 0 : i32
      %dma_wait3A_25 = tpu.memref_slice %arg2[%dma_wait3A_23, %dma_wait3A_24] : memref<10000x128xf32, #tpu.memory_space<hbm>> -> memref<10000x128xf32, #tpu.memory_space<hbm>>
      tpu.wait_indirect_dma semaphore(%arg11 : memref<!tpu.dma_semaphore, #tpu.memory_space<semaphore_mem>>) src(%dma_wait3A_25 : memref<10000x128xf32, #tpu.memory_space<hbm>>) dst(%arg9 : memref<128x128xf32, #tpu.memory_space<vmem>>)
      "tpu.region"() ({
        %run_scoped3A = tpu.sem_alloc : memref<!tpu.dma_semaphore, #tpu.memory_space<semaphore_mem>>
        %dma_start3A_26 = arith.constant 0 : i32
        %dma_start3A_27 = tpu.memref_slice %arg8[%scan3A_15, %dma_start3A_26] : memref<80x128xi32, #tpu.memory_space<vmem>> -> memref<1x128xi32, #tpu.memory_space<vmem>>
        %dma_start3A_28 = tpu.memref_squeeze %dma_start3A_27 : memref<1x128xi32, #tpu.memory_space<vmem>> -> memref<128xi32, #tpu.memory_space<vmem>>
        %dma_start3A_29 = arith.constant 0 : i32
        %dma_start3A_30 = arith.constant 0 : i32
        %dma_start3A_31 = tpu.memref_slice %arg10[%dma_start3A_29, %dma_start3A_30] : memref<10240x128xf32, #tpu.memory_space<vmem_shared>> -> memref<10240x128xf32, #tpu.memory_space<vmem_shared>>
        tpu.enqueue_indirect_dma source(%arg9 : memref<128x128xf32, #tpu.memory_space<vmem>>) target(%dma_start3A_31 : memref<10240x128xf32, #tpu.memory_space<vmem_shared>>) offsets(%dma_start3A_28 : memref<128xi32, #tpu.memory_space<vmem>>) semaphore(%run_scoped3A : memref<!tpu.dma_semaphore, #tpu.memory_space<semaphore_mem>>) {add = true}
        %dma_wait3A_32 = arith.constant 0 : i32
        %dma_wait3A_33 = tpu.memref_slice %arg8[%scan3A_15, %dma_wait3A_32] : memref<80x128xi32, #tpu.memory_space<vmem>> -> memref<1x128xi32, #tpu.memory_space<vmem>>
        %dma_wait3A_34 = tpu.memref_squeeze %dma_wait3A_33 : memref<1x128xi32, #tpu.memory_space<vmem>> -> memref<128xi32, #tpu.memory_space<vmem>>
        %dma_wait3A_35 = arith.constant 0 : i32
        %dma_wait3A_36 = arith.constant 0 : i32
        %dma_wait3A_37 = tpu.memref_slice %arg10[%dma_wait3A_35, %dma_wait3A_36] : memref<10240x128xf32, #tpu.memory_space<vmem_shared>> -> memref<10240x128xf32, #tpu.memory_space<vmem_shared>>
        tpu.wait_indirect_dma semaphore(%run_scoped3A : memref<!tpu.dma_semaphore, #tpu.memory_space<semaphore_mem>>) src(%arg9 : memref<128x128xf32, #tpu.memory_space<vmem>>) dst(%dma_wait3A_37 : memref<10240x128xf32, #tpu.memory_space<vmem_shared>>)
        tpu.yield
      }) : () -> ()
    }
    %scan3A_9 = arith.constant 80 : i32
    %barrier3A_10 = arith.constant 0 : index
    tpu.barrier barrier_id(%barrier3A_10)
    %mul3A_11 = arith.constant 640 : i32
    %mul3A_12 = arith.muli %arg1, %mul3A_11 : i32
    %mul3A_13 = arith.constant 640 : i32
    %mul3A_14 = arith.muli %arg1, %mul3A_13 : i32
    "tpu.region"() ({
      %run_scoped3A = tpu.sem_alloc : memref<!tpu.dma_semaphore, #tpu.memory_space<semaphore_mem>>
      %dma_start3A = arith.constant 0 : i32
      %dma_start3A_15 = tpu.memref_slice %arg6[%arg0, %mul3A_14, %dma_start3A] : memref<2x10240x128xf32, #tpu.memory_space<hbm>> -> memref<1x640x128xf32, #tpu.memory_space<hbm>>
      %dma_start3A_16 = tpu.memref_squeeze %dma_start3A_15 : memref<1x640x128xf32, #tpu.memory_space<hbm>> -> memref<640x128xf32, #tpu.memory_space<hbm>>
      %dma_start3A_17 = arith.constant 0 : i32
      %dma_start3A_18 = tpu.memref_slice %arg10[%mul3A_12, %dma_start3A_17] : memref<10240x128xf32, #tpu.memory_space<vmem_shared>> -> memref<640x128xf32, #tpu.memory_space<vmem_shared>>
      tpu.enqueue_dma source(%dma_start3A_18 : memref<640x128xf32, #tpu.memory_space<vmem_shared>>) target(%dma_start3A_16 : memref<640x128xf32, #tpu.memory_space<hbm>>) target_semaphore(%run_scoped3A : memref<!tpu.dma_semaphore, #tpu.memory_space<semaphore_mem>>)
      %dma_wait3A = arith.constant 0 : i32
      %dma_wait3A_19 = tpu.memref_slice %arg6[%arg0, %mul3A_14, %dma_wait3A] : memref<2x10240x128xf32, #tpu.memory_space<hbm>> -> memref<1x640x128xf32, #tpu.memory_space<hbm>>
      %dma_wait3A_20 = tpu.memref_squeeze %dma_wait3A_19 : memref<1x640x128xf32, #tpu.memory_space<hbm>> -> memref<640x128xf32, #tpu.memory_space<hbm>>
      %dma_wait3A_21 = arith.constant 0 : i32
      %dma_wait3A_22 = tpu.memref_slice %arg10[%mul3A_12, %dma_wait3A_21] : memref<10240x128xf32, #tpu.memory_space<vmem_shared>> -> memref<640x128xf32, #tpu.memory_space<vmem_shared>>
      tpu.wait_dma2 semaphore(%run_scoped3A : memref<!tpu.dma_semaphore, #tpu.memory_space<semaphore_mem>>) src(%dma_wait3A_22 : memref<640x128xf32, #tpu.memory_space<vmem_shared>>) dst(%dma_wait3A_20 : memref<640x128xf32, #tpu.memory_space<hbm>>)
      tpu.yield
    }) : () -> ()
    return
  }
}

#map = affine_map<(d0, d1) -> (0, 0)>
#map1 = affine_map<(d0, d1) -> (0, 0, 0)>
module attributes {stable_mosaic.version = 14 : i64} {
  func.func @_sc_segsum_body(%arg0: i32, %arg1: i32, %arg2: memref<10000x128xf32, #tpu.memory_space<hbm>>, %arg3: memref<32x80x128xi32, #tpu.memory_space<hbm>>, %arg4: memref<32x80x128xi32, #tpu.memory_space<hbm>>, %arg5: memref<10240x128xf32, #tpu.memory_space<hbm>>, %arg6: memref<2x10240x128xf32, #tpu.memory_space<hbm>>, %arg7: memref<80x128xi32, #tpu.memory_space<vmem>>, %arg8: memref<80x128xi32, #tpu.memory_space<vmem>>, %arg9: memref<128x128xf32, #tpu.memory_space<vmem>>, %arg10: memref<10240x128xf32, #tpu.memory_space<vmem_shared>>, %arg11: memref<!tpu.dma_semaphore, #tpu.memory_space<semaphore_mem>>) attributes {dimension_semantics = [#tpu.dimension_semantics<core_parallel>, #tpu.dimension_semantics<subcore_parallel>], iteration_bounds = array<i64: 2, 16>, scalar_prefetch = 0 : i64, scratch_operands = 5 : i64, tpu.core_type = #tpu.core_type<sc_vector_subcore>, window_params = [{transform_indices = #map}, {transform_indices = #map1}, {transform_indices = #map1}, {transform_indices = #map}, {transform_indices = #map1}]} {
    %mul3A = arith.constant 16 : i32
    %mul3A_0 = arith.muli %arg0, %mul3A : i32
    %add3A = arith.addi %mul3A_0, %arg1 : i32
    %mul3A_1 = arith.constant 640 : i32
    %mul3A_2 = arith.muli %arg1, %mul3A_1 : i32
    %mul3A_3 = arith.constant 640 : i32
    %mul3A_4 = arith.muli %arg1, %mul3A_3 : i32
    "tpu.region"() ({
      %run_scoped3A = tpu.sem_alloc : memref<!tpu.dma_semaphore, #tpu.memory_space<semaphore_mem>>
      %dma_start3A = arith.constant 0 : i32
      %dma_start3A_15 = tpu.memref_slice %arg10[%mul3A_4, %dma_start3A] : memref<10240x128xf32, #tpu.memory_space<vmem_shared>> -> memref<640x128xf32, #tpu.memory_space<vmem_shared>>
      %dma_start3A_16 = arith.constant 0 : i32
      %dma_start3A_17 = tpu.memref_slice %arg5[%mul3A_2, %dma_start3A_16] : memref<10240x128xf32, #tpu.memory_space<hbm>> -> memref<640x128xf32, #tpu.memory_space<hbm>>
      tpu.enqueue_dma source(%dma_start3A_17 : memref<640x128xf32, #tpu.memory_space<hbm>>) target(%dma_start3A_15 : memref<640x128xf32, #tpu.memory_space<vmem_shared>>) target_semaphore(%run_scoped3A : memref<!tpu.dma_semaphore, #tpu.memory_space<semaphore_mem>>)
      %dma_wait3A = arith.constant 0 : i32
      %dma_wait3A_18 = tpu.memref_slice %arg10[%mul3A_4, %dma_wait3A] : memref<10240x128xf32, #tpu.memory_space<vmem_shared>> -> memref<640x128xf32, #tpu.memory_space<vmem_shared>>
      %dma_wait3A_19 = arith.constant 0 : i32
      %dma_wait3A_20 = tpu.memref_slice %arg5[%mul3A_2, %dma_wait3A_19] : memref<10240x128xf32, #tpu.memory_space<hbm>> -> memref<640x128xf32, #tpu.memory_space<hbm>>
      tpu.wait_dma2 semaphore(%run_scoped3A : memref<!tpu.dma_semaphore, #tpu.memory_space<semaphore_mem>>) src(%dma_wait3A_20 : memref<640x128xf32, #tpu.memory_space<hbm>>) dst(%dma_wait3A_18 : memref<640x128xf32, #tpu.memory_space<vmem_shared>>)
      tpu.yield
    }) : () -> ()
    "tpu.region"() ({
      %run_scoped3A = tpu.sem_alloc : memref<!tpu.dma_semaphore, #tpu.memory_space<semaphore_mem>>
      %dma_start3A = arith.constant 0 : i32
      %dma_start3A_15 = arith.constant 0 : i32
      %dma_start3A_16 = tpu.memref_slice %arg3[%add3A, %dma_start3A, %dma_start3A_15] : memref<32x80x128xi32, #tpu.memory_space<hbm>> -> memref<1x80x128xi32, #tpu.memory_space<hbm>>
      %dma_start3A_17 = tpu.memref_squeeze %dma_start3A_16 : memref<1x80x128xi32, #tpu.memory_space<hbm>> -> memref<80x128xi32, #tpu.memory_space<hbm>>
      %dma_start3A_18 = arith.constant 0 : i32
      %dma_start3A_19 = arith.constant 0 : i32
      %dma_start3A_20 = tpu.memref_slice %arg3[%add3A, %dma_start3A_18, %dma_start3A_19] : memref<32x80x128xi32, #tpu.memory_space<hbm>> -> memref<1x80x128xi32, #tpu.memory_space<hbm>>
      %dma_start3A_21 = tpu.memref_squeeze %dma_start3A_20 : memref<1x80x128xi32, #tpu.memory_space<hbm>> -> memref<80x128xi32, #tpu.memory_space<hbm>>
      tpu.enqueue_dma source(%dma_start3A_21 : memref<80x128xi32, #tpu.memory_space<hbm>>) target(%arg7 : memref<80x128xi32, #tpu.memory_space<vmem>>) target_semaphore(%run_scoped3A : memref<!tpu.dma_semaphore, #tpu.memory_space<semaphore_mem>>)
      %dma_wait3A = arith.constant 0 : i32
      %dma_wait3A_22 = arith.constant 0 : i32
      %dma_wait3A_23 = tpu.memref_slice %arg3[%add3A, %dma_wait3A, %dma_wait3A_22] : memref<32x80x128xi32, #tpu.memory_space<hbm>> -> memref<1x80x128xi32, #tpu.memory_space<hbm>>
      %dma_wait3A_24 = tpu.memref_squeeze %dma_wait3A_23 : memref<1x80x128xi32, #tpu.memory_space<hbm>> -> memref<80x128xi32, #tpu.memory_space<hbm>>
      %dma_wait3A_25 = arith.constant 0 : i32
      %dma_wait3A_26 = arith.constant 0 : i32
      %dma_wait3A_27 = tpu.memref_slice %arg3[%add3A, %dma_wait3A_25, %dma_wait3A_26] : memref<32x80x128xi32, #tpu.memory_space<hbm>> -> memref<1x80x128xi32, #tpu.memory_space<hbm>>
      %dma_wait3A_28 = tpu.memref_squeeze %dma_wait3A_27 : memref<1x80x128xi32, #tpu.memory_space<hbm>> -> memref<80x128xi32, #tpu.memory_space<hbm>>
      tpu.wait_dma2 semaphore(%run_scoped3A : memref<!tpu.dma_semaphore, #tpu.memory_space<semaphore_mem>>) src(%dma_wait3A_28 : memref<80x128xi32, #tpu.memory_space<hbm>>) dst(%arg7 : memref<80x128xi32, #tpu.memory_space<vmem>>)
      tpu.yield
    }) : () -> ()
    "tpu.region"() ({
      %run_scoped3A = tpu.sem_alloc : memref<!tpu.dma_semaphore, #tpu.memory_space<semaphore_mem>>
      %dma_start3A = arith.constant 0 : i32
      %dma_start3A_15 = arith.constant 0 : i32
      %dma_start3A_16 = tpu.memref_slice %arg4[%add3A, %dma_start3A, %dma_start3A_15] : memref<32x80x128xi32, #tpu.memory_space<hbm>> -> memref<1x80x128xi32, #tpu.memory_space<hbm>>
      %dma_start3A_17 = tpu.memref_squeeze %dma_start3A_16 : memref<1x80x128xi32, #tpu.memory_space<hbm>> -> memref<80x128xi32, #tpu.memory_space<hbm>>
      %dma_start3A_18 = arith.constant 0 : i32
      %dma_start3A_19 = arith.constant 0 : i32
      %dma_start3A_20 = tpu.memref_slice %arg4[%add3A, %dma_start3A_18, %dma_start3A_19] : memref<32x80x128xi32, #tpu.memory_space<hbm>> -> memref<1x80x128xi32, #tpu.memory_space<hbm>>
      %dma_start3A_21 = tpu.memref_squeeze %dma_start3A_20 : memref<1x80x128xi32, #tpu.memory_space<hbm>> -> memref<80x128xi32, #tpu.memory_space<hbm>>
      tpu.enqueue_dma source(%dma_start3A_21 : memref<80x128xi32, #tpu.memory_space<hbm>>) target(%arg8 : memref<80x128xi32, #tpu.memory_space<vmem>>) target_semaphore(%run_scoped3A : memref<!tpu.dma_semaphore, #tpu.memory_space<semaphore_mem>>)
      %dma_wait3A = arith.constant 0 : i32
      %dma_wait3A_22 = arith.constant 0 : i32
      %dma_wait3A_23 = tpu.memref_slice %arg4[%add3A, %dma_wait3A, %dma_wait3A_22] : memref<32x80x128xi32, #tpu.memory_space<hbm>> -> memref<1x80x128xi32, #tpu.memory_space<hbm>>
      %dma_wait3A_24 = tpu.memref_squeeze %dma_wait3A_23 : memref<1x80x128xi32, #tpu.memory_space<hbm>> -> memref<80x128xi32, #tpu.memory_space<hbm>>
      %dma_wait3A_25 = arith.constant 0 : i32
      %dma_wait3A_26 = arith.constant 0 : i32
      %dma_wait3A_27 = tpu.memref_slice %arg4[%add3A, %dma_wait3A_25, %dma_wait3A_26] : memref<32x80x128xi32, #tpu.memory_space<hbm>> -> memref<1x80x128xi32, #tpu.memory_space<hbm>>
      %dma_wait3A_28 = tpu.memref_squeeze %dma_wait3A_27 : memref<1x80x128xi32, #tpu.memory_space<hbm>> -> memref<80x128xi32, #tpu.memory_space<hbm>>
      tpu.wait_dma2 semaphore(%run_scoped3A : memref<!tpu.dma_semaphore, #tpu.memory_space<semaphore_mem>>) src(%dma_wait3A_28 : memref<80x128xi32, #tpu.memory_space<hbm>>) dst(%arg8 : memref<80x128xi32, #tpu.memory_space<vmem>>)
      tpu.yield
    }) : () -> ()
    %barrier3A = arith.constant 0 : index
    tpu.barrier barrier_id(%barrier3A)
    %scan3A = arith.constant 0 : i32
    %scan3A_5 = arith.constant 0 : i32
    %scan3A_6 = arith.constant 80 : i32
    %scan3A_7 = arith.addi %scan3A_5, %scan3A_6 : i32
    %scan3A_8 = arith.constant 1 : i32
    scf.for %scan3A_15 = %scan3A_5 to %scan3A_7 step %scan3A_8  : i32 {
      %dma_start3A = arith.constant 0 : i32
      %dma_start3A_16 = tpu.memref_slice %arg7[%scan3A_15, %dma_start3A] : memref<80x128xi32, #tpu.memory_space<vmem>> -> memref<1x128xi32, #tpu.memory_space<vmem>>
      %dma_start3A_17 = tpu.memref_squeeze %dma_start3A_16 : memref<1x128xi32, #tpu.memory_space<vmem>> -> memref<128xi32, #tpu.memory_space<vmem>>
      %dma_start3A_18 = arith.constant 0 : i32
      %dma_start3A_19 = arith.constant 0 : i32
      %dma_start3A_20 = tpu.memref_slice %arg2[%dma_start3A_18, %dma_start3A_19] : memref<10000x128xf32, #tpu.memory_space<hbm>> -> memref<10000x128xf32, #tpu.memory_space<hbm>>
      tpu.enqueue_indirect_dma source(%dma_start3A_20 : memref<10000x128xf32, #tpu.memory_space<hbm>>) target(%arg9 : memref<128x128xf32, #tpu.memory_space<vmem>>) offsets(%dma_start3A_17 : memref<128xi32, #tpu.memory_space<vmem>>) semaphore(%arg11 : memref<!tpu.dma_semaphore, #tpu.memory_space<semaphore_mem>>)
      %dma_wait3A = arith.constant 0 : i32
      %dma_wait3A_21 = tpu.memref_slice %arg7[%scan3A_15, %dma_wait3A] : memref<80x128xi32, #tpu.memory_space<vmem>> -> memref<1x128xi32, #tpu.memory_space<vmem>>
      %dma_wait3A_22 = tpu.memref_squeeze %dma_wait3A_21 : memref<1x128xi32, #tpu.memory_space<vmem>> -> memref<128xi32, #tpu.memory_space<vmem>>
      %dma_wait3A_23 = arith.constant 0 : i32
      %dma_wait3A_24 = arith.constant 0 : i32
      %dma_wait3A_25 = tpu.memref_slice %arg2[%dma_wait3A_23, %dma_wait3A_24] : memref<10000x128xf32, #tpu.memory_space<hbm>> -> memref<10000x128xf32, #tpu.memory_space<hbm>>
      tpu.wait_indirect_dma semaphore(%arg11 : memref<!tpu.dma_semaphore, #tpu.memory_space<semaphore_mem>>) src(%dma_wait3A_25 : memref<10000x128xf32, #tpu.memory_space<hbm>>) dst(%arg9 : memref<128x128xf32, #tpu.memory_space<vmem>>)
      "tpu.region"() ({
        %run_scoped3A = tpu.sem_alloc : memref<!tpu.dma_semaphore, #tpu.memory_space<semaphore_mem>>
        %dma_start3A_26 = arith.constant 0 : i32
        %dma_start3A_27 = tpu.memref_slice %arg8[%scan3A_15, %dma_start3A_26] : memref<80x128xi32, #tpu.memory_space<vmem>> -> memref<1x128xi32, #tpu.memory_space<vmem>>
        %dma_start3A_28 = tpu.memref_squeeze %dma_start3A_27 : memref<1x128xi32, #tpu.memory_space<vmem>> -> memref<128xi32, #tpu.memory_space<vmem>>
        %dma_start3A_29 = arith.constant 0 : i32
        %dma_start3A_30 = arith.constant 0 : i32
        %dma_start3A_31 = tpu.memref_slice %arg10[%dma_start3A_29, %dma_start3A_30] : memref<10240x128xf32, #tpu.memory_space<vmem_shared>> -> memref<10240x128xf32, #tpu.memory_space<vmem_shared>>
        tpu.enqueue_indirect_dma source(%arg9 : memref<128x128xf32, #tpu.memory_space<vmem>>) target(%dma_start3A_31 : memref<10240x128xf32, #tpu.memory_space<vmem_shared>>) offsets(%dma_start3A_28 : memref<128xi32, #tpu.memory_space<vmem>>) semaphore(%run_scoped3A : memref<!tpu.dma_semaphore, #tpu.memory_space<semaphore_mem>>) {add = true}
        %dma_wait3A_32 = arith.constant 0 : i32
        %dma_wait3A_33 = tpu.memref_slice %arg8[%scan3A_15, %dma_wait3A_32] : memref<80x128xi32, #tpu.memory_space<vmem>> -> memref<1x128xi32, #tpu.memory_space<vmem>>
        %dma_wait3A_34 = tpu.memref_squeeze %dma_wait3A_33 : memref<1x128xi32, #tpu.memory_space<vmem>> -> memref<128xi32, #tpu.memory_space<vmem>>
        %dma_wait3A_35 = arith.constant 0 : i32
        %dma_wait3A_36 = arith.constant 0 : i32
        %dma_wait3A_37 = tpu.memref_slice %arg10[%dma_wait3A_35, %dma_wait3A_36] : memref<10240x128xf32, #tpu.memory_space<vmem_shared>> -> memref<10240x128xf32, #tpu.memory_space<vmem_shared>>
        tpu.wait_indirect_dma semaphore(%run_scoped3A : memref<!tpu.dma_semaphore, #tpu.memory_space<semaphore_mem>>) src(%arg9 : memref<128x128xf32, #tpu.memory_space<vmem>>) dst(%dma_wait3A_37 : memref<10240x128xf32, #tpu.memory_space<vmem_shared>>)
        tpu.yield
      }) : () -> ()
    }
    %scan3A_9 = arith.constant 80 : i32
    %barrier3A_10 = arith.constant 0 : index
    tpu.barrier barrier_id(%barrier3A_10)
    %mul3A_11 = arith.constant 640 : i32
    %mul3A_12 = arith.muli %arg1, %mul3A_11 : i32
    %mul3A_13 = arith.constant 640 : i32
    %mul3A_14 = arith.muli %arg1, %mul3A_13 : i32
    "tpu.region"() ({
      %run_scoped3A = tpu.sem_alloc : memref<!tpu.dma_semaphore, #tpu.memory_space<semaphore_mem>>
      %dma_start3A = arith.constant 0 : i32
      %dma_start3A_15 = tpu.memref_slice %arg6[%arg0, %mul3A_14, %dma_start3A] : memref<2x10240x128xf32, #tpu.memory_space<hbm>> -> memref<1x640x128xf32, #tpu.memory_space<hbm>>
      %dma_start3A_16 = tpu.memref_squeeze %dma_start3A_15 : memref<1x640x128xf32, #tpu.memory_space<hbm>> -> memref<640x128xf32, #tpu.memory_space<hbm>>
      %dma_start3A_17 = arith.constant 0 : i32
      %dma_start3A_18 = tpu.memref_slice %arg10[%mul3A_12, %dma_start3A_17] : memref<10240x128xf32, #tpu.memory_space<vmem_shared>> -> memref<640x128xf32, #tpu.memory_space<vmem_shared>>
      tpu.enqueue_dma source(%dma_start3A_18 : memref<640x128xf32, #tpu.memory_space<vmem_shared>>) target(%dma_start3A_16 : memref<640x128xf32, #tpu.memory_space<hbm>>) target_semaphore(%run_scoped3A : memref<!tpu.dma_semaphore, #tpu.memory_space<semaphore_mem>>)
      %dma_wait3A = arith.constant 0 : i32
      %dma_wait3A_19 = tpu.memref_slice %arg6[%arg0, %mul3A_14, %dma_wait3A] : memref<2x10240x128xf32, #tpu.memory_space<hbm>> -> memref<1x640x128xf32, #tpu.memory_space<hbm>>
      %dma_wait3A_20 = tpu.memref_squeeze %dma_wait3A_19 : memref<1x640x128xf32, #tpu.memory_space<hbm>> -> memref<640x128xf32, #tpu.memory_space<hbm>>
      %dma_wait3A_21 = arith.constant 0 : i32
      %dma_wait3A_22 = tpu.memref_slice %arg10[%mul3A_12, %dma_wait3A_21] : memref<10240x128xf32, #tpu.memory_space<vmem_shared>> -> memref<640x128xf32, #tpu.memory_space<vmem_shared>>
      tpu.wait_dma2 semaphore(%run_scoped3A : memref<!tpu.dma_semaphore, #tpu.memory_space<semaphore_mem>>) src(%dma_wait3A_22 : memref<640x128xf32, #tpu.memory_space<vmem_shared>>) dst(%dma_wait3A_20 : memref<640x128xf32, #tpu.memory_space<hbm>>)
      tpu.yield
    }) : () -> ()
    return
  }
}

module attributes {stable_mosaic.version = 14 : i64} {
  func.func @_mlp_body(%arg0: i32, %arg1: memref<1000x128xf32, #tpu.memory_space<vmem>>, %arg2: memref<2x1000x128xf32, #tpu.memory_space<vmem>>, %arg3: memref<1x1xf32, #tpu.memory_space<smem>>, %arg4: memref<128x128xf32, #tpu.memory_space<vmem>>, %arg5: memref<1x128xf32, #tpu.memory_space<vmem>>, %arg6: memref<1x128xf32, #tpu.memory_space<vmem>>, %arg7: memref<1x128xf32, #tpu.memory_space<vmem>>, %arg8: memref<128x128xf32, #tpu.memory_space<vmem>>, %arg9: memref<1x128xf32, #tpu.memory_space<vmem>>, %arg10: memref<1000x128xf32, #tpu.memory_space<vmem>>) attributes {dimension_semantics = [#tpu.dimension_semantics<arbitrary>], iteration_bounds = array<i64: 10>, scalar_prefetch = 0 : i64, scratch_operands = 0 : i64, tpu.core_type = #tpu.core_type<tc>, window_params = [{transform_indices = @transform_0, window_bounds = array<i64: 1000, 128>}, {transform_indices = @transform_1, window_bounds = array<i64: 2, 1000, 128>}, {transform_indices = @transform_2, window_bounds = array<i64: 1, 1>}, {pipeline_mode = #tpu.pipeline_mode<synchronous>, transform_indices = @transform_3, window_bounds = array<i64: 128, 128>}, {pipeline_mode = #tpu.pipeline_mode<synchronous>, transform_indices = @transform_4, window_bounds = array<i64: 1, 128>}, {pipeline_mode = #tpu.pipeline_mode<synchronous>, transform_indices = @transform_5, window_bounds = array<i64: 1, 128>}, {pipeline_mode = #tpu.pipeline_mode<synchronous>, transform_indices = @transform_6, window_bounds = array<i64: 1, 128>}, {pipeline_mode = #tpu.pipeline_mode<synchronous>, transform_indices = @transform_7, window_bounds = array<i64: 128, 128>}, {pipeline_mode = #tpu.pipeline_mode<synchronous>, transform_indices = @transform_8, window_bounds = array<i64: 1, 128>}, {transform_indices = @transform_9, window_bounds = array<i64: 1000, 128>}]} {
    %get3A = arith.constant 0 : index
    %get3A_0 = arith.constant 0 : index
    %get3A_1 = vector.load %arg1[%get3A, %get3A_0] : memref<1000x128xf32, #tpu.memory_space<vmem>>, vector<1000x128xf32>
    %get3A_2 = arith.constant 0 : index
    %get3A_3 = arith.constant 0 : index
    %get3A_4 = memref.load %arg3[%get3A_2, %get3A_3] : memref<1x1xf32, #tpu.memory_space<smem>>
    %mul3A = vector.broadcast %get3A_4 : f32 to vector<1000x128xf32>
    %mul3A_5 = arith.mulf %get3A_1, %mul3A : vector<1000x128xf32>
    %get3A_6 = arith.constant 0 : index
    %get3A_7 = arith.constant 0 : index
    %get3A_8 = arith.constant 0 : index
    %get3A_9 = vector.load %arg2[%get3A_6, %get3A_7, %get3A_8] : memref<2x1000x128xf32, #tpu.memory_space<vmem>>, vector<1x1000x128xf32>
    %get3A_10 = vector.shape_cast %get3A_9 : vector<1x1000x128xf32> to vector<1000x128xf32>
    %add3A = arith.addf %mul3A_5, %get3A_10 : vector<1000x128xf32>
    %get3A_11 = arith.constant 1 : index
    %get3A_12 = arith.constant 0 : index
    %get3A_13 = arith.constant 0 : index
    %get3A_14 = vector.load %arg2[%get3A_11, %get3A_12, %get3A_13] : memref<2x1000x128xf32, #tpu.memory_space<vmem>>, vector<1x1000x128xf32>
    %get3A_15 = vector.shape_cast %get3A_14 : vector<1x1000x128xf32> to vector<1000x128xf32>
    %add3A_16 = arith.addf %add3A, %get3A_15 : vector<1000x128xf32>
    %get3A_17 = arith.constant 0 : index
    %get3A_18 = arith.constant 0 : index
    %get3A_19 = vector.load %arg4[%get3A_17, %get3A_18] : memref<128x128xf32, #tpu.memory_space<vmem>>, vector<128x128xf32>
    %dot_general3A = arith.constant dense<0.000000e+00> : vector<1000x128xf32>
    %dot_general3A_20 = tpu.matmul %add3A_16, %get3A_19, %dot_general3A {dimension_numbers = #tpu.dot_dimension_numbers<[1], [0], [0], [1], [0, 0, 1, 1], [], []>, transpose_lhs_hint = false} : vector<1000x128xf32>, vector<128x128xf32>, vector<1000x128xf32> -> vector<1000x128xf32>
    %get3A_21 = arith.constant 0 : index
    %get3A_22 = arith.constant 0 : index
    %get3A_23 = vector.load %arg5[%get3A_21, %get3A_22] : memref<1x128xf32, #tpu.memory_space<vmem>>, vector<1x128xf32>
    %add3A_24 = vector.broadcast %get3A_23 : vector<1x128xf32> to vector<1000x128xf32>
    %add3A_25 = arith.addf %dot_general3A_20, %add3A_24 : vector<1000x128xf32>
    %reduce_sum3A = arith.constant dense<0.000000e+00> : vector<1000xf32>
    %reduce_sum3A_26 = vector.multi_reduction <add>, %add3A_25, %reduce_sum3A [1] : vector<1000x128xf32> to vector<1000xf32>
    %broadcast_in_dim3A = vector.shape_cast %reduce_sum3A_26 : vector<1000xf32> to vector<1000x1xf32>
    %div3A = arith.constant 1.280000e+02 : f32
    %div3A_27 = vector.broadcast %div3A : f32 to vector<1000x1xf32>
    %div3A_28 = arith.divf %broadcast_in_dim3A, %div3A_27 : vector<1000x1xf32>
    %sub3A = vector.broadcast %div3A_28 : vector<1000x1xf32> to vector<1000x128xf32>
    %sub3A_29 = arith.subf %add3A_25, %sub3A : vector<1000x128xf32>
    %square3A = arith.mulf %sub3A_29, %sub3A_29 : vector<1000x128xf32>
    %reduce_sum3A_30 = arith.constant dense<0.000000e+00> : vector<1000xf32>
    %reduce_sum3A_31 = vector.multi_reduction <add>, %square3A, %reduce_sum3A_30 [1] : vector<1000x128xf32> to vector<1000xf32>
    %broadcast_in_dim3A_32 = vector.shape_cast %reduce_sum3A_31 : vector<1000xf32> to vector<1000x1xf32>
    %div3A_33 = arith.constant 1.280000e+02 : f32
    %div3A_34 = vector.broadcast %div3A_33 : f32 to vector<1000x1xf32>
    %div3A_35 = arith.divf %broadcast_in_dim3A_32, %div3A_34 : vector<1000x1xf32>
    %sub3A_36 = vector.broadcast %div3A_28 : vector<1000x1xf32> to vector<1000x128xf32>
    %sub3A_37 = arith.subf %add3A_25, %sub3A_36 : vector<1000x128xf32>
    %add3A_38 = arith.constant 9.99999974E-6 : f32
    %add3A_39 = vector.broadcast %add3A_38 : f32 to vector<1000x1xf32>
    %add3A_40 = arith.addf %div3A_35, %add3A_39 : vector<1000x1xf32>
    %sqrt3A = math.sqrt %add3A_40 : vector<1000x1xf32>
    %div3A_41 = vector.broadcast %sqrt3A : vector<1000x1xf32> to vector<1000x128xf32>
    %div3A_42 = arith.divf %sub3A_37, %div3A_41 : vector<1000x128xf32>
    %get3A_43 = arith.constant 0 : index
    %get3A_44 = arith.constant 0 : index
    %get3A_45 = vector.load %arg6[%get3A_43, %get3A_44] : memref<1x128xf32, #tpu.memory_space<vmem>>, vector<1x128xf32>
    %mul3A_46 = vector.broadcast %get3A_45 : vector<1x128xf32> to vector<1000x128xf32>
    %mul3A_47 = arith.mulf %div3A_42, %mul3A_46 : vector<1000x128xf32>
    %get3A_48 = arith.constant 0 : index
    %get3A_49 = arith.constant 0 : index
    %get3A_50 = vector.load %arg7[%get3A_48, %get3A_49] : memref<1x128xf32, #tpu.memory_space<vmem>>, vector<1x128xf32>
    %add3A_51 = vector.broadcast %get3A_50 : vector<1x128xf32> to vector<1000x128xf32>
    %add3A_52 = arith.addf %mul3A_47, %add3A_51 : vector<1000x128xf32>
    %max3A = arith.constant 0.000000e+00 : f32
    %max3A_53 = vector.broadcast %max3A : f32 to vector<1000x128xf32>
    %max3A_54 = arith.maximumf %add3A_52, %max3A_53 : vector<1000x128xf32>
    %get3A_55 = arith.constant 0 : index
    %get3A_56 = arith.constant 0 : index
    %get3A_57 = vector.load %arg8[%get3A_55, %get3A_56] : memref<128x128xf32, #tpu.memory_space<vmem>>, vector<128x128xf32>
    %dot_general3A_58 = arith.constant dense<0.000000e+00> : vector<1000x128xf32>
    %dot_general3A_59 = tpu.matmul %max3A_54, %get3A_57, %dot_general3A_58 {dimension_numbers = #tpu.dot_dimension_numbers<[1], [0], [0], [1], [0, 0, 1, 1], [], []>, transpose_lhs_hint = false} : vector<1000x128xf32>, vector<128x128xf32>, vector<1000x128xf32> -> vector<1000x128xf32>
    %get3A_60 = arith.constant 0 : index
    %get3A_61 = arith.constant 0 : index
    %get3A_62 = vector.load %arg9[%get3A_60, %get3A_61] : memref<1x128xf32, #tpu.memory_space<vmem>>, vector<1x128xf32>
    %add3A_63 = vector.broadcast %get3A_62 : vector<1x128xf32> to vector<1000x128xf32>
    %add3A_64 = arith.addf %dot_general3A_59, %add3A_63 : vector<1000x128xf32>
    %max3A_65 = arith.constant 0.000000e+00 : f32
    %max3A_66 = vector.broadcast %max3A_65 : f32 to vector<1000x128xf32>
    %max3A_67 = arith.maximumf %add3A_64, %max3A_66 : vector<1000x128xf32>
    %swap3A = arith.constant 0 : index
    %swap3A_68 = arith.constant 0 : index
    %swap3A_69 = vector.load %arg10[%swap3A, %swap3A_68] : memref<1000x128xf32, #tpu.memory_space<vmem>>, vector<1000x128xf32>
    tpu.vector_store %arg10[%swap3A, %swap3A_68], %max3A_67 {strides = array<i32>} : memref<1000x128xf32, #tpu.memory_space<vmem>>, vector<1000x128xf32>,
    return
  }
  func.func @transform_0(%arg0: i32) -> (i32, i32) {
    %c0_i32 = arith.constant 0 : i32
    %c0_i32_0 = arith.constant 0 : i32
    return %arg0, %c0_i32 : i32, i32
  }
  func.func @transform_1(%arg0: i32) -> (i32, i32, i32) {
    %c0_i32 = arith.constant 0 : i32
    %c0_i32_0 = arith.constant 0 : i32
    %c0_i32_1 = arith.constant 0 : i32
    return %c0_i32, %arg0, %c0_i32_0 : i32, i32, i32
  }
  func.func @transform_2(%arg0: i32) -> (i32, i32) {
    %c0_i32 = arith.constant 0 : i32
    %c0_i32_0 = arith.constant 0 : i32
    %c0_i32_1 = arith.constant 0 : i32
    return %c0_i32, %c0_i32_0 : i32, i32
  }
  func.func @transform_3(%arg0: i32) -> (i32, i32) {
    %c0_i32 = arith.constant 0 : i32
    %c0_i32_0 = arith.constant 0 : i32
    %c0_i32_1 = arith.constant 0 : i32
    return %c0_i32, %c0_i32_0 : i32, i32
  }
  func.func @transform_4(%arg0: i32) -> (i32, i32) {
    %c0_i32 = arith.constant 0 : i32
    %c0_i32_0 = arith.constant 0 : i32
    %c0_i32_1 = arith.constant 0 : i32
    return %c0_i32, %c0_i32_0 : i32, i32
  }
  func.func @transform_5(%arg0: i32) -> (i32, i32) {
    %c0_i32 = arith.constant 0 : i32
    %c0_i32_0 = arith.constant 0 : i32
    %c0_i32_1 = arith.constant 0 : i32
    return %c0_i32, %c0_i32_0 : i32, i32
  }
  func.func @transform_6(%arg0: i32) -> (i32, i32) {
    %c0_i32 = arith.constant 0 : i32
    %c0_i32_0 = arith.constant 0 : i32
    %c0_i32_1 = arith.constant 0 : i32
    return %c0_i32, %c0_i32_0 : i32, i32
  }
  func.func @transform_7(%arg0: i32) -> (i32, i32) {
    %c0_i32 = arith.constant 0 : i32
    %c0_i32_0 = arith.constant 0 : i32
    %c0_i32_1 = arith.constant 0 : i32
    return %c0_i32, %c0_i32_0 : i32, i32
  }
  func.func @transform_8(%arg0: i32) -> (i32, i32) {
    %c0_i32 = arith.constant 0 : i32
    %c0_i32_0 = arith.constant 0 : i32
    %c0_i32_1 = arith.constant 0 : i32
    return %c0_i32, %c0_i32_0 : i32, i32
  }
  func.func @transform_9(%arg0: i32) -> (i32, i32) {
    %c0_i32 = arith.constant 0 : i32
    %c0_i32_0 = arith.constant 0 : i32
    return %arg0, %c0_i32 : i32, i32
  }
}

module attributes {stable_mosaic.version = 14 : i64} {
  func.func @_mlp_body(%arg0: i32, %arg1: memref<1000x128xf32, #tpu.memory_space<vmem>>, %arg2: memref<2x1000x128xf32, #tpu.memory_space<vmem>>, %arg3: memref<1x1xf32, #tpu.memory_space<smem>>, %arg4: memref<128x128xf32, #tpu.memory_space<vmem>>, %arg5: memref<1x128xf32, #tpu.memory_space<vmem>>, %arg6: memref<1x128xf32, #tpu.memory_space<vmem>>, %arg7: memref<1x128xf32, #tpu.memory_space<vmem>>, %arg8: memref<128x128xf32, #tpu.memory_space<vmem>>, %arg9: memref<1x128xf32, #tpu.memory_space<vmem>>, %arg10: memref<1000x128xf32, #tpu.memory_space<vmem>>) attributes {dimension_semantics = [#tpu.dimension_semantics<arbitrary>], iteration_bounds = array<i64: 10>, scalar_prefetch = 0 : i64, scratch_operands = 0 : i64, tpu.core_type = #tpu.core_type<tc>, window_params = [{transform_indices = @transform_0, window_bounds = array<i64: 1000, 128>}, {transform_indices = @transform_1, window_bounds = array<i64: 2, 1000, 128>}, {transform_indices = @transform_2, window_bounds = array<i64: 1, 1>}, {pipeline_mode = #tpu.pipeline_mode<synchronous>, transform_indices = @transform_3, window_bounds = array<i64: 128, 128>}, {pipeline_mode = #tpu.pipeline_mode<synchronous>, transform_indices = @transform_4, window_bounds = array<i64: 1, 128>}, {pipeline_mode = #tpu.pipeline_mode<synchronous>, transform_indices = @transform_5, window_bounds = array<i64: 1, 128>}, {pipeline_mode = #tpu.pipeline_mode<synchronous>, transform_indices = @transform_6, window_bounds = array<i64: 1, 128>}, {pipeline_mode = #tpu.pipeline_mode<synchronous>, transform_indices = @transform_7, window_bounds = array<i64: 128, 128>}, {pipeline_mode = #tpu.pipeline_mode<synchronous>, transform_indices = @transform_8, window_bounds = array<i64: 1, 128>}, {transform_indices = @transform_9, window_bounds = array<i64: 1000, 128>}]} {
    %get3A = arith.constant 0 : index
    %get3A_0 = arith.constant 0 : index
    %get3A_1 = vector.load %arg1[%get3A, %get3A_0] : memref<1000x128xf32, #tpu.memory_space<vmem>>, vector<1000x128xf32>
    %get3A_2 = arith.constant 0 : index
    %get3A_3 = arith.constant 0 : index
    %get3A_4 = memref.load %arg3[%get3A_2, %get3A_3] : memref<1x1xf32, #tpu.memory_space<smem>>
    %mul3A = vector.broadcast %get3A_4 : f32 to vector<1000x128xf32>
    %mul3A_5 = arith.mulf %get3A_1, %mul3A : vector<1000x128xf32>
    %get3A_6 = arith.constant 0 : index
    %get3A_7 = arith.constant 0 : index
    %get3A_8 = arith.constant 0 : index
    %get3A_9 = vector.load %arg2[%get3A_6, %get3A_7, %get3A_8] : memref<2x1000x128xf32, #tpu.memory_space<vmem>>, vector<1x1000x128xf32>
    %get3A_10 = vector.shape_cast %get3A_9 : vector<1x1000x128xf32> to vector<1000x128xf32>
    %add3A = arith.addf %mul3A_5, %get3A_10 : vector<1000x128xf32>
    %get3A_11 = arith.constant 1 : index
    %get3A_12 = arith.constant 0 : index
    %get3A_13 = arith.constant 0 : index
    %get3A_14 = vector.load %arg2[%get3A_11, %get3A_12, %get3A_13] : memref<2x1000x128xf32, #tpu.memory_space<vmem>>, vector<1x1000x128xf32>
    %get3A_15 = vector.shape_cast %get3A_14 : vector<1x1000x128xf32> to vector<1000x128xf32>
    %add3A_16 = arith.addf %add3A, %get3A_15 : vector<1000x128xf32>
    %get3A_17 = arith.constant 0 : index
    %get3A_18 = arith.constant 0 : index
    %get3A_19 = vector.load %arg4[%get3A_17, %get3A_18] : memref<128x128xf32, #tpu.memory_space<vmem>>, vector<128x128xf32>
    %dot_general3A = arith.constant dense<0.000000e+00> : vector<1000x128xf32>
    %dot_general3A_20 = tpu.matmul %add3A_16, %get3A_19, %dot_general3A {dimension_numbers = #tpu.dot_dimension_numbers<[1], [0], [0], [1], [0, 0, 1, 1], [], []>, transpose_lhs_hint = false} : vector<1000x128xf32>, vector<128x128xf32>, vector<1000x128xf32> -> vector<1000x128xf32>
    %get3A_21 = arith.constant 0 : index
    %get3A_22 = arith.constant 0 : index
    %get3A_23 = vector.load %arg5[%get3A_21, %get3A_22] : memref<1x128xf32, #tpu.memory_space<vmem>>, vector<1x128xf32>
    %add3A_24 = vector.broadcast %get3A_23 : vector<1x128xf32> to vector<1000x128xf32>
    %add3A_25 = arith.addf %dot_general3A_20, %add3A_24 : vector<1000x128xf32>
    %reduce_sum3A = arith.constant dense<0.000000e+00> : vector<1000xf32>
    %reduce_sum3A_26 = vector.multi_reduction <add>, %add3A_25, %reduce_sum3A [1] : vector<1000x128xf32> to vector<1000xf32>
    %broadcast_in_dim3A = vector.shape_cast %reduce_sum3A_26 : vector<1000xf32> to vector<1000x1xf32>
    %div3A = arith.constant 1.280000e+02 : f32
    %div3A_27 = vector.broadcast %div3A : f32 to vector<1000x1xf32>
    %div3A_28 = arith.divf %broadcast_in_dim3A, %div3A_27 : vector<1000x1xf32>
    %sub3A = vector.broadcast %div3A_28 : vector<1000x1xf32> to vector<1000x128xf32>
    %sub3A_29 = arith.subf %add3A_25, %sub3A : vector<1000x128xf32>
    %square3A = arith.mulf %sub3A_29, %sub3A_29 : vector<1000x128xf32>
    %reduce_sum3A_30 = arith.constant dense<0.000000e+00> : vector<1000xf32>
    %reduce_sum3A_31 = vector.multi_reduction <add>, %square3A, %reduce_sum3A_30 [1] : vector<1000x128xf32> to vector<1000xf32>
    %broadcast_in_dim3A_32 = vector.shape_cast %reduce_sum3A_31 : vector<1000xf32> to vector<1000x1xf32>
    %div3A_33 = arith.constant 1.280000e+02 : f32
    %div3A_34 = vector.broadcast %div3A_33 : f32 to vector<1000x1xf32>
    %div3A_35 = arith.divf %broadcast_in_dim3A_32, %div3A_34 : vector<1000x1xf32>
    %sub3A_36 = vector.broadcast %div3A_28 : vector<1000x1xf32> to vector<1000x128xf32>
    %sub3A_37 = arith.subf %add3A_25, %sub3A_36 : vector<1000x128xf32>
    %add3A_38 = arith.constant 9.99999974E-6 : f32
    %add3A_39 = vector.broadcast %add3A_38 : f32 to vector<1000x1xf32>
    %add3A_40 = arith.addf %div3A_35, %add3A_39 : vector<1000x1xf32>
    %sqrt3A = math.sqrt %add3A_40 : vector<1000x1xf32>
    %div3A_41 = vector.broadcast %sqrt3A : vector<1000x1xf32> to vector<1000x128xf32>
    %div3A_42 = arith.divf %sub3A_37, %div3A_41 : vector<1000x128xf32>
    %get3A_43 = arith.constant 0 : index
    %get3A_44 = arith.constant 0 : index
    %get3A_45 = vector.load %arg6[%get3A_43, %get3A_44] : memref<1x128xf32, #tpu.memory_space<vmem>>, vector<1x128xf32>
    %mul3A_46 = vector.broadcast %get3A_45 : vector<1x128xf32> to vector<1000x128xf32>
    %mul3A_47 = arith.mulf %div3A_42, %mul3A_46 : vector<1000x128xf32>
    %get3A_48 = arith.constant 0 : index
    %get3A_49 = arith.constant 0 : index
    %get3A_50 = vector.load %arg7[%get3A_48, %get3A_49] : memref<1x128xf32, #tpu.memory_space<vmem>>, vector<1x128xf32>
    %add3A_51 = vector.broadcast %get3A_50 : vector<1x128xf32> to vector<1000x128xf32>
    %add3A_52 = arith.addf %mul3A_47, %add3A_51 : vector<1000x128xf32>
    %max3A = arith.constant 0.000000e+00 : f32
    %max3A_53 = vector.broadcast %max3A : f32 to vector<1000x128xf32>
    %max3A_54 = arith.maximumf %add3A_52, %max3A_53 : vector<1000x128xf32>
    %get3A_55 = arith.constant 0 : index
    %get3A_56 = arith.constant 0 : index
    %get3A_57 = vector.load %arg8[%get3A_55, %get3A_56] : memref<128x128xf32, #tpu.memory_space<vmem>>, vector<128x128xf32>
    %dot_general3A_58 = arith.constant dense<0.000000e+00> : vector<1000x128xf32>
    %dot_general3A_59 = tpu.matmul %max3A_54, %get3A_57, %dot_general3A_58 {dimension_numbers = #tpu.dot_dimension_numbers<[1], [0], [0], [1], [0, 0, 1, 1], [], []>, transpose_lhs_hint = false} : vector<1000x128xf32>, vector<128x128xf32>, vector<1000x128xf32> -> vector<1000x128xf32>
    %get3A_60 = arith.constant 0 : index
    %get3A_61 = arith.constant 0 : index
    %get3A_62 = vector.load %arg9[%get3A_60, %get3A_61] : memref<1x128xf32, #tpu.memory_space<vmem>>, vector<1x128xf32>
    %add3A_63 = vector.broadcast %get3A_62 : vector<1x128xf32> to vector<1000x128xf32>
    %add3A_64 = arith.addf %dot_general3A_59, %add3A_63 : vector<1000x128xf32>
    %max3A_65 = arith.constant 0.000000e+00 : f32
    %max3A_66 = vector.broadcast %max3A_65 : f32 to vector<1000x128xf32>
    %max3A_67 = arith.maximumf %add3A_64, %max3A_66 : vector<1000x128xf32>
    %add3A_68 = arith.addf %max3A_67, %get3A_1 : vector<1000x128xf32>
    %swap3A = arith.constant 0 : index
    %swap3A_69 = arith.constant 0 : index
    %swap3A_70 = vector.load %arg10[%swap3A, %swap3A_69] : memref<1000x128xf32, #tpu.memory_space<vmem>>, vector<1000x128xf32>
    tpu.vector_store %arg10[%swap3A, %swap3A_69], %add3A_68 {strides = array<i32>} : memref<1000x128xf32, #tpu.memory_space<vmem>>, vector<1000x128xf32>,
    return
  }
  func.func @transform_0(%arg0: i32) -> (i32, i32) {
    %c0_i32 = arith.constant 0 : i32
    %c0_i32_0 = arith.constant 0 : i32
    return %arg0, %c0_i32 : i32, i32
  }
  func.func @transform_1(%arg0: i32) -> (i32, i32, i32) {
    %c0_i32 = arith.constant 0 : i32
    %c0_i32_0 = arith.constant 0 : i32
    %c0_i32_1 = arith.constant 0 : i32
    return %c0_i32, %arg0, %c0_i32_0 : i32, i32, i32
  }
  func.func @transform_2(%arg0: i32) -> (i32, i32) {
    %c0_i32 = arith.constant 0 : i32
    %c0_i32_0 = arith.constant 0 : i32
    %c0_i32_1 = arith.constant 0 : i32
    return %c0_i32, %c0_i32_0 : i32, i32
  }
  func.func @transform_3(%arg0: i32) -> (i32, i32) {
    %c0_i32 = arith.constant 0 : i32
    %c0_i32_0 = arith.constant 0 : i32
    %c0_i32_1 = arith.constant 0 : i32
    return %c0_i32, %c0_i32_0 : i32, i32
  }
  func.func @transform_4(%arg0: i32) -> (i32, i32) {
    %c0_i32 = arith.constant 0 : i32
    %c0_i32_0 = arith.constant 0 : i32
    %c0_i32_1 = arith.constant 0 : i32
    return %c0_i32, %c0_i32_0 : i32, i32
  }
  func.func @transform_5(%arg0: i32) -> (i32, i32) {
    %c0_i32 = arith.constant 0 : i32
    %c0_i32_0 = arith.constant 0 : i32
    %c0_i32_1 = arith.constant 0 : i32
    return %c0_i32, %c0_i32_0 : i32, i32
  }
  func.func @transform_6(%arg0: i32) -> (i32, i32) {
    %c0_i32 = arith.constant 0 : i32
    %c0_i32_0 = arith.constant 0 : i32
    %c0_i32_1 = arith.constant 0 : i32
    return %c0_i32, %c0_i32_0 : i32, i32
  }
  func.func @transform_7(%arg0: i32) -> (i32, i32) {
    %c0_i32 = arith.constant 0 : i32
    %c0_i32_0 = arith.constant 0 : i32
    %c0_i32_1 = arith.constant 0 : i32
    return %c0_i32, %c0_i32_0 : i32, i32
  }
  func.func @transform_8(%arg0: i32) -> (i32, i32) {
    %c0_i32 = arith.constant 0 : i32
    %c0_i32_0 = arith.constant 0 : i32
    %c0_i32_1 = arith.constant 0 : i32
    return %c0_i32, %c0_i32_0 : i32, i32
  }
  func.func @transform_9(%arg0: i32) -> (i32, i32) {
    %c0_i32 = arith.constant 0 : i32
    %c0_i32_0 = arith.constant 0 : i32
    return %arg0, %c0_i32 : i32, i32
  }
}

module attributes {stable_mosaic.version = 14 : i64} {
  func.func @_head_body(%arg0: i32, %arg1: memref<1000x128xf32, #tpu.memory_space<vmem>>, %arg2: memref<128x1xf32, #tpu.memory_space<vmem>>, %arg3: memref<1x1xf32, #tpu.memory_space<vmem>>, %arg4: memref<128x256xf32, #tpu.memory_space<vmem>>, %arg5: memref<1x256xf32, #tpu.memory_space<vmem>>, %arg6: memref<1x256xf32, #tpu.memory_space<vmem>>, %arg7: memref<1x256xf32, #tpu.memory_space<vmem>>, %arg8: memref<256x128xf32, #tpu.memory_space<vmem>>, %arg9: memref<1x128xf32, #tpu.memory_space<vmem>>, %arg10: memref<1x128xf32, #tpu.memory_space<vmem>>, %arg11: memref<1x128xf32, #tpu.memory_space<vmem>>, %arg12: memref<128x1xf32, #tpu.memory_space<vmem>>, %arg13: memref<1x1xf32, #tpu.memory_space<vmem>>, %arg14: memref<128x128xf32, #tpu.memory_space<vmem>>, %arg15: memref<1x128xf32, #tpu.memory_space<vmem>>, %arg16: memref<1x128xf32, #tpu.memory_space<vmem>>, %arg17: memref<1x128xf32, #tpu.memory_space<vmem>>, %arg18: memref<128x1xf32, #tpu.memory_space<vmem>>, %arg19: memref<1x1xf32, #tpu.memory_space<vmem>>, %arg20: memref<1000x2xf32, #tpu.memory_space<vmem>>, %arg21: memref<8x2xf32, #tpu.memory_space<vmem>>) attributes {dimension_semantics = [#tpu.dimension_semantics<arbitrary>], iteration_bounds = array<i64: 10>, scalar_prefetch = 0 : i64, scratch_operands = 0 : i64, tpu.core_type = #tpu.core_type<tc>, window_params = [{transform_indices = @transform_0, window_bounds = array<i64: 1000, 128>}, {pipeline_mode = #tpu.pipeline_mode<synchronous>, transform_indices = @transform_1, window_bounds = array<i64: 128, 1>}, {pipeline_mode = #tpu.pipeline_mode<synchronous>, transform_indices = @transform_2, window_bounds = array<i64: 1, 1>}, {pipeline_mode = #tpu.pipeline_mode<synchronous>, transform_indices = @transform_3, window_bounds = array<i64: 128, 256>}, {pipeline_mode = #tpu.pipeline_mode<synchronous>, transform_indices = @transform_4, window_bounds = array<i64: 1, 256>}, {pipeline_mode = #tpu.pipeline_mode<synchronous>, transform_indices = @transform_5, window_bounds = array<i64: 1, 256>}, {pipeline_mode = #tpu.pipeline_mode<synchronous>, transform_indices = @transform_6, window_bounds = array<i64: 1, 256>}, {pipeline_mode = #tpu.pipeline_mode<synchronous>, transform_indices = @transform_7, window_bounds = array<i64: 256, 128>}, {pipeline_mode = #tpu.pipeline_mode<synchronous>, transform_indices = @transform_8, window_bounds = array<i64: 1, 128>}, {pipeline_mode = #tpu.pipeline_mode<synchronous>, transform_indices = @transform_9, window_bounds = array<i64: 1, 128>}, {pipeline_mode = #tpu.pipeline_mode<synchronous>, transform_indices = @transform_10, window_bounds = array<i64: 1, 128>}, {pipeline_mode = #tpu.pipeline_mode<synchronous>, transform_indices = @transform_11, window_bounds = array<i64: 128, 1>}, {pipeline_mode = #tpu.pipeline_mode<synchronous>, transform_indices = @transform_12, window_bounds = array<i64: 1, 1>}, {pipeline_mode = #tpu.pipeline_mode<synchronous>, transform_indices = @transform_13, window_bounds = array<i64: 128, 128>}, {pipeline_mode = #tpu.pipeline_mode<synchronous>, transform_indices = @transform_14, window_bounds = array<i64: 1, 128>}, {pipeline_mode = #tpu.pipeline_mode<synchronous>, transform_indices = @transform_15, window_bounds = array<i64: 1, 128>}, {pipeline_mode = #tpu.pipeline_mode<synchronous>, transform_indices = @transform_16, window_bounds = array<i64: 1, 128>}, {pipeline_mode = #tpu.pipeline_mode<synchronous>, transform_indices = @transform_17, window_bounds = array<i64: 128, 1>}, {pipeline_mode = #tpu.pipeline_mode<synchronous>, transform_indices = @transform_18, window_bounds = array<i64: 1, 1>}, {transform_indices = @transform_19, window_bounds = array<i64: 1000, 2>}, {transform_indices = @transform_20, window_bounds = array<i64: 8, 2>}]} {
    %get3A = arith.constant 0 : index
    %get3A_0 = arith.constant 0 : index
    %get3A_1 = vector.load %arg1[%get3A, %get3A_0] : memref<1000x128xf32, #tpu.memory_space<vmem>>, vector<1000x128xf32>
    %get3A_2 = arith.constant 0 : index
    %get3A_3 = arith.constant 0 : index
    %get3A_4 = vector.load %arg2[%get3A_2, %get3A_3] : memref<128x1xf32, #tpu.memory_space<vmem>>, vector<128x1xf32>
    %dot_general3A = arith.constant dense<0.000000e+00> : vector<1000x1xf32>
    %dot_general3A_5 = tpu.matmul %get3A_1, %get3A_4, %dot_general3A {dimension_numbers = #tpu.dot_dimension_numbers<[1], [0], [0], [1], [0, 0, 1, 1], [], []>, transpose_lhs_hint = false} : vector<1000x128xf32>, vector<128x1xf32>, vector<1000x1xf32> -> vector<1000x1xf32>
    %get3A_6 = arith.constant 0 : index
    %get3A_7 = arith.constant 0 : index
    %get3A_8 = vector.load %arg3[%get3A_6, %get3A_7] : memref<1x1xf32, #tpu.memory_space<vmem>>, vector<1x1xf32>
    %get3A_9 = vector.extract %get3A_8[0, 0] : f32 from vector<1x1xf32>
    %add3A = vector.broadcast %get3A_9 : f32 to vector<1000x1xf32>
    %add3A_10 = arith.addf %dot_general3A_5, %add3A : vector<1000x1xf32>
    %logistic3A = arith.negf %add3A_10 : vector<1000x1xf32>
    %logistic3A_11 = math.exp %logistic3A : vector<1000x1xf32>
    %logistic3A_12 = arith.constant 1.000000e+00 : f32
    %logistic3A_13 = vector.broadcast %logistic3A_12 : f32 to vector<1000x1xf32>
    %logistic3A_14 = arith.addf %logistic3A_13, %logistic3A_11 : vector<1000x1xf32>
    %logistic3A_15 = arith.divf %logistic3A_13, %logistic3A_14 : vector<1000x1xf32>
    %mul3A = vector.broadcast %logistic3A_15 : vector<1000x1xf32> to vector<1000x128xf32>
    %mul3A_16 = arith.mulf %get3A_1, %mul3A : vector<1000x128xf32>
    %get3A_17 = arith.constant 0 : index
    %get3A_18 = arith.constant 0 : index
    %get3A_19 = vector.load %arg4[%get3A_17, %get3A_18] : memref<128x256xf32, #tpu.memory_space<vmem>>, vector<128x256xf32>
    %dot_general3A_20 = arith.constant dense<0.000000e+00> : vector<1000x256xf32>
    %dot_general3A_21 = tpu.matmul %mul3A_16, %get3A_19, %dot_general3A_20 {dimension_numbers = #tpu.dot_dimension_numbers<[1], [0], [0], [1], [0, 0, 1, 1], [], []>, transpose_lhs_hint = false} : vector<1000x128xf32>, vector<128x256xf32>, vector<1000x256xf32> -> vector<1000x256xf32>
    %get3A_22 = arith.constant 0 : index
    %get3A_23 = arith.constant 0 : index
    %get3A_24 = vector.load %arg5[%get3A_22, %get3A_23] : memref<1x256xf32, #tpu.memory_space<vmem>>, vector<1x256xf32>
    %add3A_25 = vector.broadcast %get3A_24 : vector<1x256xf32> to vector<1000x256xf32>
    %add3A_26 = arith.addf %dot_general3A_21, %add3A_25 : vector<1000x256xf32>
    %get3A_27 = arith.constant 0 : index
    %get3A_28 = arith.constant 0 : index
    %get3A_29 = vector.load %arg6[%get3A_27, %get3A_28] : memref<1x256xf32, #tpu.memory_space<vmem>>, vector<1x256xf32>
    %get3A_30 = arith.constant 0 : index
    %get3A_31 = arith.constant 0 : index
    %get3A_32 = vector.load %arg7[%get3A_30, %get3A_31] : memref<1x256xf32, #tpu.memory_space<vmem>>, vector<1x256xf32>
    %reduce_sum3A = arith.constant dense<0.000000e+00> : vector<1000xf32>
    %reduce_sum3A_33 = vector.multi_reduction <add>, %add3A_26, %reduce_sum3A [1] : vector<1000x256xf32> to vector<1000xf32>
    %broadcast_in_dim3A = vector.shape_cast %reduce_sum3A_33 : vector<1000xf32> to vector<1000x1xf32>
    %div3A = arith.constant 2.560000e+02 : f32
    %div3A_34 = vector.broadcast %div3A : f32 to vector<1000x1xf32>
    %div3A_35 = arith.divf %broadcast_in_dim3A, %div3A_34 : vector<1000x1xf32>
    %sub3A = vector.broadcast %div3A_35 : vector<1000x1xf32> to vector<1000x256xf32>
    %sub3A_36 = arith.subf %add3A_26, %sub3A : vector<1000x256xf32>
    %square3A = arith.mulf %sub3A_36, %sub3A_36 : vector<1000x256xf32>
    %reduce_sum3A_37 = arith.constant dense<0.000000e+00> : vector<1000xf32>
    %reduce_sum3A_38 = vector.multi_reduction <add>, %square3A, %reduce_sum3A_37 [1] : vector<1000x256xf32> to vector<1000xf32>
    %broadcast_in_dim3A_39 = vector.shape_cast %reduce_sum3A_38 : vector<1000xf32> to vector<1000x1xf32>
    %div3A_40 = arith.constant 2.560000e+02 : f32
    %div3A_41 = vector.broadcast %div3A_40 : f32 to vector<1000x1xf32>
    %div3A_42 = arith.divf %broadcast_in_dim3A_39, %div3A_41 : vector<1000x1xf32>
    %sub3A_43 = vector.broadcast %div3A_35 : vector<1000x1xf32> to vector<1000x256xf32>
    %sub3A_44 = arith.subf %add3A_26, %sub3A_43 : vector<1000x256xf32>
    %add3A_45 = arith.constant 9.99999974E-6 : f32
    %add3A_46 = vector.broadcast %add3A_45 : f32 to vector<1000x1xf32>
    %add3A_47 = arith.addf %div3A_42, %add3A_46 : vector<1000x1xf32>
    %sqrt3A = math.sqrt %add3A_47 : vector<1000x1xf32>
    %div3A_48 = vector.broadcast %sqrt3A : vector<1000x1xf32> to vector<1000x256xf32>
    %div3A_49 = arith.divf %sub3A_44, %div3A_48 : vector<1000x256xf32>
    %mul3A_50 = vector.broadcast %get3A_29 : vector<1x256xf32> to vector<1000x256xf32>
    %mul3A_51 = arith.mulf %div3A_49, %mul3A_50 : vector<1000x256xf32>
    %add3A_52 = vector.broadcast %get3A_32 : vector<1x256xf32> to vector<1000x256xf32>
    %add3A_53 = arith.addf %mul3A_51, %add3A_52 : vector<1000x256xf32>
    %max3A = arith.constant 0.000000e+00 : f32
    %max3A_54 = vector.broadcast %max3A : f32 to vector<1000x256xf32>
    %max3A_55 = arith.maximumf %add3A_53, %max3A_54 : vector<1000x256xf32>
    %get3A_56 = arith.constant 0 : index
    %get3A_57 = arith.constant 0 : index
    %get3A_58 = vector.load %arg8[%get3A_56, %get3A_57] : memref<256x128xf32, #tpu.memory_space<vmem>>, vector<256x128xf32>
    %dot_general3A_59 = arith.constant dense<0.000000e+00> : vector<1000x128xf32>
    %dot_general3A_60 = tpu.matmul %max3A_55, %get3A_58, %dot_general3A_59 {dimension_numbers = #tpu.dot_dimension_numbers<[1], [0], [0], [1], [0, 0, 1, 1], [], []>, transpose_lhs_hint = false} : vector<1000x256xf32>, vector<256x128xf32>, vector<1000x128xf32> -> vector<1000x128xf32>
    %get3A_61 = arith.constant 0 : index
    %get3A_62 = arith.constant 0 : index
    %get3A_63 = vector.load %arg9[%get3A_61, %get3A_62] : memref<1x128xf32, #tpu.memory_space<vmem>>, vector<1x128xf32>
    %add3A_64 = vector.broadcast %get3A_63 : vector<1x128xf32> to vector<1000x128xf32>
    %add3A_65 = arith.addf %dot_general3A_60, %add3A_64 : vector<1000x128xf32>
    %get3A_66 = arith.constant 0 : index
    %get3A_67 = arith.constant 0 : index
    %get3A_68 = vector.load %arg10[%get3A_66, %get3A_67] : memref<1x128xf32, #tpu.memory_space<vmem>>, vector<1x128xf32>
    %get3A_69 = arith.constant 0 : index
    %get3A_70 = arith.constant 0 : index
    %get3A_71 = vector.load %arg11[%get3A_69, %get3A_70] : memref<1x128xf32, #tpu.memory_space<vmem>>, vector<1x128xf32>
    %reduce_sum3A_72 = arith.constant dense<0.000000e+00> : vector<1000xf32>
    %reduce_sum3A_73 = vector.multi_reduction <add>, %add3A_65, %reduce_sum3A_72 [1] : vector<1000x128xf32> to vector<1000xf32>
    %broadcast_in_dim3A_74 = vector.shape_cast %reduce_sum3A_73 : vector<1000xf32> to vector<1000x1xf32>
    %div3A_75 = arith.constant 1.280000e+02 : f32
    %div3A_76 = vector.broadcast %div3A_75 : f32 to vector<1000x1xf32>
    %div3A_77 = arith.divf %broadcast_in_dim3A_74, %div3A_76 : vector<1000x1xf32>
    %sub3A_78 = vector.broadcast %div3A_77 : vector<1000x1xf32> to vector<1000x128xf32>
    %sub3A_79 = arith.subf %add3A_65, %sub3A_78 : vector<1000x128xf32>
    %square3A_80 = arith.mulf %sub3A_79, %sub3A_79 : vector<1000x128xf32>
    %reduce_sum3A_81 = arith.constant dense<0.000000e+00> : vector<1000xf32>
    %reduce_sum3A_82 = vector.multi_reduction <add>, %square3A_80, %reduce_sum3A_81 [1] : vector<1000x128xf32> to vector<1000xf32>
    %broadcast_in_dim3A_83 = vector.shape_cast %reduce_sum3A_82 : vector<1000xf32> to vector<1000x1xf32>
    %div3A_84 = arith.constant 1.280000e+02 : f32
    %div3A_85 = vector.broadcast %div3A_84 : f32 to vector<1000x1xf32>
    %div3A_86 = arith.divf %broadcast_in_dim3A_83, %div3A_85 : vector<1000x1xf32>
    %sub3A_87 = vector.broadcast %div3A_77 : vector<1000x1xf32> to vector<1000x128xf32>
    %sub3A_88 = arith.subf %add3A_65, %sub3A_87 : vector<1000x128xf32>
    %add3A_89 = arith.constant 9.99999974E-6 : f32
    %add3A_90 = vector.broadcast %add3A_89 : f32 to vector<1000x1xf32>
    %add3A_91 = arith.addf %div3A_86, %add3A_90 : vector<1000x1xf32>
    %sqrt3A_92 = math.sqrt %add3A_91 : vector<1000x1xf32>
    %div3A_93 = vector.broadcast %sqrt3A_92 : vector<1000x1xf32> to vector<1000x128xf32>
    %div3A_94 = arith.divf %sub3A_88, %div3A_93 : vector<1000x128xf32>
    %mul3A_95 = vector.broadcast %get3A_68 : vector<1x128xf32> to vector<1000x128xf32>
    %mul3A_96 = arith.mulf %div3A_94, %mul3A_95 : vector<1000x128xf32>
    %add3A_97 = vector.broadcast %get3A_71 : vector<1x128xf32> to vector<1000x128xf32>
    %add3A_98 = arith.addf %mul3A_96, %add3A_97 : vector<1000x128xf32>
    %max3A_99 = arith.constant 0.000000e+00 : f32
    %max3A_100 = vector.broadcast %max3A_99 : f32 to vector<1000x128xf32>
    %max3A_101 = arith.maximumf %add3A_98, %max3A_100 : vector<1000x128xf32>
    %get3A_102 = arith.constant 0 : index
    %get3A_103 = arith.constant 0 : index
    %get3A_104 = vector.load %arg12[%get3A_102, %get3A_103] : memref<128x1xf32, #tpu.memory_space<vmem>>, vector<128x1xf32>
    %dot_general3A_105 = arith.constant dense<0.000000e+00> : vector<1000x1xf32>
    %dot_general3A_106 = tpu.matmul %max3A_101, %get3A_104, %dot_general3A_105 {dimension_numbers = #tpu.dot_dimension_numbers<[1], [0], [0], [1], [0, 0, 1, 1], [], []>, transpose_lhs_hint = false} : vector<1000x128xf32>, vector<128x1xf32>, vector<1000x1xf32> -> vector<1000x1xf32>
    %get3A_107 = arith.constant 0 : index
    %get3A_108 = arith.constant 0 : index
    %get3A_109 = vector.load %arg13[%get3A_107, %get3A_108] : memref<1x1xf32, #tpu.memory_space<vmem>>, vector<1x1xf32>
    %get3A_110 = vector.extract %get3A_109[0, 0] : f32 from vector<1x1xf32>
    %add3A_111 = vector.broadcast %get3A_110 : f32 to vector<1000x1xf32>
    %add3A_112 = arith.addf %dot_general3A_106, %add3A_111 : vector<1000x1xf32>
    %tanh3A = math.tanh %add3A_112 : vector<1000x1xf32>
    %mul3A_113 = arith.constant 3.14159274 : f32
    %mul3A_114 = vector.broadcast %mul3A_113 : f32 to vector<1000x1xf32>
    %mul3A_115 = arith.mulf %tanh3A, %mul3A_114 : vector<1000x1xf32>
    %get3A_116 = arith.constant 0 : index
    %get3A_117 = arith.constant 0 : index
    %get3A_118 = vector.load %arg14[%get3A_116, %get3A_117] : memref<128x128xf32, #tpu.memory_space<vmem>>, vector<128x128xf32>
    %dot_general3A_119 = arith.constant dense<0.000000e+00> : vector<1000x128xf32>
    %dot_general3A_120 = tpu.matmul %mul3A_16, %get3A_118, %dot_general3A_119 {dimension_numbers = #tpu.dot_dimension_numbers<[1], [0], [0], [1], [0, 0, 1, 1], [], []>, transpose_lhs_hint = false} : vector<1000x128xf32>, vector<128x128xf32>, vector<1000x128xf32> -> vector<1000x128xf32>
    %get3A_121 = arith.constant 0 : index
    %get3A_122 = arith.constant 0 : index
    %get3A_123 = vector.load %arg15[%get3A_121, %get3A_122] : memref<1x128xf32, #tpu.memory_space<vmem>>, vector<1x128xf32>
    %add3A_124 = vector.broadcast %get3A_123 : vector<1x128xf32> to vector<1000x128xf32>
    %add3A_125 = arith.addf %dot_general3A_120, %add3A_124 : vector<1000x128xf32>
    %get3A_126 = arith.constant 0 : index
    %get3A_127 = arith.constant 0 : index
    %get3A_128 = vector.load %arg16[%get3A_126, %get3A_127] : memref<1x128xf32, #tpu.memory_space<vmem>>, vector<1x128xf32>
    %get3A_129 = arith.constant 0 : index
    %get3A_130 = arith.constant 0 : index
    %get3A_131 = vector.load %arg17[%get3A_129, %get3A_130] : memref<1x128xf32, #tpu.memory_space<vmem>>, vector<1x128xf32>
    %reduce_sum3A_132 = arith.constant dense<0.000000e+00> : vector<1000xf32>
    %reduce_sum3A_133 = vector.multi_reduction <add>, %add3A_125, %reduce_sum3A_132 [1] : vector<1000x128xf32> to vector<1000xf32>
    %broadcast_in_dim3A_134 = vector.shape_cast %reduce_sum3A_133 : vector<1000xf32> to vector<1000x1xf32>
    %div3A_135 = arith.constant 1.280000e+02 : f32
    %div3A_136 = vector.broadcast %div3A_135 : f32 to vector<1000x1xf32>
    %div3A_137 = arith.divf %broadcast_in_dim3A_134, %div3A_136 : vector<1000x1xf32>
    %sub3A_138 = vector.broadcast %div3A_137 : vector<1000x1xf32> to vector<1000x128xf32>
    %sub3A_139 = arith.subf %add3A_125, %sub3A_138 : vector<1000x128xf32>
    %square3A_140 = arith.mulf %sub3A_139, %sub3A_139 : vector<1000x128xf32>
    %reduce_sum3A_141 = arith.constant dense<0.000000e+00> : vector<1000xf32>
    %reduce_sum3A_142 = vector.multi_reduction <add>, %square3A_140, %reduce_sum3A_141 [1] : vector<1000x128xf32> to vector<1000xf32>
    %broadcast_in_dim3A_143 = vector.shape_cast %reduce_sum3A_142 : vector<1000xf32> to vector<1000x1xf32>
    %div3A_144 = arith.constant 1.280000e+02 : f32
    %div3A_145 = vector.broadcast %div3A_144 : f32 to vector<1000x1xf32>
    %div3A_146 = arith.divf %broadcast_in_dim3A_143, %div3A_145 : vector<1000x1xf32>
    %sub3A_147 = vector.broadcast %div3A_137 : vector<1000x1xf32> to vector<1000x128xf32>
    %sub3A_148 = arith.subf %add3A_125, %sub3A_147 : vector<1000x128xf32>
    %add3A_149 = arith.constant 9.99999974E-6 : f32
    %add3A_150 = vector.broadcast %add3A_149 : f32 to vector<1000x1xf32>
    %add3A_151 = arith.addf %div3A_146, %add3A_150 : vector<1000x1xf32>
    %sqrt3A_152 = math.sqrt %add3A_151 : vector<1000x1xf32>
    %div3A_153 = vector.broadcast %sqrt3A_152 : vector<1000x1xf32> to vector<1000x128xf32>
    %div3A_154 = arith.divf %sub3A_148, %div3A_153 : vector<1000x128xf32>
    %mul3A_155 = vector.broadcast %get3A_128 : vector<1x128xf32> to vector<1000x128xf32>
    %mul3A_156 = arith.mulf %div3A_154, %mul3A_155 : vector<1000x128xf32>
    %add3A_157 = vector.broadcast %get3A_131 : vector<1x128xf32> to vector<1000x128xf32>
    %add3A_158 = arith.addf %mul3A_156, %add3A_157 : vector<1000x128xf32>
    %max3A_159 = arith.constant 0.000000e+00 : f32
    %max3A_160 = vector.broadcast %max3A_159 : f32 to vector<1000x128xf32>
    %max3A_161 = arith.maximumf %add3A_158, %max3A_160 : vector<1000x128xf32>
    %get3A_162 = arith.constant 0 : index
    %get3A_163 = arith.constant 0 : index
    %get3A_164 = vector.load %arg18[%get3A_162, %get3A_163] : memref<128x1xf32, #tpu.memory_space<vmem>>, vector<128x1xf32>
    %dot_general3A_165 = arith.constant dense<0.000000e+00> : vector<1000x1xf32>
    %dot_general3A_166 = tpu.matmul %max3A_161, %get3A_164, %dot_general3A_165 {dimension_numbers = #tpu.dot_dimension_numbers<[1], [0], [0], [1], [0, 0, 1, 1], [], []>, transpose_lhs_hint = false} : vector<1000x128xf32>, vector<128x1xf32>, vector<1000x1xf32> -> vector<1000x1xf32>
    %get3A_167 = arith.constant 0 : index
    %get3A_168 = arith.constant 0 : index
    %get3A_169 = vector.load %arg19[%get3A_167, %get3A_168] : memref<1x1xf32, #tpu.memory_space<vmem>>, vector<1x1xf32>
    %get3A_170 = vector.extract %get3A_169[0, 0] : f32 from vector<1x1xf32>
    %add3A_171 = vector.broadcast %get3A_170 : f32 to vector<1000x1xf32>
    %add3A_172 = arith.addf %dot_general3A_166, %add3A_171 : vector<1000x1xf32>
    %logistic3A_173 = arith.negf %add3A_172 : vector<1000x1xf32>
    %logistic3A_174 = math.exp %logistic3A_173 : vector<1000x1xf32>
    %logistic3A_175 = arith.constant 1.000000e+00 : f32
    %logistic3A_176 = vector.broadcast %logistic3A_175 : f32 to vector<1000x1xf32>
    %logistic3A_177 = arith.addf %logistic3A_176, %logistic3A_174 : vector<1000x1xf32>
    %logistic3A_178 = arith.divf %logistic3A_176, %logistic3A_177 : vector<1000x1xf32>
    %mul3A_179 = arith.constant 2.000000e-01 : f32
    %mul3A_180 = vector.broadcast %mul3A_179 : f32 to vector<1000x1xf32>
    %mul3A_181 = arith.mulf %mul3A_180, %logistic3A_178 : vector<1000x1xf32>
    %add3A_182 = arith.constant 0.899999976 : f32
    %add3A_183 = vector.broadcast %add3A_182 : f32 to vector<1000x1xf32>
    %add3A_184 = arith.addf %add3A_183, %mul3A_181 : vector<1000x1xf32>
    %cos3A = math.cos %mul3A_115 : vector<1000x1xf32>
    %mul3A_185 = arith.mulf %add3A_184, %cos3A : vector<1000x1xf32>
    %sin3A = math.sin %mul3A_115 : vector<1000x1xf32>
    %mul3A_186 = arith.mulf %add3A_184, %sin3A : vector<1000x1xf32>
    %concatenate3A = tpu.concatenate %mul3A_185, %mul3A_186 in 1 : vector<1000x1xf32>, vector<1000x1xf32> -> vector<1000x2xf32>
    %swap3A = arith.constant 0 : index
    %swap3A_187 = arith.constant 0 : index
    %swap3A_188 = vector.load %arg20[%swap3A, %swap3A_187] : memref<1000x2xf32, #tpu.memory_space<vmem>>, vector<1000x2xf32>
    tpu.vector_store %arg20[%swap3A, %swap3A_187], %concatenate3A {strides = array<i32>} : memref<1000x2xf32, #tpu.memory_space<vmem>>, vector<1000x2xf32>,
    %reduce_sum3A_189 = arith.constant dense<0.000000e+00> : vector<2xf32>
    %reduce_sum3A_190 = vector.multi_reduction <add>, %concatenate3A, %reduce_sum3A_189 [0] : vector<1000x2xf32> to vector<2xf32>
    %broadcast_in_dim3A_191 = vector.shape_cast %reduce_sum3A_190 : vector<2xf32> to vector<1x2xf32>
    %broadcast_in_dim3A_192 = arith.constant 0.000000e+00 : f32
    %broadcast_in_dim3A_193 = vector.broadcast %broadcast_in_dim3A_192 : f32 to vector<7x2xf32>
    %concatenate3A_194 = tpu.concatenate %broadcast_in_dim3A_191, %broadcast_in_dim3A_193 in 0 : vector<1x2xf32>, vector<7x2xf32> -> vector<8x2xf32>
    %swap3A_195 = arith.constant 0 : index
    %swap3A_196 = arith.constant 0 : index
    %swap3A_197 = vector.load %arg21[%swap3A_195, %swap3A_196] : memref<8x2xf32, #tpu.memory_space<vmem>>, vector<8x2xf32>
    tpu.vector_store %arg21[%swap3A_195, %swap3A_196], %concatenate3A_194 {strides = array<i32>} : memref<8x2xf32, #tpu.memory_space<vmem>>, vector<8x2xf32>,
    return
  }
  func.func @transform_0(%arg0: i32) -> (i32, i32) {
    %c0_i32 = arith.constant 0 : i32
    %c0_i32_0 = arith.constant 0 : i32
    return %arg0, %c0_i32 : i32, i32
  }
  func.func @transform_1(%arg0: i32) -> (i32, i32) {
    %c0_i32 = arith.constant 0 : i32
    %c0_i32_0 = arith.constant 0 : i32
    %c0_i32_1 = arith.constant 0 : i32
    return %c0_i32, %c0_i32_0 : i32, i32
  }
  func.func @transform_2(%arg0: i32) -> (i32, i32) {
    %c0_i32 = arith.constant 0 : i32
    %c0_i32_0 = arith.constant 0 : i32
    %c0_i32_1 = arith.constant 0 : i32
    return %c0_i32, %c0_i32_0 : i32, i32
  }
  func.func @transform_3(%arg0: i32) -> (i32, i32) {
    %c0_i32 = arith.constant 0 : i32
    %c0_i32_0 = arith.constant 0 : i32
    %c0_i32_1 = arith.constant 0 : i32
    return %c0_i32, %c0_i32_0 : i32, i32
  }
  func.func @transform_4(%arg0: i32) -> (i32, i32) {
    %c0_i32 = arith.constant 0 : i32
    %c0_i32_0 = arith.constant 0 : i32
    %c0_i32_1 = arith.constant 0 : i32
    return %c0_i32, %c0_i32_0 : i32, i32
  }
  func.func @transform_5(%arg0: i32) -> (i32, i32) {
    %c0_i32 = arith.constant 0 : i32
    %c0_i32_0 = arith.constant 0 : i32
    %c0_i32_1 = arith.constant 0 : i32
    return %c0_i32, %c0_i32_0 : i32, i32
  }
  func.func @transform_6(%arg0: i32) -> (i32, i32) {
    %c0_i32 = arith.constant 0 : i32
    %c0_i32_0 = arith.constant 0 : i32
    %c0_i32_1 = arith.constant 0 : i32
    return %c0_i32, %c0_i32_0 : i32, i32
  }
  func.func @transform_7(%arg0: i32) -> (i32, i32) {
    %c0_i32 = arith.constant 0 : i32
    %c0_i32_0 = arith.constant 0 : i32
    %c0_i32_1 = arith.constant 0 : i32
    return %c0_i32, %c0_i32_0 : i32, i32
  }
  func.func @transform_8(%arg0: i32) -> (i32, i32) {
    %c0_i32 = arith.constant 0 : i32
    %c0_i32_0 = arith.constant 0 : i32
    %c0_i32_1 = arith.constant 0 : i32
    return %c0_i32, %c0_i32_0 : i32, i32
  }
  func.func @transform_9(%arg0: i32) -> (i32, i32) {
    %c0_i32 = arith.constant 0 : i32
    %c0_i32_0 = arith.constant 0 : i32
    %c0_i32_1 = arith.constant 0 : i32
    return %c0_i32, %c0_i32_0 : i32, i32
  }
  func.func @transform_10(%arg0: i32) -> (i32, i32) {
    %c0_i32 = arith.constant 0 : i32
    %c0_i32_0 = arith.constant 0 : i32
    %c0_i32_1 = arith.constant 0 : i32
    return %c0_i32, %c0_i32_0 : i32, i32
  }
  func.func @transform_11(%arg0: i32) -> (i32, i32) {
    %c0_i32 = arith.constant 0 : i32
    %c0_i32_0 = arith.constant 0 : i32
    %c0_i32_1 = arith.constant 0 : i32
    return %c0_i32, %c0_i32_0 : i32, i32
  }
  func.func @transform_12(%arg0: i32) -> (i32, i32) {
    %c0_i32 = arith.constant 0 : i32
    %c0_i32_0 = arith.constant 0 : i32
    %c0_i32_1 = arith.constant 0 : i32
    return %c0_i32, %c0_i32_0 : i32, i32
  }
  func.func @transform_13(%arg0: i32) -> (i32, i32) {
    %c0_i32 = arith.constant 0 : i32
    %c0_i32_0 = arith.constant 0 : i32
    %c0_i32_1 = arith.constant 0 : i32
    return %c0_i32, %c0_i32_0 : i32, i32
  }
  func.func @transform_14(%arg0: i32) -> (i32, i32) {
    %c0_i32 = arith.constant 0 : i32
    %c0_i32_0 = arith.constant 0 : i32
    %c0_i32_1 = arith.constant 0 : i32
    return %c0_i32, %c0_i32_0 : i32, i32
  }
  func.func @transform_15(%arg0: i32) -> (i32, i32) {
    %c0_i32 = arith.constant 0 : i32
    %c0_i32_0 = arith.constant 0 : i32
    %c0_i32_1 = arith.constant 0 : i32
    return %c0_i32, %c0_i32_0 : i32, i32
  }
  func.func @transform_16(%arg0: i32) -> (i32, i32) {
    %c0_i32 = arith.constant 0 : i32
    %c0_i32_0 = arith.constant 0 : i32
    %c0_i32_1 = arith.constant 0 : i32
    return %c0_i32, %c0_i32_0 : i32, i32
  }
  func.func @transform_17(%arg0: i32) -> (i32, i32) {
    %c0_i32 = arith.constant 0 : i32
    %c0_i32_0 = arith.constant 0 : i32
    %c0_i32_1 = arith.constant 0 : i32
    return %c0_i32, %c0_i32_0 : i32, i32
  }
  func.func @transform_18(%arg0: i32) -> (i32, i32) {
    %c0_i32 = arith.constant 0 : i32
    %c0_i32_0 = arith.constant 0 : i32
    %c0_i32_1 = arith.constant 0 : i32
    return %c0_i32, %c0_i32_0 : i32, i32
  }
  func.func @transform_19(%arg0: i32) -> (i32, i32) {
    %c0_i32 = arith.constant 0 : i32
    %c0_i32_0 = arith.constant 0 : i32
    return %arg0, %c0_i32 : i32, i32
  }
  func.func @transform_20(%arg0: i32) -> (i32, i32) {
    %c0_i32 = arith.constant 0 : i32
    %c0_i32_0 = arith.constant 0 : i32
    return %arg0, %c0_i32 : i32, i32
  }
}

module attributes {stable_mosaic.version = 14 : i64} {
  func.func @_center_body(%arg0: i32, %arg1: memref<1000x2xf32, #tpu.memory_space<vmem>>, %arg2: memref<80x2xf32, #tpu.memory_space<vmem>>, %arg3: memref<1000x2xf32, #tpu.memory_space<vmem>>) attributes {dimension_semantics = [#tpu.dimension_semantics<arbitrary>], iteration_bounds = array<i64: 10>, scalar_prefetch = 0 : i64, scratch_operands = 0 : i64, tpu.core_type = #tpu.core_type<tc>, window_params = [{transform_indices = @transform_0, window_bounds = array<i64: 1000, 2>}, {pipeline_mode = #tpu.pipeline_mode<synchronous>, transform_indices = @transform_1, window_bounds = array<i64: 80, 2>}, {transform_indices = @transform_2, window_bounds = array<i64: 1000, 2>}]} {
    %get3A = arith.constant 0 : index
    %get3A_0 = arith.constant 0 : index
    %get3A_1 = vector.load %arg1[%get3A, %get3A_0] : memref<1000x2xf32, #tpu.memory_space<vmem>>, vector<1000x2xf32>
    %get3A_2 = arith.constant 0 : index
    %get3A_3 = arith.constant 0 : index
    %get3A_4 = vector.load %arg2[%get3A_2, %get3A_3] : memref<80x2xf32, #tpu.memory_space<vmem>>, vector<80x2xf32>
    %reduce_sum3A = arith.constant dense<0.000000e+00> : vector<2xf32>
    %reduce_sum3A_5 = vector.multi_reduction <add>, %get3A_4, %reduce_sum3A [0] : vector<80x2xf32> to vector<2xf32>
    %broadcast_in_dim3A = vector.shape_cast %reduce_sum3A_5 : vector<2xf32> to vector<1x2xf32>
    %div3A = arith.constant 1.000000e+04 : f32
    %div3A_6 = vector.broadcast %div3A : f32 to vector<1x2xf32>
    %div3A_7 = arith.divf %broadcast_in_dim3A, %div3A_6 : vector<1x2xf32>
    %sub3A = vector.broadcast %div3A_7 : vector<1x2xf32> to vector<1000x2xf32>
    %sub3A_8 = arith.subf %get3A_1, %sub3A : vector<1000x2xf32>
    %swap3A = arith.constant 0 : index
    %swap3A_9 = arith.constant 0 : index
    %swap3A_10 = vector.load %arg3[%swap3A, %swap3A_9] : memref<1000x2xf32, #tpu.memory_space<vmem>>, vector<1000x2xf32>
    tpu.vector_store %arg3[%swap3A, %swap3A_9], %sub3A_8 {strides = array<i32>} : memref<1000x2xf32, #tpu.memory_space<vmem>>, vector<1000x2xf32>,
    return
  }
  func.func @transform_0(%arg0: i32) -> (i32, i32) {
    %c0_i32 = arith.constant 0 : i32
    %c0_i32_0 = arith.constant 0 : i32
    return %arg0, %c0_i32 : i32, i32
  }
  func.func @transform_1(%arg0: i32) -> (i32, i32) {
    %c0_i32 = arith.constant 0 : i32
    %c0_i32_0 = arith.constant 0 : i32
    %c0_i32_1 = arith.constant 0 : i32
    return %c0_i32, %c0_i32_0 : i32, i32
  }
  func.func @transform_2(%arg0: i32) -> (i32, i32) {
    %c0_i32 = arith.constant 0 : i32
    %c0_i32_0 = arith.constant 0 : i32
    return %arg0, %c0_i32 : i32, i32
  }
}

</mosaic_0001>

<sc_bundles>
// kernel: gather_offload_async_start.1
scs
__scs_entry_jumppad:
0x0: {  	(pc) =	sbr.rel $0x88, $3  }
0x1: {  	(tag) =	ssettag $0x0;
	lr =	simm.s32 $0x1  }
0x2: {  	[smem:$0x3F71] =	sst lr;
	_ =	strace $0xD0000000  }
0x3: {  	_ = 	snop  }
0x4: {  	_ = 	snop  }
0x5: {  	_ = 	snop  }
0x6: {  	_ = 	snop  }
0x7: {  	_ = 	snop  }
__scs_overlays_trampoline_lowered:
0x8: {  	[smem:$0x3F80] =	sst s0  }
0x9: {  	[smem:$0x3F81] =	sst s1  }
0xa: {  	[smem:$0x3F82] =	sst s2  }
0xb: {  	[smem:$0x3F83] =	sst s3  }
0xc: {  	[smem:$0x3F84] =	sst s4  }
0xd: {  	[smem:$0x3F85] =	sst s5  }
0xe: {  	[smem:$0x3F86] =	sst s6  }
0xf: {  	[smem:$0x3F87] =	sst s7  }
0x10: {  	[smem:$0x3F88] =	sst s8  }
0x11: {  	[smem:$0x3F89] =	sst s9;
	s0 =	simm.s32 @!p0 $0x0  }
0x12: {  	s1 =	sld [smem:$0x3F6F];
	s0 =	simm.s32 @p0 $0x1  }
0x13: {  	[smem:$0x3F8A] =	sst s0;
	s0 =	simm.s32 @!p1 $0x0  }
0x14: {  	s2 =	sld [smem:$0x3F6E];
	s0 =	simm.s32 @p1 $0x1  }
0x15: {  	[smem:$0x3F8B] =	sst s0;
	s0 =	simm.s32 @!p2 $0x0  }
0x16: {  	s3 =	sld [smem:$0x3FDB];
	s0 =	simm.s32 @p2 $0x1  }
0x17: {  	s4 =	simm.s32 $0x1BF5;
	[smem:$0x3F8D] =	sst s0  }
0x18: {  	s0 =	sld [smem:$0x3F70];
	_ =	swait.ge [sflag:s4], $0x0  }
0x19: {  	s7 =	sld [smem:$0x3F71]  }
0x1a: {  	s8 =	sadd.s32 $0xFFFFE003, lr  }
0x1b: {  	s9 =	sadd.s32 $0xFFFFFEF7, lr;
	s5 =	simm.s32 $0xFFFFFFFF;
	p2 =	slt.u32 s8, $0xFFFFF086  }
0x1c: {  	p1 =	slt.u32 s9, $0xF7A;
	s5 =	simm.s32 @!p2 $0x0  }
0x1d: {  	s5 =	simm.s32 @p1 $0x1;
	p0 =	seq.s32 s7, s2  }
0x1e: {  	s7 =	smul.u32 @!p0 $0xF7A, s2;
	p2 =	seq.s32 @!p0 s5, $0x0  }
0x1f: {  	s9 =	smul.u32 $0xF7A, s1;
	s8 =	simm.s32 @!p0 $0x1BF5;
	p2 =	por !p2, p0  }
0x20: {  	[sflag:s8] =	ssyncset.s32 @!p0 $0xFFFFF086;
	s6 =	sadd.s32 @!p0 s3, s7;
	s7 =	simm.s32 @!p0 $0x108  }
0x21: {  	s3 =	sadd.s32 s3, s9;
	s6 =	sadd.s32 @!p0 $0x88, s6;
	s7 =	simm.s32 @p2 $0x1082  }
0x22: {  	[simem:s7], [sflag:s8] =	dma.local @!p0 [hbm:s6], $0xF7A  }
0x23: {  	s9 =	sor.u32 $0xD0000000, s2;
	s6 =	simm.s32 $0x108;
	_ =	swait.ge @!p0 [sflag:s8], $0x0  }
0x24: {  	s3 =	sadd.s32 $0x88, s3;
	s6 =	simm.s32 @!p1 $0x1082;
	[sflag:s4] =	ssyncset.s32 $0xFFFFF086  }
0x25: {  	[simem:s6], [sflag:s4] =	dma.local [hbm:s3], $0xF7A  }
0x26: {  	[smem:$0x3F71] =	sst s1;
	(tag) =	ssettag s2;
	_ =	strace s9  }
0x27: {  	s1 =	sld [smem:$0x3F81]  }
0x28: {  	s2 =	sld [smem:$0x3F82]  }
0x29: {  	s4 =	sld [smem:$0x3F84]  }
0x2a: {  	p0 =	seq.s32 s5, $0x0;
	s5 =	sld [smem:$0x3F85]  }
0x2b: {  	s6 =	sld [smem:$0x3F86]  }
0x2c: {  	s7 =	sld [smem:$0x3F87]  }
0x2d: {  	s3 =	simm.s32 $0x108;
	s8 =	sld [smem:$0x3F88]  }
0x2e: {  	s3 =	simm.s32 @!p0 $0x1082;
	s9 =	sld [smem:$0x3F89]  }
0x2f: {  	lr =	sadd.s32 s0, s3;
	s0 =	sld [smem:$0x3F80]  }
0x30: {  	s3 =	sld [smem:$0x3F83]  }
0x31: {  	[smem:$0x3F8C] =	sst s10  }
0x32: {  	s10 =	sld [smem:$0x3F8A];
	_ =	sdelay $0x3  }
0x33: {  	p0 =	seq.s32 s10, $0x1;
	s10 =	sld [smem:$0x3F8C];
	_ =	sdelay $0x3  }
0x34: {  	[smem:$0x3F8C] =	sst s10  }
0x35: {  	s10 =	sld [smem:$0x3F8B];
	_ =	sdelay $0x3  }
0x36: {  	p1 =	seq.s32 s10, $0x1;
	s10 =	sld [smem:$0x3F8C];
	_ =	sdelay $0x3  }
0x37: {  	[smem:$0x3F8C] =	sst s10  }
0x38: {  	s10 =	sld [smem:$0x3F8D]  }
0x39: {  	_ = 	snop;
	(pc) =	sbr.ind lr, $3  }
0x3a: {  	_ = 	snop  }
0x3b: {  	_ = 	snop  }
0x3c: {  	p2 =	seq.s32 s10, $0x1;
	s10 =	sld [smem:$0x3F8C]  }
0x3d: {  	_ =	shalt  }
0x3e: {  	_ =	shalt  }
0x3f: {  	_ =	shalt  }
0x40: {  	_ =	shalt  }
0x41: {  	_ =	shalt  }
0x42: {  	_ =	shalt  }
0x43: {  	_ =	shalt  }
0x44: {  	_ =	shalt  }
0x45: {  	_ =	shalt  }
0x46: {  	_ =	shalt  }
0x47: {  	_ =	shalt  }
0x48: {  	_ =	shalt  }
0x49: {  	_ =	shalt  }
0x4a: {  	_ =	shalt  }
0x4b: {  	_ =	shalt  }
0x4c: {  	_ =	shalt  }
0x4d: {  	_ =	shalt  }
0x4e: {  	_ =	shalt  }
0x4f: {  	_ =	shalt  }
0x50: {  	_ =	shalt  }
0x51: {  	_ =	shalt  }
0x52: {  	_ =	shalt  }
0x53: {  	_ =	shalt  }
0x54: {  	_ =	shalt  }
0x55: {  	_ =	shalt  }
0x56: {  	_ =	shalt  }
0x57: {  	_ =	shalt  }
0x58: {  	_ =	shalt  }
0x59: {  	_ =	shalt  }
0x5a: {  	_ =	shalt  }
0x5b: {  	_ =	shalt  }
0x5c: {  	_ =	shalt  }
0x5d: {  	_ =	shalt  }
0x5e: {  	_ =	shalt  }
0x5f: {  	_ =	shalt  }
0x60: {  	_ =	shalt  }
0x61: {  	_ =	shalt  }
0x62: {  	_ =	shalt  }
0x63: {  	_ =	shalt  }
0x64: {  	_ =	shalt  }
0x65: {  	_ =	shalt  }
0x66: {  	_ =	shalt  }
0x67: {  	_ =	shalt  }
0x68: {  	_ =	shalt  }
0x69: {  	_ =	shalt  }
0x6a: {  	_ =	shalt  }
0x6b: {  	_ =	shalt  }
0x6c: {  	_ =	shalt  }
0x6d: {  	_ =	shalt  }
0x6e: {  	_ =	shalt  }
0x6f: {  	_ =	shalt  }
0x70: {  	_ =	shalt  }
0x71: {  	_ =	shalt  }
0x72: {  	_ =	shalt  }
0x73: {  	_ =	shalt  }
0x74: {  	_ =	shalt  }
0x75: {  	_ =	shalt  }
0x76: {  	_ =	shalt  }
0x77: {  	_ =	shalt  }
0x78: {  	_ =	shalt  }
0x79: {  	_ =	shalt  }
0x7a: {  	_ =	shalt  }
0x7b: {  	_ =	shalt  }
0x7c: {  	_ =	shalt  }
0x7d: {  	_ =	shalt  }
0x7e: {  	_ =	shalt  }
0x7f: {  	_ =	shalt  }
0x80: {  	_ =	shalt  }
0x81: {  	_ =	shalt  }
0x82: {  	_ =	shalt  }
0x83: {  	_ =	shalt  }
0x84: {  	_ =	shalt  }
0x85: {  	_ =	shalt  }
0x86: {  	_ =	shalt  }
0x87: {  	_ =	shalt  }
.Lfunc_end0:
.L_simem_size_0:
called_computation.1_lowered:
.L_overlay_start_0:
0x88: {  	s2 =	sld [smem:$0x3FD9]  }
0x89: {  	s3 =	sld [smem:$0x3FFE];
	_ =	sdelay $0x1  }
0x8a: {  	s1 =	srdreg.scid  }
0x8b: {  	s0 =	sand.u32 $0x1, s1  }
0x8c: {  	s16 =	sshll.u32 s0, $0xA;
	s2 =	sadd.s32 s3, s2  }
0x8d: {  	s2 =	sadd.s32 s2, s16  }
0x8e: {  	[smem:$0x3F98] =	sst s2  }
0x8f: {  	_ = 	snop  }
0x90: {  	(tm) =	ssettm $0x1  }
0x91: {  	s17 =	sld [smem:$0x3FFB];
	_ =	sdelay $0x3  }
0x92: {  	_ =	strace s17  }
0x93: {  	s2 =	sld [smem:$0x3FFC];
	_ =	sdelay $0x3  }
0x94: {  	_ =	strace s2  }
0x95: {  	s2 =	sld [smem:$0x3FFD];
	_ =	sdelay $0x3  }
0x96: {  	_ =	strace s2  }
0x97: {  	_ =	strace $0x8FFFFFFF  }
0x98: {  	s18 =	sld [smem:$0x3FDB];
	_ =	sdelay $0x1  }
0x99: {  	s19 =	simm.s32 $_scs_section_size  }
0x9a: {  	s4 =	simm.s32 $_size__tile_overlayer_lowered;
	s5 =	simm.s32 $_tile_overlayer_lowered  }
0x9b: {  	s22 =	simm.s32 $0x1BFF;
	s21 =	sshll.u32 s5, $0x1;
	s2 =	sadd.s32 s19, s18  }
0x9c: {  	s6 =	simm.s32 $0x0;
	s20 =	sshll.u32 s4, $0x1;
	s4 =	sadd.s32 s21, s2  }
0x9d: {  	[timem:s6], [sflag:s22] =	dma.local [hbm:s4], s20  }
0x9e: {  	_ =	swait.ge [sflag:s22], s20  }
0x9f: {  	s3 =	ssub.s32 $0x0, s20;
	[sflag:s22] =	ssyncset.done $0x0  }
0xa0: {  	[sflag:s22] =	ssyncadd.s32 s3;
	_ =	sdelay $0x1  }
0xa1: {  	s23 =	simm.s32 $0x1B8B  }
0xa2: {  	_ =	swait.ge [sflag:s23], $0x1  }
0xa3: {  	[sflag:s23] =	ssyncset.done $0x0  }
0xa4: {  	s25 =	simm.s32 $0x1B8E;
	s24 =	sld [smem:$0x3FFE];
	[sflag:s23] =	ssyncadd.s32 $0xFFFFFFFF  }
0xa5: {  	s26 =	simm.s32 $execute0_lowered;
	[smem:$0x3FD2] =	sst s25  }
0xa6: {  	s4 =	sshll.u32 s26, $0x1;
	_ =	strace $0x80000046;
	[dreg:$0x1] =	wrdreg $0xFFFFFFFF  }
0xa7: {  	s28 =	simm.s32 $_size_execute0_lowered;
	s2 =	sadd.s32 s2, s4;
	[dreg:$0x0] =	wrdreg $0x0  }
0xa8: {  	s4 =	sshll.u32 s28, $0x1;
	[dreg:$0x2] =	wrdreg s2  }
0xa9: {  	[dreg:$0x3] =	wrdreg s4  }
0xaa: {  	[dreg:$0x4] =	wrdreg $0xC0  }
0xab: {  	_ =	task [dreg:s6], $0x5FFFF  }
0xac: {  	[dreg:$0x1] =	wrdreg $0xFFFFFFFF  }
0xad: {  	[dreg:$0x0] =	wrdreg $0x60  }
0xae: {  	[dreg:$0x2] =	wrdreg s24  }
0xaf: {  	[dreg:$0x3] =	wrdreg $0xA  }
0xb0: {  	_ =	task.clear_ibuf [dreg:s6], $0x4FFFF;
	_ =	strace $0x90000046  }
0xb1: {  	s29 =	simm.s32 $0xA;
	_ =	strace $0x80000048  }
0xb2: {  	_ =	swait.ge [sflag:s29], $0x1  }
0xb3: {  	[sflag:s29] =	ssyncadd.s32 $0xFFFFFFFF  }
0xb4: {  	_ =	strace $0x90000048  }
0xb5: {  	_ =	sfence  }
0xb6: {  	s30 =	sld [smem:$0x0];
	_ =	sdelay $0x2  }
0xb7: {  	s31 =	sshll.u32 s1, $0xD;
	s1 =	sshrl.u32 s1, $0x2  }
0xb8: {  	s3 =	sand.u32 $0x4000, s31;
	s1 =	sadd.s32 s1, s30  }
0xb9: {  	s0 =	sor.u32 s3, s0;
	s1 =	sshll.u32 s1, $0x11  }
0xba: {  	s0 =	sor.u32 s1, s0  }
0xbb: {  	s0 =	sadd.s32 $0x8F2B, s0  }
0xbc: {  	[sflag:s0] =	ssyncadd.remote.s32 $0x1  }
0xbd: {  	_ =	sfence.sel $0xFFFF  }
0xbe: {  	[dreg:$0x0] =	wrdreg $0xFFFFFFFF;
	(pc) =	sbr.abs _section_cstart, $3  }
0xbf: {  	[dreg:$0x1] =	wrdreg $0xFFFFFFFF  }
0xc0: {  	_ =	task.clear_ibuf [dreg:s6], $0x2FFFF;
	_ =	strace $0x9FFFFFFF  }
0xc1: {  	(tm) =	ssettm $0x7FFFFFFF  }
tec
execute0_lowered:
.L_overlay_start_1:
0x0: {  	(tag) =	ssettag $0x1  }
0x1: {  	s8 =	rddreg [dreg:$0x0]  }
0x2: {  	s0 =	rddreg [dreg:$0x1];
	_ =	strace $0x80000047;
	s1 =	stileid.u32  }
0x3: {  	s3 =	srdreg.scid;
	s4 =	simm.s32 $0x1;
	s7 =	simm.s32 $0x1  }
0x4: {  	s9 =	simm.s32 $0x1;
	s10 =	simm.s32 $0x3;
	s13 =	simm.s32 $0x0  }
0x5: {  	s12 =	simm.s32 $0x0;
	s5 =	sand.u32 $0x1, s3;
	s6 =	sshll.u32 s1, $0x1  }
0x6: {  	s2 =	sadd.s32 $0x10C00, s8;
	s3 =	sadd.s32 $0x1AA00, s8;
	s5 =	sor.u32 s6, s5  }
.Ltmp0:
0x7: {  	[sflag:s4] =	ssyncpa.u1 $0x0;
	p0 =	slt.u32 s5, $0x9;
	(pc) =	sbr.rel .LBB2_1-.Ltmp0, $4  }
0x8: {  	s6 =	simm.s32 $0x2;
	s7 =	simm.s32 @!p0 $0x0;
	p0 =	sne.s32 s5, $0x8  }
0x9: {  	[sflag:s6] =	ssyncpa.u1 $0x0;
	s5 =	smul.u32 $0x1F40, s5;
	s9 =	simm.s32 @!p0 $0x0  }
0xa: {  	s8 =	sadd.s32 $0x24800, s8;
	[sflag:s10] =	ssyncpa.u1 $0x0;
	s7 =	sadd.s32 s9, s7  }
0xb: {  	vm0 =	vmmov $0xffff;
	s10 =	simm.s32 $0x0;
	s11 =	smov.u32 s5;
	s9 =	sadd.s32 $0x1, s7  }
.LBB2_4:
0xc: {  	v2 =	vnsel vm1, $0x0, v2  }
0xd: {  	vm1 =	vgt.s32 v0, $0x0;
	v2 =	vmin.u32 v2, $0x4E1FF  }
0xe: {  	v0 =	vnsel vm1, $0x0, v0  }
0xf: {  	v0 =	vmin.u32 v0, $0x4E1FF  }
0x10: {  	[tilespmem:s18], [sflag:$0x1] =	stream.indirect_vreg.gather [hbm4b:s2+s10], $0x1, v1, vm0, $0x4038;
	[tilespmem:$0x7D00] =	vst v63  }
0x11: {  	(ifvalue) =	ssetifvalue $0x7FFFFFFF  }
0x12: {  	[tilespmem:s15], [sflag:$0x1] =	stream.indirect_vreg.gather [hbm4b:s2+s10], $0x1, v2, vm0, $0x4038;
	[tilespmem:$0x7D00] =	vst v63  }
0x13: {  	s29 =	sadd.s32 $0x10, s15;
	(ifvalue) =	ssetifvalue $0x7FFFFFFF  }
0x14: {  	[tilespmem:s29], [sflag:$0x1] =	stream.indirect_vreg.gather [hbm4b:s2+s10], $0x1, v0, vm0, $0x4038;
	[tilespmem:$0x7D00] =	vst v63  }
0x15: {  	_ =	swait.ge [sflag:s4], $0x1F40  }
0x16: {  	s30 =	sshrl.u32 s13, $0x3;
	[sflag:s4] =	ssyncset.done $0x0  }
0x17: {  	s31 =	sand.u32 $0x7, s13;
	s15 =	sadd.s32 s8, s30;
	[sflag:s4] =	ssyncadd.s32 $0xFFFFE0C0  }
0x18: {  	[hbm4b:s15+s31] =	stream.linear.scatter [tilespmem:s14], [sflag:$0x3], $0x1F40, $0x38;
	[tilespmem:$0x7D00] =	vst v63  }
.LBB2_5:
0x19: {  	s15 =	sadd.s32 $0x3E800, s11  }
0x1a: {  	p1 =	sgt.s32 s15, $0x4E1FF  }
0x1b: {  	s15 =	smov.u32 @p1 s5;
	p1 =	sne.s32 s12, s9  }
.Ltmp1:
0x1c: {  	p0 =	slt.u32 s12, $0x2;
	(pc) =	sbr.rel @!p1 .LBB2_6-.Ltmp1, $4  }
0x1d: {  	s14 =	simm.s32 @!p0 $0x3  }
0x1e: {  	_ =	swait.ge @!p0 [sflag:s14], $0x1F40  }
0x1f: {  	s16 =	sadd.s32 $0x1, s12;
	s13 =	smov.u32 s11;
	[sflag:s14] =	ssyncset.done @!p0 $0x0  }
0x20: {  	s12 =	smov.u32 s16;
	s11 =	smov.u32 s15;
	[sflag:s14] =	ssyncadd.s32 @!p0 $0xFFFFE0C0  }
.LBB2_1:
0x21: {  	p0 =	sge.u32 s12, s7  }
0x22: {  	s14 =	sxor.u32 @!p0 $0x1, s12  }
0x23: {  	s14 =	smul.u32 @!p0 $0x7D00, s14  }
0x24: {  	s31 =	sadd.s32 $0xFFFFFFFF, s12;
	s15 =	sshrl.u32 @!p0 s11, $0x3  }
0x25: {  	s16 =	sand.u32 @!p0 $0x7, s11;
	s15 =	sadd.s32 @!p0 s3, s15;
	s14 =	sshra.s32 @!p0 s14, $0x2  }
0x26: {  	[tilespmem:s14], [sflag:$0x2] =	stream.linear.gather @!p0 [hbm4b:s15+s16], $0x1F40, $0x38;
	[tilespmem:$0x7D00] =	vst v63  }
0x27: {  	p0 =	sge.u32 s31, s7  }
.Ltmp2:
0x28: {  	_ = 	snop;
	(pc) =	sbr.rel @p0 .LBB2_5-.Ltmp2, $1  }
0x29: {  	_ =	sdelay $0x3  }
0x2a: {  	s14 =	sand.u32 $0x1, s12  }
0x2b: {  	_ =	swait.ge [sflag:s6], $0x1F40;
	p0 =	seq.s32 s14, $0x1;
	s14 =	simm.s32 $0x1F40  }
0x2c: {  	[sflag:s6] =	ssyncset.done $0x0;
	s14 =	simm.s32 @!p0 $0x0  }
0x2d: {  	[sflag:s6] =	ssyncadd.s32 $0xFFFFE0C0;
	(ifvalue) =	ssetifvalue $0x7FFFFFFF;
	v0 =	vld.msk [tilespmem:s14+$0x0 ss:$0x1], $0xffff;
	_ =	sdelay $0x4  }
0x2e: {  	s15 =	sadd.s32 $0x10, s14;
	vm1 =	vgt.s32 v0, $0x0  }
0x2f: {  	v2 =	vld.msk [tilespmem:s15+$0x0 ss:$0x1], $0xffff;
	v1 =	vnsel vm1, $0x0, v0  }
0x30: {  	v1 =	vmin.u32 v1, $0x4E1FF;
	_ =	sdelay $0x2  }
0x31: {  	s17 =	simm.s32 $0x20;
	s14 =	sadd.s32 $0x3E80, s14;
	s16 =	sadd.s32 $0x10, s15  }
0x32: {  	s15 =	sadd.s32 $0x10, s14;
	s18 =	smov.u32 s14;
	v0 =	vld.msk [tilespmem:s16+$0x0 ss:$0x1], $0xffff;
	vm1 =	vgt.s32 v2, $0x0;
	(ifvalue) =	ssetifvalue $0x7FFFFFFF  }
.LBB2_3:
0x33: {  	[tilespmem:s18], [sflag:$0x1] =	stream.indirect_vreg.gather [hbm4b:s2+s10], $0x1, v1, vm0, $0x4038;
	[tilespmem:$0x7D00] =	vst v63  }
0x34: {  	s17 =	sadd.s32 $0x10, s17  }
0x35: {  	v2 =	vnsel vm1, $0x0, v2;
	p0 =	slt.u32 s17, $0x1F30  }
.Ltmp3:
0x36: {  	s18 =	smov.u32 s15;
	v1 =	vmin.u32 v2, $0x4E1FF;
	(pc) =	sbr.rel @p0 .LBB2_3-.Ltmp3, $3  }
0x37: {  	_ =	sdelay $0x1  }
0x38: {  	s16 =	sadd.s32 $0x10, s16  }
0x39: {  	vm1 =	vgt.s32 v0, $0x0;
	s15 =	sadd.s32 $0x10, s15;
	v2 =	vmov v0;
	(ifvalue) =	ssetifvalue $0x7FFFFFFF;
	v0 =	vld.msk [tilespmem:s16+$0x0 ss:$0x1], $0xffff  }
.Ltmp4:
0x3a: {  	_ = 	snop;
	(pc) =	sbr.rel .LBB2_4-.Ltmp4, $1  }
0x3b: {  	_ =	sdelay $0x3  }
.LBB2_6:
0x3c: {  	_ =	sfence.sel $0x180000  }
0x3d: {  	s2 =	simm.s32 $0x2;
	[bflag:$0x0] =	sbarrier.arrive $0xFFFF  }
0x3e: {  	s30 =	simm.s32 $0x3;
	[sflag:s2] =	ssyncpa.u1 $0x1  }
0x3f: {  	s31 =	simm.s32 $0x1;
	[sflag:s30] =	ssyncpa.u1 $0x1  }
0x40: {  	[sflag:s31] =	ssyncpa.u1 $0x1  }
0x41: {  	p0 =	sne.s32 s1, $0x0;
	_ =	strace $0x90000047  }
0x42: {  	s0 =	sadd.s32 @!p0 $0x100000, s0;
	[bflag:$0x2] =	sbarrier.arrive $0xFFFF  }
0x43: {  	[sflag:s0] =	ssyncadd.tile.s32 @!p0 $0x1;
	_ =	shalt  }
.Lfunc_end2:
_tile_overlayer_lowered:
.L_overlay_start_2:
0x44: {  	(tag) =	ssettag $0x2  }
0x45: {  	s0 =	rddreg [dreg:$0x0];
	s2 =	stileid.u32  }
0x46: {  	s1 =	rddreg [dreg:$0x1];
	p0 =	sne.s32 s2, $0x0  }
0x47: {  	s3 =	rddreg [dreg:$0x2];
	[bflag:$0x3] =	sbarrier.arrive $0xFFFF;
	s2 =	simm.s32 @!p0 $0x1C01  }
0x48: {  	[timem:s3], [sflag:s2] =	dma.local @!p0 [hbm:s0], s1  }
0x49: {  	s0 =	simm.s32 @!p0 $0x1  }
0x4a: {  	_ =	swait.ge @!p0 [sflag:s0], s1  }
0x4b: {  	s1 =	ssub.s32 @!p0 $0x0, s1;
	[sflag:s0] =	ssyncset.done @!p0 $0x0  }
0x4c: {  	[sflag:s0] =	ssyncadd.s32 @!p0 s1  }
0x4d: {  	[bflag:$0x3] =	sbarrier.arrive $0xFFFF  }
0x4e: {  	_ =	shalt  }

// kernel: gather_offload_async_start
scs
__scs_entry_jumppad:
0x0: {  	(pc) =	sbr.rel $0x88, $3  }
0x1: {  	(tag) =	ssettag $0x0;
	lr =	simm.s32 $0x1  }
0x2: {  	[smem:$0x3F71] =	sst lr;
	_ =	strace $0xD0000000  }
0x3: {  	_ = 	snop  }
0x4: {  	_ = 	snop  }
0x5: {  	_ = 	snop  }
0x6: {  	_ = 	snop  }
0x7: {  	_ = 	snop  }
__scs_overlays_trampoline_lowered:
0x8: {  	[smem:$0x3F80] =	sst s0  }
0x9: {  	[smem:$0x3F81] =	sst s1  }
0xa: {  	[smem:$0x3F82] =	sst s2  }
0xb: {  	[smem:$0x3F83] =	sst s3  }
0xc: {  	[smem:$0x3F84] =	sst s4  }
0xd: {  	[smem:$0x3F85] =	sst s5  }
0xe: {  	[smem:$0x3F86] =	sst s6  }
0xf: {  	[smem:$0x3F87] =	sst s7  }
0x10: {  	[smem:$0x3F88] =	sst s8  }
0x11: {  	[smem:$0x3F89] =	sst s9;
	s0 =	simm.s32 @!p0 $0x0  }
0x12: {  	s1 =	sld [smem:$0x3F6F];
	s0 =	simm.s32 @p0 $0x1  }
0x13: {  	[smem:$0x3F8A] =	sst s0;
	s0 =	simm.s32 @!p1 $0x0  }
0x14: {  	s2 =	sld [smem:$0x3F6E];
	s0 =	simm.s32 @p1 $0x1  }
0x15: {  	[smem:$0x3F8B] =	sst s0;
	s0 =	simm.s32 @!p2 $0x0  }
0x16: {  	s3 =	sld [smem:$0x3FDB];
	s0 =	simm.s32 @p2 $0x1  }
0x17: {  	s4 =	simm.s32 $0x1BF5;
	[smem:$0x3F8D] =	sst s0  }
0x18: {  	s0 =	sld [smem:$0x3F70];
	_ =	swait.ge [sflag:s4], $0x0  }
0x19: {  	s7 =	sld [smem:$0x3F71]  }
0x1a: {  	s8 =	sadd.s32 $0xFFFFE003, lr  }
0x1b: {  	s9 =	sadd.s32 $0xFFFFFEF7, lr;
	s5 =	simm.s32 $0xFFFFFFFF;
	p2 =	slt.u32 s8, $0xFFFFF086  }
0x1c: {  	p1 =	slt.u32 s9, $0xF7A;
	s5 =	simm.s32 @!p2 $0x0  }
0x1d: {  	s5 =	simm.s32 @p1 $0x1;
	p0 =	seq.s32 s7, s2  }
0x1e: {  	s7 =	smul.u32 @!p0 $0xF7A, s2;
	p2 =	seq.s32 @!p0 s5, $0x0  }
0x1f: {  	s9 =	smul.u32 $0xF7A, s1;
	s8 =	simm.s32 @!p0 $0x1BF5;
	p2 =	por !p2, p0  }
0x20: {  	[sflag:s8] =	ssyncset.s32 @!p0 $0xFFFFF086;
	s6 =	sadd.s32 @!p0 s3, s7;
	s7 =	simm.s32 @!p0 $0x108  }
0x21: {  	s3 =	sadd.s32 s3, s9;
	s6 =	sadd.s32 @!p0 $0x88, s6;
	s7 =	simm.s32 @p2 $0x1082  }
0x22: {  	[simem:s7], [sflag:s8] =	dma.local @!p0 [hbm:s6], $0xF7A  }
0x23: {  	s9 =	sor.u32 $0xD0000000, s2;
	s6 =	simm.s32 $0x108;
	_ =	swait.ge @!p0 [sflag:s8], $0x0  }
0x24: {  	s3 =	sadd.s32 $0x88, s3;
	s6 =	simm.s32 @!p1 $0x1082;
	[sflag:s4] =	ssyncset.s32 $0xFFFFF086  }
0x25: {  	[simem:s6], [sflag:s4] =	dma.local [hbm:s3], $0xF7A  }
0x26: {  	[smem:$0x3F71] =	sst s1;
	(tag) =	ssettag s2;
	_ =	strace s9  }
0x27: {  	s1 =	sld [smem:$0x3F81]  }
0x28: {  	s2 =	sld [smem:$0x3F82]  }
0x29: {  	s4 =	sld [smem:$0x3F84]  }
0x2a: {  	p0 =	seq.s32 s5, $0x0;
	s5 =	sld [smem:$0x3F85]  }
0x2b: {  	s6 =	sld [smem:$0x3F86]  }
0x2c: {  	s7 =	sld [smem:$0x3F87]  }
0x2d: {  	s3 =	simm.s32 $0x108;
	s8 =	sld [smem:$0x3F88]  }
0x2e: {  	s3 =	simm.s32 @!p0 $0x1082;
	s9 =	sld [smem:$0x3F89]  }
0x2f: {  	lr =	sadd.s32 s0, s3;
	s0 =	sld [smem:$0x3F80]  }
0x30: {  	s3 =	sld [smem:$0x3F83]  }
0x31: {  	[smem:$0x3F8C] =	sst s10  }
0x32: {  	s10 =	sld [smem:$0x3F8A];
	_ =	sdelay $0x3  }
0x33: {  	p0 =	seq.s32 s10, $0x1;
	s10 =	sld [smem:$0x3F8C];
	_ =	sdelay $0x3  }
0x34: {  	[smem:$0x3F8C] =	sst s10  }
0x35: {  	s10 =	sld [smem:$0x3F8B];
	_ =	sdelay $0x3  }
0x36: {  	p1 =	seq.s32 s10, $0x1;
	s10 =	sld [smem:$0x3F8C];
	_ =	sdelay $0x3  }
0x37: {  	[smem:$0x3F8C] =	sst s10  }
0x38: {  	s10 =	sld [smem:$0x3F8D]  }
0x39: {  	_ = 	snop;
	(pc) =	sbr.ind lr, $3  }
0x3a: {  	_ = 	snop  }
0x3b: {  	_ = 	snop  }
0x3c: {  	p2 =	seq.s32 s10, $0x1;
	s10 =	sld [smem:$0x3F8C]  }
0x3d: {  	_ =	shalt  }
0x3e: {  	_ =	shalt  }
0x3f: {  	_ =	shalt  }
0x40: {  	_ =	shalt  }
0x41: {  	_ =	shalt  }
0x42: {  	_ =	shalt  }
0x43: {  	_ =	shalt  }
0x44: {  	_ =	shalt  }
0x45: {  	_ =	shalt  }
0x46: {  	_ =	shalt  }
0x47: {  	_ =	shalt  }
0x48: {  	_ =	shalt  }
0x49: {  	_ =	shalt  }
0x4a: {  	_ =	shalt  }
0x4b: {  	_ =	shalt  }
0x4c: {  	_ =	shalt  }
0x4d: {  	_ =	shalt  }
0x4e: {  	_ =	shalt  }
0x4f: {  	_ =	shalt  }
0x50: {  	_ =	shalt  }
0x51: {  	_ =	shalt  }
0x52: {  	_ =	shalt  }
0x53: {  	_ =	shalt  }
0x54: {  	_ =	shalt  }
0x55: {  	_ =	shalt  }
0x56: {  	_ =	shalt  }
0x57: {  	_ =	shalt  }
0x58: {  	_ =	shalt  }
0x59: {  	_ =	shalt  }
0x5a: {  	_ =	shalt  }
0x5b: {  	_ =	shalt  }
0x5c: {  	_ =	shalt  }
0x5d: {  	_ =	shalt  }
0x5e: {  	_ =	shalt  }
0x5f: {  	_ =	shalt  }
0x60: {  	_ =	shalt  }
0x61: {  	_ =	shalt  }
0x62: {  	_ =	shalt  }
0x63: {  	_ =	shalt  }
0x64: {  	_ =	shalt  }
0x65: {  	_ =	shalt  }
0x66: {  	_ =	shalt  }
0x67: {  	_ =	shalt  }
0x68: {  	_ =	shalt  }
0x69: {  	_ =	shalt  }
0x6a: {  	_ =	shalt  }
0x6b: {  	_ =	shalt  }
0x6c: {  	_ =	shalt  }
0x6d: {  	_ =	shalt  }
0x6e: {  	_ =	shalt  }
0x6f: {  	_ =	shalt  }
0x70: {  	_ =	shalt  }
0x71: {  	_ =	shalt  }
0x72: {  	_ =	shalt  }
0x73: {  	_ =	shalt  }
0x74: {  	_ =	shalt  }
0x75: {  	_ =	shalt  }
0x76: {  	_ =	shalt  }
0x77: {  	_ =	shalt  }
0x78: {  	_ =	shalt  }
0x79: {  	_ =	shalt  }
0x7a: {  	_ =	shalt  }
0x7b: {  	_ =	shalt  }
0x7c: {  	_ =	shalt  }
0x7d: {  	_ =	shalt  }
0x7e: {  	_ =	shalt  }
0x7f: {  	_ =	shalt  }
0x80: {  	_ =	shalt  }
0x81: {  	_ =	shalt  }
0x82: {  	_ =	shalt  }
0x83: {  	_ =	shalt  }
0x84: {  	_ =	shalt  }
0x85: {  	_ =	shalt  }
0x86: {  	_ =	shalt  }
0x87: {  	_ =	shalt  }
.Lfunc_end0:
.L_simem_size_0:
called_computation_lowered:
.L_overlay_start_0:
0x88: {  	s2 =	sld [smem:$0x3FD9]  }
0x89: {  	s3 =	sld [smem:$0x3FFE];
	_ =	sdelay $0x1  }
0x8a: {  	s1 =	srdreg.scid  }
0x8b: {  	s0 =	sand.u32 $0x1, s1  }
0x8c: {  	s17 =	sshll.u32 s0, $0xA;
	s2 =	sadd.s32 s3, s2  }
0x8d: {  	s2 =	sadd.s32 s2, s17  }
0x8e: {  	[smem:$0x3F98] =	sst s2  }
0x8f: {  	_ = 	snop  }
0x90: {  	(tm) =	ssettm $0x1  }
0x91: {  	s18 =	sld [smem:$0x3FFB];
	_ =	sdelay $0x3  }
0x92: {  	_ =	strace s18  }
0x93: {  	s2 =	sld [smem:$0x3FFC];
	_ =	sdelay $0x3  }
0x94: {  	_ =	strace s2  }
0x95: {  	s2 =	sld [smem:$0x3FFD];
	_ =	sdelay $0x3  }
0x96: {  	_ =	strace s2  }
0x97: {  	_ =	strace $0x8FFFFFFF  }
0x98: {  	s19 =	sld [smem:$0x3FDB];
	_ =	sdelay $0x1  }
0x99: {  	s20 =	simm.s32 $_scs_section_size  }
0x9a: {  	s4 =	simm.s32 $_size__tile_overlayer_lowered;
	s5 =	simm.s32 $_tile_overlayer_lowered  }
0x9b: {  	s6 =	simm.s32 $0x1BFF;
	s21 =	sshll.u32 s5, $0x1;
	s3 =	sadd.s32 s20, s19  }
0x9c: {  	s22 =	simm.s32 $0x0;
	s4 =	sshll.u32 s4, $0x1;
	s5 =	sadd.s32 s21, s3  }
0x9d: {  	[timem:s22], [sflag:s6] =	dma.local [hbm:s5], s4  }
0x9e: {  	_ =	swait.ge [sflag:s6], s4  }
0x9f: {  	s4 =	ssub.s32 $0x0, s4;
	[sflag:s6] =	ssyncset.done $0x0  }
0xa0: {  	[sflag:s6] =	ssyncadd.s32 s4;
	_ =	sdelay $0x1  }
0xa1: {  	s23 =	simm.s32 $0x1B8B  }
0xa2: {  	_ =	swait.ge [sflag:s23], $0x1  }
0xa3: {  	[sflag:s23] =	ssyncset.done $0x0  }
0xa4: {  	[sflag:s23] =	ssyncadd.s32 $0xFFFFFFFF  }
0xa5: {  	s4 =	sld [smem:$0x0]  }
0xa6: {  	s5 =	sand.u32 $0xFFFFFFFE, s1  }
0xa7: {  	p0 =	sne.s32 s1, s5  }
0xa8: {  	s5 =	sshll.u32 @p0 s5, $0xE  }
0xa9: {  	s5 =	sadd.s32 @p0 $0x11B8D, s5;
	s6 =	sshll.u32 @p0 s4, $0x11  }
0xaa: {  	s5 =	sor.u32 @p0 s6, s5  }
0xab: {  	[sflag:s5] =	ssyncadd.remote.s32 @p0 $0x1;
	_ =	sdelay $0x1  }
0xac: {  	s5 =	simm.s32 @p0 $0x1B8D  }
0xad: {  	_ =	swait.eq @p0 [sflag:s5], $0x1  }
0xae: {  	[sflag:s5] =	ssyncadd.s32 @p0 $0xFFFFFFFF  }
0xaf: {  	s6 =	sshll.u32 @!p0 s1, $0xE  }
0xb0: {  	s6 =	sor.u32 @!p0 $0x4000, s6;
	s5 =	simm.s32 @!p0 $0x1B8D  }
0xb1: {  	s4 =	sshll.u32 @!p0 s4, $0x11;
	s6 =	sadd.s32 @!p0 $0x11B8D, s6;
	_ =	swait.eq @!p0 [sflag:s5], $0x1  }
0xb2: {  	s4 =	sor.u32 @!p0 s4, s6;
	[sflag:s5] =	ssyncadd.s32 @!p0 $0xFFFFFFFF  }
0xb3: {  	s25 =	simm.s32 $0x1B8E;
	s24 =	sld [smem:$0x3FFE];
	[sflag:s4] =	ssyncadd.remote.s32 @!p0 $0x1  }
0xb4: {  	s26 =	simm.s32 $execute0_lowered;
	[smem:$0x3FD2] =	sst s25  }
0xb5: {  	s5 =	sshll.u32 s26, $0x1;
	_ =	strace $0x80000049;
	[dreg:$0x1] =	wrdreg $0xFFFFFFFF  }
0xb6: {  	s28 =	simm.s32 $_size_execute0_lowered;
	s3 =	sadd.s32 s3, s5;
	[dreg:$0x0] =	wrdreg $0x0  }
0xb7: {  	s5 =	sshll.u32 s28, $0x1;
	[dreg:$0x2] =	wrdreg s3  }
0xb8: {  	[dreg:$0x3] =	wrdreg s5  }
0xb9: {  	[dreg:$0x4] =	wrdreg $0xC0  }
0xba: {  	_ =	task [dreg:s22], $0x5FFFF  }
0xbb: {  	[dreg:$0x1] =	wrdreg $0xFFFFFFFF  }
0xbc: {  	[dreg:$0x0] =	wrdreg $0x60  }
0xbd: {  	[dreg:$0x2] =	wrdreg s24  }
0xbe: {  	[dreg:$0x3] =	wrdreg $0x9  }
0xbf: {  	_ =	task.clear_ibuf [dreg:s22], $0x4FFFF;
	_ =	strace $0x90000049  }
0xc0: {  	s29 =	simm.s32 $0x9;
	_ =	strace $0x8000004B  }
0xc1: {  	_ =	swait.ge [sflag:s29], $0x1  }
0xc2: {  	[sflag:s29] =	ssyncadd.s32 $0xFFFFFFFF  }
0xc3: {  	_ =	strace $0x9000004B  }
0xc4: {  	_ =	sfence  }
0xc5: {  	s30 =	sld [smem:$0x0];
	_ =	sdelay $0x2  }
0xc6: {  	s31 =	sshll.u32 s1, $0xD;
	s1 =	sshrl.u32 s1, $0x2  }
0xc7: {  	s4 =	sand.u32 $0x4000, s31;
	s1 =	sadd.s32 s1, s30  }
0xc8: {  	s0 =	sor.u32 s4, s0;
	s1 =	sshll.u32 s1, $0x11  }
0xc9: {  	s0 =	sor.u32 s1, s0  }
0xca: {  	s0 =	sadd.s32 $0x8F2B, s0  }
0xcb: {  	[sflag:s0] =	ssyncadd.remote.s32 $0x1  }
0xcc: {  	_ =	sfence.sel $0xFFFF  }
0xcd: {  	[dreg:$0x0] =	wrdreg $0xFFFFFFFF;
	(pc) =	sbr.abs _section_cstart, $3  }
0xce: {  	[dreg:$0x1] =	wrdreg $0xFFFFFFFF  }
0xcf: {  	_ =	task.clear_ibuf [dreg:s22], $0x2FFFF;
	_ =	strace $0x9FFFFFFF  }
0xd0: {  	(tm) =	ssettm $0x7FFFFFFF  }
0xd1: {  	_ =	shalt  }
tec
execute0_lowered:
.L_overlay_start_1:
0x0: {  	(tag) =	ssettag $0x1  }
0x1: {  	s8 =	rddreg [dreg:$0x0]  }
0x2: {  	s0 =	rddreg [dreg:$0x1];
	_ =	strace $0x8000004A;
	s1 =	stileid.u32  }
0x3: {  	s3 =	srdreg.scid;
	s4 =	simm.s32 $0x1;
	s7 =	simm.s32 $0x1  }
0x4: {  	s9 =	simm.s32 $0x1;
	s10 =	simm.s32 $0x3;
	s13 =	simm.s32 $0x0  }
0x5: {  	s12 =	simm.s32 $0x0;
	s5 =	sand.u32 $0x1, s3;
	s6 =	sshll.u32 s1, $0x1  }
0x6: {  	s2 =	sadd.s32 $0x6E00, s8;
	s3 =	sadd.s32 $0x1AA00, s8;
	s5 =	sor.u32 s6, s5  }
.Ltmp0:
0x7: {  	[sflag:s4] =	ssyncpa.u1 $0x0;
	p0 =	slt.u32 s5, $0x9;
	(pc) =	sbr.rel .LBB2_1-.Ltmp0, $4  }
0x8: {  	s6 =	simm.s32 $0x2;
	s7 =	simm.s32 @!p0 $0x0;
	p0 =	sne.s32 s5, $0x8  }
0x9: {  	[sflag:s6] =	ssyncpa.u1 $0x0;
	s5 =	smul.u32 $0x1F40, s5;
	s9 =	simm.s32 @!p0 $0x0  }
0xa: {  	s8 =	sadd.s32 $0x2E600, s8;
	[sflag:s10] =	ssyncpa.u1 $0x0;
	s7 =	sadd.s32 s9, s7  }
0xb: {  	vm0 =	vmmov $0xffff;
	s10 =	simm.s32 $0x0;
	s11 =	smov.u32 s5;
	s9 =	sadd.s32 $0x1, s7  }
.LBB2_4:
0xc: {  	v2 =	vnsel vm1, $0x0, v2  }
0xd: {  	vm1 =	vgt.s32 v0, $0x0;
	v2 =	vmin.u32 v2, $0x4E1FF  }
0xe: {  	v0 =	vnsel vm1, $0x0, v0  }
0xf: {  	v0 =	vmin.u32 v0, $0x4E1FF  }
0x10: {  	[tilespmem:s18], [sflag:$0x1] =	stream.indirect_vreg.gather [hbm4b:s2+s10], $0x1, v1, vm0, $0x4038;
	[tilespmem:$0x7D00] =	vst v63  }
0x11: {  	(ifvalue) =	ssetifvalue $0x7FFFFFFF  }
0x12: {  	[tilespmem:s15], [sflag:$0x1] =	stream.indirect_vreg.gather [hbm4b:s2+s10], $0x1, v2, vm0, $0x4038;
	[tilespmem:$0x7D00] =	vst v63  }
0x13: {  	s29 =	sadd.s32 $0x10, s15;
	(ifvalue) =	ssetifvalue $0x7FFFFFFF  }
0x14: {  	[tilespmem:s29], [sflag:$0x1] =	stream.indirect_vreg.gather [hbm4b:s2+s10], $0x1, v0, vm0, $0x4038;
	[tilespmem:$0x7D00] =	vst v63  }
0x15: {  	_ =	swait.ge [sflag:s4], $0x1F40  }
0x16: {  	s30 =	sshrl.u32 s13, $0x3;
	[sflag:s4] =	ssyncset.done $0x0  }
0x17: {  	s31 =	sand.u32 $0x7, s13;
	s15 =	sadd.s32 s8, s30;
	[sflag:s4] =	ssyncadd.s32 $0xFFFFE0C0  }
0x18: {  	[hbm4b:s15+s31] =	stream.linear.scatter [tilespmem:s14], [sflag:$0x3], $0x1F40, $0x38;
	[tilespmem:$0x7D00] =	vst v63  }
.LBB2_5:
0x19: {  	s15 =	sadd.s32 $0x3E800, s11  }
0x1a: {  	p1 =	sgt.s32 s15, $0x4E1FF  }
0x1b: {  	s15 =	smov.u32 @p1 s5;
	p1 =	sne.s32 s12, s9  }
.Ltmp1:
0x1c: {  	p0 =	slt.u32 s12, $0x2;
	(pc) =	sbr.rel @!p1 .LBB2_6-.Ltmp1, $4  }
0x1d: {  	s14 =	simm.s32 @!p0 $0x3  }
0x1e: {  	_ =	swait.ge @!p0 [sflag:s14], $0x1F40  }
0x1f: {  	s16 =	sadd.s32 $0x1, s12;
	s13 =	smov.u32 s11;
	[sflag:s14] =	ssyncset.done @!p0 $0x0  }
0x20: {  	s12 =	smov.u32 s16;
	s11 =	smov.u32 s15;
	[sflag:s14] =	ssyncadd.s32 @!p0 $0xFFFFE0C0  }
.LBB2_1:
0x21: {  	p0 =	sge.u32 s12, s7  }
0x22: {  	s14 =	sxor.u32 @!p0 $0x1, s12  }
0x23: {  	s14 =	smul.u32 @!p0 $0x7D00, s14  }
0x24: {  	s31 =	sadd.s32 $0xFFFFFFFF, s12;
	s15 =	sshrl.u32 @!p0 s11, $0x3  }
0x25: {  	s16 =	sand.u32 @!p0 $0x7, s11;
	s15 =	sadd.s32 @!p0 s3, s15;
	s14 =	sshra.s32 @!p0 s14, $0x2  }
0x26: {  	[tilespmem:s14], [sflag:$0x2] =	stream.linear.gather @!p0 [hbm4b:s15+s16], $0x1F40, $0x38;
	[tilespmem:$0x7D00] =	vst v63  }
0x27: {  	p0 =	sge.u32 s31, s7  }
.Ltmp2:
0x28: {  	_ = 	snop;
	(pc) =	sbr.rel @p0 .LBB2_5-.Ltmp2, $1  }
0x29: {  	_ =	sdelay $0x3  }
0x2a: {  	s14 =	sand.u32 $0x1, s12  }
0x2b: {  	_ =	swait.ge [sflag:s6], $0x1F40;
	p0 =	seq.s32 s14, $0x1;
	s14 =	simm.s32 $0x1F40  }
0x2c: {  	[sflag:s6] =	ssyncset.done $0x0;
	s14 =	simm.s32 @!p0 $0x0  }
0x2d: {  	[sflag:s6] =	ssyncadd.s32 $0xFFFFE0C0;
	(ifvalue) =	ssetifvalue $0x7FFFFFFF;
	v0 =	vld.msk [tilespmem:s14+$0x0 ss:$0x1], $0xffff;
	_ =	sdelay $0x4  }
0x2e: {  	s15 =	sadd.s32 $0x10, s14;
	vm1 =	vgt.s32 v0, $0x0  }
0x2f: {  	v2 =	vld.msk [tilespmem:s15+$0x0 ss:$0x1], $0xffff;
	v1 =	vnsel vm1, $0x0, v0  }
0x30: {  	v1 =	vmin.u32 v1, $0x4E1FF;
	_ =	sdelay $0x2  }
0x31: {  	s17 =	simm.s32 $0x20;
	s14 =	sadd.s32 $0x3E80, s14;
	s16 =	sadd.s32 $0x10, s15  }
0x32: {  	s15 =	sadd.s32 $0x10, s14;
	s18 =	smov.u32 s14;
	v0 =	vld.msk [tilespmem:s16+$0x0 ss:$0x1], $0xffff;
	vm1 =	vgt.s32 v2, $0x0;
	(ifvalue) =	ssetifvalue $0x7FFFFFFF  }
.LBB2_3:
0x33: {  	[tilespmem:s18], [sflag:$0x1] =	stream.indirect_vreg.gather [hbm4b:s2+s10], $0x1, v1, vm0, $0x4038;
	[tilespmem:$0x7D00] =	vst v63  }
0x34: {  	s17 =	sadd.s32 $0x10, s17  }
0x35: {  	v2 =	vnsel vm1, $0x0, v2;
	p0 =	slt.u32 s17, $0x1F30  }
.Ltmp3:
0x36: {  	s18 =	smov.u32 s15;
	v1 =	vmin.u32 v2, $0x4E1FF;
	(pc) =	sbr.rel @p0 .LBB2_3-.Ltmp3, $3  }
0x37: {  	_ =	sdelay $0x1  }
0x38: {  	s16 =	sadd.s32 $0x10, s16  }
0x39: {  	vm1 =	vgt.s32 v0, $0x0;
	s15 =	sadd.s32 $0x10, s15;
	v2 =	vmov v0;
	(ifvalue) =	ssetifvalue $0x7FFFFFFF;
	v0 =	vld.msk [tilespmem:s16+$0x0 ss:$0x1], $0xffff  }
.Ltmp4:
0x3a: {  	_ = 	snop;
	(pc) =	sbr.rel .LBB2_4-.Ltmp4, $1  }
0x3b: {  	_ =	sdelay $0x3  }
.LBB2_6:
0x3c: {  	_ =	sfence.sel $0x180000  }
0x3d: {  	s2 =	simm.s32 $0x2;
	[bflag:$0x0] =	sbarrier.arrive $0xFFFF  }
0x3e: {  	s30 =	simm.s32 $0x3;
	[sflag:s2] =	ssyncpa.u1 $0x1  }
0x3f: {  	s31 =	simm.s32 $0x1;
	[sflag:s30] =	ssyncpa.u1 $0x1  }
0x40: {  	[sflag:s31] =	ssyncpa.u1 $0x1  }
0x41: {  	p0 =	sne.s32 s1, $0x0;
	_ =	strace $0x9000004A  }
0x42: {  	s0 =	sadd.s32 @!p0 $0x100000, s0;
	[bflag:$0x2] =	sbarrier.arrive $0xFFFF  }
0x43: {  	[sflag:s0] =	ssyncadd.tile.s32 @!p0 $0x1;
	_ =	shalt  }
.Lfunc_end2:
_tile_overlayer_lowered:
.L_overlay_start_2:
0x44: {  	(tag) =	ssettag $0x2  }
0x45: {  	s0 =	rddreg [dreg:$0x0];
	s2 =	stileid.u32  }
0x46: {  	s1 =	rddreg [dreg:$0x1];
	p0 =	sne.s32 s2, $0x0  }
0x47: {  	s3 =	rddreg [dreg:$0x2];
	[bflag:$0x3] =	sbarrier.arrive $0xFFFF;
	s2 =	simm.s32 @!p0 $0x1C01  }
0x48: {  	[timem:s3], [sflag:s2] =	dma.local @!p0 [hbm:s0], s1  }
0x49: {  	s0 =	simm.s32 @!p0 $0x1  }
0x4a: {  	_ =	swait.ge @!p0 [sflag:s0], s1  }
0x4b: {  	s1 =	ssub.s32 @!p0 $0x0, s1;
	[sflag:s0] =	ssyncset.done @!p0 $0x0  }
0x4c: {  	[sflag:s0] =	ssyncadd.s32 @!p0 s1  }
0x4d: {  	[bflag:$0x3] =	sbarrier.arrive $0xFFFF  }
0x4e: {  	_ =	shalt  }

// kernel: kernel.12.cloned.1.call-start
scs
__scs_entry_jumppad:
0x0: {  	(pc) =	sbr.rel $0x88, $3  }
0x1: {  	(tag) =	ssettag $0x0;
	lr =	simm.s32 $0x1  }
0x2: {  	[smem:$0x3F71] =	sst lr;
	_ =	strace $0xD0000000  }
0x3: {  	_ = 	snop  }
0x4: {  	_ = 	snop  }
0x5: {  	_ = 	snop  }
0x6: {  	_ = 	snop  }
0x7: {  	_ = 	snop  }
__scs_overlays_trampoline_lowered:
0x8: {  	[smem:$0x3F80] =	sst s0  }
0x9: {  	[smem:$0x3F81] =	sst s1  }
0xa: {  	[smem:$0x3F82] =	sst s2  }
0xb: {  	[smem:$0x3F83] =	sst s3  }
0xc: {  	[smem:$0x3F84] =	sst s4  }
0xd: {  	[smem:$0x3F85] =	sst s5  }
0xe: {  	[smem:$0x3F86] =	sst s6  }
0xf: {  	[smem:$0x3F87] =	sst s7  }
0x10: {  	[smem:$0x3F88] =	sst s8  }
0x11: {  	[smem:$0x3F89] =	sst s9;
	s0 =	simm.s32 @!p0 $0x0  }
0x12: {  	s1 =	sld [smem:$0x3F6F];
	s0 =	simm.s32 @p0 $0x1  }
0x13: {  	[smem:$0x3F8A] =	sst s0;
	s0 =	simm.s32 @!p1 $0x0  }
0x14: {  	s2 =	sld [smem:$0x3F6E];
	s0 =	simm.s32 @p1 $0x1  }
0x15: {  	[smem:$0x3F8B] =	sst s0;
	s0 =	simm.s32 @!p2 $0x0  }
0x16: {  	s3 =	sld [smem:$0x3FDB];
	s0 =	simm.s32 @p2 $0x1  }
0x17: {  	s4 =	simm.s32 $0x1BF5;
	[smem:$0x3F8D] =	sst s0  }
0x18: {  	s0 =	sld [smem:$0x3F70];
	_ =	swait.ge [sflag:s4], $0x0  }
0x19: {  	s7 =	sld [smem:$0x3F71]  }
0x1a: {  	s8 =	sadd.s32 $0xFFFFE003, lr  }
0x1b: {  	s9 =	sadd.s32 $0xFFFFFEF7, lr;
	s5 =	simm.s32 $0xFFFFFFFF;
	p2 =	slt.u32 s8, $0xFFFFF086  }
0x1c: {  	p1 =	slt.u32 s9, $0xF7A;
	s5 =	simm.s32 @!p2 $0x0  }
0x1d: {  	s5 =	simm.s32 @p1 $0x1;
	p0 =	seq.s32 s7, s2  }
0x1e: {  	s7 =	smul.u32 @!p0 $0xF7A, s2;
	p2 =	seq.s32 @!p0 s5, $0x0  }
0x1f: {  	s9 =	smul.u32 $0xF7A, s1;
	s8 =	simm.s32 @!p0 $0x1BF5;
	p2 =	por !p2, p0  }
0x20: {  	[sflag:s8] =	ssyncset.s32 @!p0 $0xFFFFF086;
	s6 =	sadd.s32 @!p0 s3, s7;
	s7 =	simm.s32 @!p0 $0x108  }
0x21: {  	s3 =	sadd.s32 s3, s9;
	s6 =	sadd.s32 @!p0 $0x88, s6;
	s7 =	simm.s32 @p2 $0x1082  }
0x22: {  	[simem:s7], [sflag:s8] =	dma.local @!p0 [hbm:s6], $0xF7A  }
0x23: {  	s9 =	sor.u32 $0xD0000000, s2;
	s6 =	simm.s32 $0x108;
	_ =	swait.ge @!p0 [sflag:s8], $0x0  }
0x24: {  	s3 =	sadd.s32 $0x88, s3;
	s6 =	simm.s32 @!p1 $0x1082;
	[sflag:s4] =	ssyncset.s32 $0xFFFFF086  }
0x25: {  	[simem:s6], [sflag:s4] =	dma.local [hbm:s3], $0xF7A  }
0x26: {  	[smem:$0x3F71] =	sst s1;
	(tag) =	ssettag s2;
	_ =	strace s9  }
0x27: {  	s1 =	sld [smem:$0x3F81]  }
0x28: {  	s2 =	sld [smem:$0x3F82]  }
0x29: {  	s4 =	sld [smem:$0x3F84]  }
0x2a: {  	p0 =	seq.s32 s5, $0x0;
	s5 =	sld [smem:$0x3F85]  }
0x2b: {  	s6 =	sld [smem:$0x3F86]  }
0x2c: {  	s7 =	sld [smem:$0x3F87]  }
0x2d: {  	s3 =	simm.s32 $0x108;
	s8 =	sld [smem:$0x3F88]  }
0x2e: {  	s3 =	simm.s32 @!p0 $0x1082;
	s9 =	sld [smem:$0x3F89]  }
0x2f: {  	lr =	sadd.s32 s0, s3;
	s0 =	sld [smem:$0x3F80]  }
0x30: {  	s3 =	sld [smem:$0x3F83]  }
0x31: {  	[smem:$0x3F8C] =	sst s10  }
0x32: {  	s10 =	sld [smem:$0x3F8A];
	_ =	sdelay $0x3  }
0x33: {  	p0 =	seq.s32 s10, $0x1;
	s10 =	sld [smem:$0x3F8C];
	_ =	sdelay $0x3  }
0x34: {  	[smem:$0x3F8C] =	sst s10  }
0x35: {  	s10 =	sld [smem:$0x3F8B];
	_ =	sdelay $0x3  }
0x36: {  	p1 =	seq.s32 s10, $0x1;
	s10 =	sld [smem:$0x3F8C];
	_ =	sdelay $0x3  }
0x37: {  	[smem:$0x3F8C] =	sst s10  }
0x38: {  	s10 =	sld [smem:$0x3F8D]  }
0x39: {  	_ = 	snop;
	(pc) =	sbr.ind lr, $3  }
0x3a: {  	_ = 	snop  }
0x3b: {  	_ = 	snop  }
0x3c: {  	p2 =	seq.s32 s10, $0x1;
	s10 =	sld [smem:$0x3F8C]  }
0x3d: {  	_ =	shalt  }
0x3e: {  	_ =	shalt  }
0x3f: {  	_ =	shalt  }
0x40: {  	_ =	shalt  }
0x41: {  	_ =	shalt  }
0x42: {  	_ =	shalt  }
0x43: {  	_ =	shalt  }
0x44: {  	_ =	shalt  }
0x45: {  	_ =	shalt  }
0x46: {  	_ =	shalt  }
0x47: {  	_ =	shalt  }
0x48: {  	_ =	shalt  }
0x49: {  	_ =	shalt  }
0x4a: {  	_ =	shalt  }
0x4b: {  	_ =	shalt  }
0x4c: {  	_ =	shalt  }
0x4d: {  	_ =	shalt  }
0x4e: {  	_ =	shalt  }
0x4f: {  	_ =	shalt  }
0x50: {  	_ =	shalt  }
0x51: {  	_ =	shalt  }
0x52: {  	_ =	shalt  }
0x53: {  	_ =	shalt  }
0x54: {  	_ =	shalt  }
0x55: {  	_ =	shalt  }
0x56: {  	_ =	shalt  }
0x57: {  	_ =	shalt  }
0x58: {  	_ =	shalt  }
0x59: {  	_ =	shalt  }
0x5a: {  	_ =	shalt  }
0x5b: {  	_ =	shalt  }
0x5c: {  	_ =	shalt  }
0x5d: {  	_ =	shalt  }
0x5e: {  	_ =	shalt  }
0x5f: {  	_ =	shalt  }
0x60: {  	_ =	shalt  }
0x61: {  	_ =	shalt  }
0x62: {  	_ =	shalt  }
0x63: {  	_ =	shalt  }
0x64: {  	_ =	shalt  }
0x65: {  	_ =	shalt  }
0x66: {  	_ =	shalt  }
0x67: {  	_ =	shalt  }
0x68: {  	_ =	shalt  }
0x69: {  	_ =	shalt  }
0x6a: {  	_ =	shalt  }
0x6b: {  	_ =	shalt  }
0x6c: {  	_ =	shalt  }
0x6d: {  	_ =	shalt  }
0x6e: {  	_ =	shalt  }
0x6f: {  	_ =	shalt  }
0x70: {  	_ =	shalt  }
0x71: {  	_ =	shalt  }
0x72: {  	_ =	shalt  }
0x73: {  	_ =	shalt  }
0x74: {  	_ =	shalt  }
0x75: {  	_ =	shalt  }
0x76: {  	_ =	shalt  }
0x77: {  	_ =	shalt  }
0x78: {  	_ =	shalt  }
0x79: {  	_ =	shalt  }
0x7a: {  	_ =	shalt  }
0x7b: {  	_ =	shalt  }
0x7c: {  	_ =	shalt  }
0x7d: {  	_ =	shalt  }
0x7e: {  	_ =	shalt  }
0x7f: {  	_ =	shalt  }
0x80: {  	_ =	shalt  }
0x81: {  	_ =	shalt  }
0x82: {  	_ =	shalt  }
0x83: {  	_ =	shalt  }
0x84: {  	_ =	shalt  }
0x85: {  	_ =	shalt  }
0x86: {  	_ =	shalt  }
0x87: {  	_ =	shalt  }
.Lfunc_end0:
.L_simem_size_0:
called_computation.2_lowered:
.L_overlay_start_0:
0x88: {  	s2 =	sld [smem:$0x3FD9]  }
0x89: {  	s3 =	sld [smem:$0x3FFE];
	_ =	sdelay $0x1  }
0x8a: {  	s1 =	srdreg.scid  }
0x8b: {  	s0 =	sand.u32 $0x1, s1  }
0x8c: {  	s17 =	sshll.u32 s0, $0xA;
	s2 =	sadd.s32 s3, s2  }
0x8d: {  	s2 =	sadd.s32 s2, s17  }
0x8e: {  	[smem:$0x3F98] =	sst s2  }
0x8f: {  	_ = 	snop  }
0x90: {  	s2 =	sld [smem:$0x3FC9];
	(tm) =	ssettm $0x1  }
0x91: {  	s18 =	sld [smem:$0x3FFB];
	_ =	sdelay $0x3  }
0x92: {  	_ =	strace s18  }
0x93: {  	s3 =	sld [smem:$0x3FFC];
	_ =	sdelay $0x3  }
0x94: {  	_ =	strace s3  }
0x95: {  	s3 =	sld [smem:$0x3FFD];
	_ =	sdelay $0x3  }
0x96: {  	_ =	strace s3  }
0x97: {  	_ =	strace $0x8FFFFFFF  }
0x98: {  	s19 =	sld [smem:$0x3FDB];
	_ =	sdelay $0x1  }
0x99: {  	s4 =	simm.s32 $_scs_section_size  }
0x9a: {  	s5 =	simm.s32 $_size__tile_overlayer_lowered;
	s6 =	simm.s32 $_tile_overlayer_lowered  }
0x9b: {  	s22 =	simm.s32 $0x1BFF;
	s21 =	sshll.u32 s6, $0x1;
	s3 =	sadd.s32 s4, s19  }
0x9c: {  	s7 =	simm.s32 $0x0;
	s20 =	sshll.u32 s5, $0x1;
	s5 =	sadd.s32 s21, s3  }
0x9d: {  	[timem:s7], [sflag:s22] =	dma.local [hbm:s5], s20  }
0x9e: {  	_ =	swait.ge [sflag:s22], s20  }
0x9f: {  	s4 =	ssub.s32 $0x0, s20;
	[sflag:s22] =	ssyncset.done $0x0  }
0xa0: {  	[sflag:s22] =	ssyncadd.s32 s4;
	_ =	sdelay $0x1  }
0xa1: {  	s23 =	simm.s32 $0x1B8B  }
0xa2: {  	_ =	swait.ge [sflag:s23], $0x1  }
0xa3: {  	[sflag:s23] =	ssyncset.done $0x0  }
0xa4: {  	s25 =	simm.s32 $0x1B8E;
	s24 =	sld [smem:$0x3FFE];
	[sflag:s23] =	ssyncadd.s32 $0xFFFFFFFF  }
0xa5: {  	s26 =	simm.s32 $execute0_lowered;
	[smem:$0x3FD2] =	sst s25  }
0xa6: {  	s5 =	sshll.u32 s26, $0x1;
	_ =	strace $0x8000004C;
	[dreg:$0x1] =	wrdreg $0xFFFFFFFF  }
0xa7: {  	s28 =	simm.s32 $_size_execute0_lowered;
	s3 =	sadd.s32 s3, s5;
	[dreg:$0x0] =	wrdreg $0x0  }
0xa8: {  	s5 =	sshll.u32 s28, $0x1;
	[dreg:$0x2] =	wrdreg s3  }
0xa9: {  	[dreg:$0x3] =	wrdreg s5  }
0xaa: {  	[dreg:$0x4] =	wrdreg $0xC0  }
0xab: {  	_ =	task [dreg:s7], $0x5FFFF  }
0xac: {  	[dreg:$0x1] =	wrdreg $0xFFFFFFFF  }
0xad: {  	[dreg:$0x0] =	wrdreg $0x60  }
0xae: {  	[dreg:$0x2] =	wrdreg s2  }
0xaf: {  	[dreg:$0x3] =	wrdreg s24  }
0xb0: {  	[dreg:$0x4] =	wrdreg $0x90000  }
0xb1: {  	[dreg:$0x5] =	wrdreg $0x9  }
0xb2: {  	_ =	task.clear_ibuf [dreg:s7], $0x6FFFF;
	_ =	strace $0x9000004C  }
0xb3: {  	s29 =	simm.s32 $0x9;
	_ =	strace $0x8000004E  }
0xb4: {  	_ =	swait.ge [sflag:s29], $0x1  }
0xb5: {  	[sflag:s29] =	ssyncadd.s32 $0xFFFFFFFF  }
0xb6: {  	_ =	strace $0x9000004E  }
0xb7: {  	_ =	sfence  }
0xb8: {  	s30 =	sld [smem:$0x0];
	_ =	sdelay $0x2  }
0xb9: {  	s31 =	sshll.u32 s1, $0xD;
	s1 =	sshrl.u32 s1, $0x2  }
0xba: {  	s3 =	sand.u32 $0x4000, s31;
	s1 =	sadd.s32 s1, s30  }
0xbb: {  	s0 =	sor.u32 s3, s0;
	s1 =	sshll.u32 s1, $0x11  }
0xbc: {  	s0 =	sor.u32 s1, s0  }
0xbd: {  	s0 =	sadd.s32 $0x8F2B, s0  }
0xbe: {  	[sflag:s0] =	ssyncadd.remote.s32 $0x1  }
0xbf: {  	_ =	sfence.sel $0xFFFF  }
0xc0: {  	[dreg:$0x0] =	wrdreg $0xFFFFFFFF;
	(pc) =	sbr.abs _section_cstart, $3  }
0xc1: {  	[dreg:$0x1] =	wrdreg $0xFFFFFFFF  }
0xc2: {  	_ =	task.clear_ibuf [dreg:s7], $0x2FFFF;
	_ =	strace $0x9FFFFFFF  }
0xc3: {  	(tm) =	ssettm $0x7FFFFFFF  }
tec
execute0_lowered:
.L_overlay_start_1:
0x0: {  	(tag) =	ssettag $0x1  }
0x1: {  	s1 =	rddreg [dreg:$0x0]  }
0x2: {  	s6 =	rddreg [dreg:$0x1]  }
0x3: {  	s0 =	srdreg.scid;
	s3 =	rddreg [dreg:$0x2];
	s4 =	simm.s32 $0x0  }
0x4: {  	s14 =	simm.s32 $0x80;
	s5 =	sand.u32 $0x1, s0;
	s0 =	stileid.u32  }
0x5: {  	s15 =	simm.s32 $0x5000;
	s16 =	simm.s32 $0x1;
	s8 =	smul.u32 $0x14000, s0  }
0x6: {  	s17 =	simm.s32 $0x0;
	[smem:$0x7FF] =	sst s4;
	s9 =	smul.u32 $0x140000, s5  }
0x7: {  	s2 =	sshll.u32 s5, $0x4;
	s5 =	ssub.s32 $0x2, s5;
	s29 =	smul.u32 $0x50000, s0  }
0x8: {  	s31 =	sshll.u32 s0, $0x6;
	s2 =	sor.u32 s0, s2;
	s11 =	sshrl.u32 s5, $0x1  }
0x9: {  	s7 =	smul.u32 $0x500, s2;
	s2 =	rddreg [dreg:$0x3];
	_ =	strace $0x8000004D  }
0xa: {  	s28 =	sshrl.u32 s8, $0x3;
	s8 =	sadd.s32 s8, s9;
	s30 =	sshrl.u32 s29, $0x2  }
0xb: {  	s11 =	ssub.s32 s5, s11;
	s8 =	sshrl.u32 s8, $0x3;
	s13 =	sadd.s32 s30, s3  }
0xc: {  	s10 =	sadd.s32 s7, s6;
	s7 =	sadd.s32 s28, s6;
	s12 =	sadd.s32 s8, s6  }
0xd: {  	s6 =	sor.u32 $0x1C02, s31;
	s5 =	sadd.s32 $0x42400, s7;
	s7 =	sadd.s32 $0x6E00, s10  }
0xe: {  	s8 =	sadd.s32 $0x38400, s10;
	s9 =	sadd.s32 $0x6A400, s12;
	s10 =	smax.u32 s11, $0x1  }
0xf: {  	s11 =	sshrl.u32 s13, $0x3;
	s12 =	simm.s32 $0x2;
	s13 =	simm.s32 $0x2800  }
.LBB2_1:
0x10: {  	[spmem:s11], [sflag:s6] =	dma.local [hbm:s5], $0x2800  }
0x11: {  	_ =	swait.ge [sflag:s12], $0x2800  }
0x12: {  	[sflag:s12] =	ssyncset.done $0x0  }
0x13: {  	[sflag:s12] =	ssyncadd.s32 $0xFFFFD800  }
0x14: {  	[tilespmem:s4], [sflag:$0x2] =	stream.linear.gather [hbm4b:s7+s4], $0x2800, $0x38;
	[tilespmem:$0x1D000] =	vst v63  }
0x15: {  	_ =	swait.ge [sflag:s12], $0x2800  }
0x16: {  	[sflag:s12] =	ssyncset.done $0x0  }
0x17: {  	[sflag:s12] =	ssyncadd.s32 $0xFFFFD800  }
0x18: {  	[tilespmem:s13], [sflag:$0x2] =	stream.linear.gather [hbm4b:s8+s4], $0x2800, $0x38;
	[tilespmem:$0x1D000] =	vst v63  }
0x19: {  	_ =	swait.ge [sflag:s12], $0x2800  }
0x1a: {  	[sflag:s12] =	ssyncset.done $0x0  }
0x1b: {  	[sflag:s12] =	ssyncadd.s32 $0xFFFFD800  }
0x1c: {  	s18 =	simm.s32 $0x0;
	[bflag:$0x0] =	sbarrier.arrive $0xFFFF  }
0x1d: {  	[tilespmem:s15], [sflag:$0x1] =	stream.indirect.gather [hbm4b:s1+s14], $0x80, s18, s14, $0xb8;
	[tilespmem:$0x1D000] =	vst v63  }
0x1e: {  	_ =	swait.ge [sflag:s16], $0x4000  }
0x1f: {  	[sflag:s16] =	ssyncset.done $0x0  }
0x20: {  	s31 =	simm.s32 $0x2800;
	[sflag:s16] =	ssyncadd.s32 $0xFFFFC000  }
0x21: {  	[spmem:s3] =	stream.indirect.scatter.add.f32 [tilespmem:s15], [sflag:$0x2], $0x80, s31, s14, $0xb8;
	[tilespmem:$0x1D000] =	vst v63  }
0x22: {  	_ =	swait.ge [sflag:s12], $0x4000  }
0x23: {  	s19 =	simm.s32 $0x400;
	s18 =	simm.s32 $0x200;
	[sflag:s12] =	ssyncset.done $0x0  }
.LBB2_2:
0x24: {  	s20 =	sshra.s32 s18, $0x2  }
0x25: {  	[sflag:s12] =	ssyncadd.s32 $0xFFFFC000;
	s18 =	smov.u32 s19;
	s21 =	sadd.s32 $0x200, s19  }
0x26: {  	[tilespmem:s15], [sflag:$0x1] =	stream.indirect.gather [hbm4b:s1+s14], $0x80, s20, s14, $0xb8;
	[tilespmem:$0x1D000] =	vst v63  }
0x27: {  	p0 =	sne.s32 s19, $0x9E00;
	_ =	swait.ge [sflag:s16], $0x4000  }
.Ltmp0:
0x28: {  	[sflag:s16] =	ssyncset.done $0x0;
	(pc) =	sbr.rel @p0 .LBB2_2-.Ltmp0, $4  }
0x29: {  	s19 =	sadd.s32 $0x2800, s20;
	[sflag:s16] =	ssyncadd.s32 $0xFFFFC000  }
0x2a: {  	[spmem:s3] =	stream.indirect.scatter.add.f32 [tilespmem:s15], [sflag:$0x2], $0x80, s19, s14, $0xb8;
	[tilespmem:$0x1D000] =	vst v63  }
0x2b: {  	_ =	swait.ge [sflag:s12], $0x4000  }
0x2c: {  	s19 =	smov.u32 s21;
	[sflag:s12] =	ssyncset.done $0x0  }
0x2d: {  	s18 =	sshra.s32 s18, $0x2;
	[sflag:s12] =	ssyncadd.s32 $0xFFFFC000  }
0x2e: {  	[tilespmem:s15], [sflag:$0x1] =	stream.indirect.gather [hbm4b:s1+s14], $0x80, s18, s14, $0xb8;
	[tilespmem:$0x1D000] =	vst v63  }
0x2f: {  	_ =	swait.ge [sflag:s16], $0x4000  }
0x30: {  	[sflag:s16] =	ssyncset.done $0x0  }
0x31: {  	s18 =	sadd.s32 $0x2800, s18;
	[sflag:s16] =	ssyncadd.s32 $0xFFFFC000  }
0x32: {  	[spmem:s3] =	stream.indirect.scatter.add.f32 [tilespmem:s15], [sflag:$0x2], $0x80, s18, s14, $0xb8;
	[tilespmem:$0x1D000] =	vst v63  }
0x33: {  	_ =	swait.ge [sflag:s12], $0x4000  }
0x34: {  	s17 =	sadd.s32 $0x1, s17;
	[sflag:s12] =	ssyncset.done $0x0  }
0x35: {  	p0 =	sne.s32 s17, s10;
	[sflag:s12] =	ssyncadd.s32 $0xFFFFC000  }
.Ltmp1:
0x36: {  	[bflag:$0x0] =	sbarrier.arrive $0xFFFF;
	(pc) =	sbr.rel @p0 .LBB2_1-.Ltmp1, $4  }
0x37: {  	[hbm:s9], [sflag:s6] =	dma.local [spmem:s11], $0x2800  }
0x38: {  	_ =	swait.ge [sflag:s12], $0x2800  }
0x39: {  	[sflag:s12] =	ssyncset.done $0x0  }
0x3a: {  	[sflag:s12] =	ssyncadd.s32 $0xFFFFD800  }
0x3b: {  	_ =	sfence.sel $0x180000  }
0x3c: {  	[bflag:$0x0] =	sbarrier.arrive $0xFFFF  }
0x3d: {  	p0 =	sne.s32 s0, $0x0;
	_ =	strace $0x9000004D  }
0x3e: {  	s0 =	sadd.s32 @!p0 $0x100000, s2;
	[bflag:$0x2] =	sbarrier.arrive $0xFFFF  }
0x3f: {  	[sflag:s0] =	ssyncadd.tile.s32 @!p0 $0x1;
	_ =	shalt  }
.Lfunc_end2:
_tile_overlayer_lowered:
.L_overlay_start_2:
0x40: {  	(tag) =	ssettag $0x2  }
0x41: {  	s0 =	rddreg [dreg:$0x0];
	s2 =	stileid.u32  }
0x42: {  	s1 =	rddreg [dreg:$0x1];
	p0 =	sne.s32 s2, $0x0  }
0x43: {  	s3 =	rddreg [dreg:$0x2];
	[bflag:$0x3] =	sbarrier.arrive $0xFFFF;
	s2 =	simm.s32 @!p0 $0x1C02  }
0x44: {  	[timem:s3], [sflag:s2] =	dma.local @!p0 [hbm:s0], s1  }
0x45: {  	s0 =	simm.s32 @!p0 $0x2  }
0x46: {  	_ =	swait.ge @!p0 [sflag:s0], s1  }
0x47: {  	s1 =	ssub.s32 @!p0 $0x0, s1;
	[sflag:s0] =	ssyncset.done @!p0 $0x0  }
0x48: {  	[sflag:s0] =	ssyncadd.s32 @!p0 s1  }
0x49: {  	[bflag:$0x3] =	sbarrier.arrive $0xFFFF  }
0x4a: {  	_ =	shalt  }

// kernel: kernel.15.cloned.1.call-start
scs
__scs_entry_jumppad:
0x0: {  	(pc) =	sbr.rel $0x88, $3  }
0x1: {  	(tag) =	ssettag $0x0;
	lr =	simm.s32 $0x1  }
0x2: {  	[smem:$0x3F71] =	sst lr;
	_ =	strace $0xD0000000  }
0x3: {  	_ = 	snop  }
0x4: {  	_ = 	snop  }
0x5: {  	_ = 	snop  }
0x6: {  	_ = 	snop  }
0x7: {  	_ = 	snop  }
__scs_overlays_trampoline_lowered:
0x8: {  	[smem:$0x3F80] =	sst s0  }
0x9: {  	[smem:$0x3F81] =	sst s1  }
0xa: {  	[smem:$0x3F82] =	sst s2  }
0xb: {  	[smem:$0x3F83] =	sst s3  }
0xc: {  	[smem:$0x3F84] =	sst s4  }
0xd: {  	[smem:$0x3F85] =	sst s5  }
0xe: {  	[smem:$0x3F86] =	sst s6  }
0xf: {  	[smem:$0x3F87] =	sst s7  }
0x10: {  	[smem:$0x3F88] =	sst s8  }
0x11: {  	[smem:$0x3F89] =	sst s9;
	s0 =	simm.s32 @!p0 $0x0  }
0x12: {  	s1 =	sld [smem:$0x3F6F];
	s0 =	simm.s32 @p0 $0x1  }
0x13: {  	[smem:$0x3F8A] =	sst s0;
	s0 =	simm.s32 @!p1 $0x0  }
0x14: {  	s2 =	sld [smem:$0x3F6E];
	s0 =	simm.s32 @p1 $0x1  }
0x15: {  	[smem:$0x3F8B] =	sst s0;
	s0 =	simm.s32 @!p2 $0x0  }
0x16: {  	s3 =	sld [smem:$0x3FDB];
	s0 =	simm.s32 @p2 $0x1  }
0x17: {  	s4 =	simm.s32 $0x1BF5;
	[smem:$0x3F8D] =	sst s0  }
0x18: {  	s0 =	sld [smem:$0x3F70];
	_ =	swait.ge [sflag:s4], $0x0  }
0x19: {  	s7 =	sld [smem:$0x3F71]  }
0x1a: {  	s8 =	sadd.s32 $0xFFFFE003, lr  }
0x1b: {  	s9 =	sadd.s32 $0xFFFFFEF7, lr;
	s5 =	simm.s32 $0xFFFFFFFF;
	p2 =	slt.u32 s8, $0xFFFFF086  }
0x1c: {  	p1 =	slt.u32 s9, $0xF7A;
	s5 =	simm.s32 @!p2 $0x0  }
0x1d: {  	s5 =	simm.s32 @p1 $0x1;
	p0 =	seq.s32 s7, s2  }
0x1e: {  	s7 =	smul.u32 @!p0 $0xF7A, s2;
	p2 =	seq.s32 @!p0 s5, $0x0  }
0x1f: {  	s9 =	smul.u32 $0xF7A, s1;
	s8 =	simm.s32 @!p0 $0x1BF5;
	p2 =	por !p2, p0  }
0x20: {  	[sflag:s8] =	ssyncset.s32 @!p0 $0xFFFFF086;
	s6 =	sadd.s32 @!p0 s3, s7;
	s7 =	simm.s32 @!p0 $0x108  }
0x21: {  	s3 =	sadd.s32 s3, s9;
	s6 =	sadd.s32 @!p0 $0x88, s6;
	s7 =	simm.s32 @p2 $0x1082  }
0x22: {  	[simem:s7], [sflag:s8] =	dma.local @!p0 [hbm:s6], $0xF7A  }
0x23: {  	s9 =	sor.u32 $0xD0000000, s2;
	s6 =	simm.s32 $0x108;
	_ =	swait.ge @!p0 [sflag:s8], $0x0  }
0x24: {  	s3 =	sadd.s32 $0x88, s3;
	s6 =	simm.s32 @!p1 $0x1082;
	[sflag:s4] =	ssyncset.s32 $0xFFFFF086  }
0x25: {  	[simem:s6], [sflag:s4] =	dma.local [hbm:s3], $0xF7A  }
0x26: {  	[smem:$0x3F71] =	sst s1;
	(tag) =	ssettag s2;
	_ =	strace s9  }
0x27: {  	s1 =	sld [smem:$0x3F81]  }
0x28: {  	s2 =	sld [smem:$0x3F82]  }
0x29: {  	s4 =	sld [smem:$0x3F84]  }
0x2a: {  	p0 =	seq.s32 s5, $0x0;
	s5 =	sld [smem:$0x3F85]  }
0x2b: {  	s6 =	sld [smem:$0x3F86]  }
0x2c: {  	s7 =	sld [smem:$0x3F87]  }
0x2d: {  	s3 =	simm.s32 $0x108;
	s8 =	sld [smem:$0x3F88]  }
0x2e: {  	s3 =	simm.s32 @!p0 $0x1082;
	s9 =	sld [smem:$0x3F89]  }
0x2f: {  	lr =	sadd.s32 s0, s3;
	s0 =	sld [smem:$0x3F80]  }
0x30: {  	s3 =	sld [smem:$0x3F83]  }
0x31: {  	[smem:$0x3F8C] =	sst s10  }
0x32: {  	s10 =	sld [smem:$0x3F8A];
	_ =	sdelay $0x3  }
0x33: {  	p0 =	seq.s32 s10, $0x1;
	s10 =	sld [smem:$0x3F8C];
	_ =	sdelay $0x3  }
0x34: {  	[smem:$0x3F8C] =	sst s10  }
0x35: {  	s10 =	sld [smem:$0x3F8B];
	_ =	sdelay $0x3  }
0x36: {  	p1 =	seq.s32 s10, $0x1;
	s10 =	sld [smem:$0x3F8C];
	_ =	sdelay $0x3  }
0x37: {  	[smem:$0x3F8C] =	sst s10  }
0x38: {  	s10 =	sld [smem:$0x3F8D]  }
0x39: {  	_ = 	snop;
	(pc) =	sbr.ind lr, $3  }
0x3a: {  	_ = 	snop  }
0x3b: {  	_ = 	snop  }
0x3c: {  	p2 =	seq.s32 s10, $0x1;
	s10 =	sld [smem:$0x3F8C]  }
0x3d: {  	_ =	shalt  }
0x3e: {  	_ =	shalt  }
0x3f: {  	_ =	shalt  }
0x40: {  	_ =	shalt  }
0x41: {  	_ =	shalt  }
0x42: {  	_ =	shalt  }
0x43: {  	_ =	shalt  }
0x44: {  	_ =	shalt  }
0x45: {  	_ =	shalt  }
0x46: {  	_ =	shalt  }
0x47: {  	_ =	shalt  }
0x48: {  	_ =	shalt  }
0x49: {  	_ =	shalt  }
0x4a: {  	_ =	shalt  }
0x4b: {  	_ =	shalt  }
0x4c: {  	_ =	shalt  }
0x4d: {  	_ =	shalt  }
0x4e: {  	_ =	shalt  }
0x4f: {  	_ =	shalt  }
0x50: {  	_ =	shalt  }
0x51: {  	_ =	shalt  }
0x52: {  	_ =	shalt  }
0x53: {  	_ =	shalt  }
0x54: {  	_ =	shalt  }
0x55: {  	_ =	shalt  }
0x56: {  	_ =	shalt  }
0x57: {  	_ =	shalt  }
0x58: {  	_ =	shalt  }
0x59: {  	_ =	shalt  }
0x5a: {  	_ =	shalt  }
0x5b: {  	_ =	shalt  }
0x5c: {  	_ =	shalt  }
0x5d: {  	_ =	shalt  }
0x5e: {  	_ =	shalt  }
0x5f: {  	_ =	shalt  }
0x60: {  	_ =	shalt  }
0x61: {  	_ =	shalt  }
0x62: {  	_ =	shalt  }
0x63: {  	_ =	shalt  }
0x64: {  	_ =	shalt  }
0x65: {  	_ =	shalt  }
0x66: {  	_ =	shalt  }
0x67: {  	_ =	shalt  }
0x68: {  	_ =	shalt  }
0x69: {  	_ =	shalt  }
0x6a: {  	_ =	shalt  }
0x6b: {  	_ =	shalt  }
0x6c: {  	_ =	shalt  }
0x6d: {  	_ =	shalt  }
0x6e: {  	_ =	shalt  }
0x6f: {  	_ =	shalt  }
0x70: {  	_ =	shalt  }
0x71: {  	_ =	shalt  }
0x72: {  	_ =	shalt  }
0x73: {  	_ =	shalt  }
0x74: {  	_ =	shalt  }
0x75: {  	_ =	shalt  }
0x76: {  	_ =	shalt  }
0x77: {  	_ =	shalt  }
0x78: {  	_ =	shalt  }
0x79: {  	_ =	shalt  }
0x7a: {  	_ =	shalt  }
0x7b: {  	_ =	shalt  }
0x7c: {  	_ =	shalt  }
0x7d: {  	_ =	shalt  }
0x7e: {  	_ =	shalt  }
0x7f: {  	_ =	shalt  }
0x80: {  	_ =	shalt  }
0x81: {  	_ =	shalt  }
0x82: {  	_ =	shalt  }
0x83: {  	_ =	shalt  }
0x84: {  	_ =	shalt  }
0x85: {  	_ =	shalt  }
0x86: {  	_ =	shalt  }
0x87: {  	_ =	shalt  }
.Lfunc_end0:
.L_simem_size_0:
called_computation.3_lowered:
.L_overlay_start_0:
0x88: {  	s2 =	sld [smem:$0x3FD9]  }
0x89: {  	s3 =	sld [smem:$0x3FFE];
	_ =	sdelay $0x1  }
0x8a: {  	s1 =	srdreg.scid  }
0x8b: {  	s0 =	sand.u32 $0x1, s1  }
0x8c: {  	s16 =	sshll.u32 s0, $0xA;
	s2 =	sadd.s32 s3, s2  }
0x8d: {  	s2 =	sadd.s32 s2, s16  }
0x8e: {  	[smem:$0x3F98] =	sst s2  }
0x8f: {  	_ = 	snop  }
0x90: {  	(tm) =	ssettm $0x1  }
0x91: {  	s17 =	sld [smem:$0x3FFB];
	_ =	sdelay $0x3  }
0x92: {  	_ =	strace s17  }
0x93: {  	s2 =	sld [smem:$0x3FFC];
	_ =	sdelay $0x3  }
0x94: {  	_ =	strace s2  }
0x95: {  	s2 =	sld [smem:$0x3FFD];
	_ =	sdelay $0x3  }
0x96: {  	_ =	strace s2  }
0x97: {  	_ =	strace $0x8FFFFFFF  }
0x98: {  	s18 =	sld [smem:$0x3FDB];
	_ =	sdelay $0x1  }
0x99: {  	s19 =	simm.s32 $_scs_section_size  }
0x9a: {  	s4 =	simm.s32 $_size__tile_overlayer_lowered;
	s5 =	simm.s32 $_tile_overlayer_lowered  }
0x9b: {  	s22 =	simm.s32 $0x1BFF;
	s21 =	sshll.u32 s5, $0x1;
	s2 =	sadd.s32 s19, s18  }
0x9c: {  	s6 =	simm.s32 $0x0;
	s20 =	sshll.u32 s4, $0x1;
	s4 =	sadd.s32 s21, s2  }
0x9d: {  	[timem:s6], [sflag:s22] =	dma.local [hbm:s4], s20  }
0x9e: {  	_ =	swait.ge [sflag:s22], s20  }
0x9f: {  	s3 =	ssub.s32 $0x0, s20;
	[sflag:s22] =	ssyncset.done $0x0  }
0xa0: {  	[sflag:s22] =	ssyncadd.s32 s3;
	_ =	sdelay $0x1  }
0xa1: {  	s23 =	simm.s32 $0x1B8B  }
0xa2: {  	_ =	swait.ge [sflag:s23], $0x1  }
0xa3: {  	[sflag:s23] =	ssyncset.done $0x0  }
0xa4: {  	s25 =	simm.s32 $0x1B8E;
	s24 =	sld [smem:$0x3FFE];
	[sflag:s23] =	ssyncadd.s32 $0xFFFFFFFF  }
0xa5: {  	s26 =	simm.s32 $execute0_lowered;
	[smem:$0x3FD2] =	sst s25  }
0xa6: {  	s4 =	sshll.u32 s26, $0x1;
	_ =	strace $0x8000004F;
	[dreg:$0x1] =	wrdreg $0xFFFFFFFF  }
0xa7: {  	s28 =	simm.s32 $_size_execute0_lowered;
	s2 =	sadd.s32 s2, s4;
	[dreg:$0x0] =	wrdreg $0x0  }
0xa8: {  	s4 =	sshll.u32 s28, $0x1;
	[dreg:$0x2] =	wrdreg s2  }
0xa9: {  	[dreg:$0x3] =	wrdreg s4  }
0xaa: {  	[dreg:$0x4] =	wrdreg $0xC0  }
0xab: {  	_ =	task [dreg:s6], $0x5FFFF  }
0xac: {  	[dreg:$0x1] =	wrdreg $0xFFFFFFFF  }
0xad: {  	[dreg:$0x0] =	wrdreg $0x60  }
0xae: {  	[dreg:$0x2] =	wrdreg s24  }
0xaf: {  	[dreg:$0x3] =	wrdreg $0x90000  }
0xb0: {  	[dreg:$0x4] =	wrdreg $0x9  }
0xb1: {  	_ =	task.clear_ibuf [dreg:s6], $0x5FFFF;
	_ =	strace $0x9000004F  }
0xb2: {  	s29 =	simm.s32 $0x9;
	_ =	strace $0x80000051  }
0xb3: {  	_ =	swait.ge [sflag:s29], $0x1  }
0xb4: {  	[sflag:s29] =	ssyncadd.s32 $0xFFFFFFFF  }
0xb5: {  	_ =	strace $0x90000051  }
0xb6: {  	_ =	sfence  }
0xb7: {  	s30 =	sld [smem:$0x0];
	_ =	sdelay $0x2  }
0xb8: {  	s31 =	sshll.u32 s1, $0xD;
	s1 =	sshrl.u32 s1, $0x2  }
0xb9: {  	s3 =	sand.u32 $0x4000, s31;
	s1 =	sadd.s32 s1, s30  }
0xba: {  	s0 =	sor.u32 s3, s0;
	s1 =	sshll.u32 s1, $0x11  }
0xbb: {  	s0 =	sor.u32 s1, s0  }
0xbc: {  	s0 =	sadd.s32 $0x8F2B, s0  }
0xbd: {  	[sflag:s0] =	ssyncadd.remote.s32 $0x1  }
0xbe: {  	_ =	sfence.sel $0xFFFF  }
0xbf: {  	[dreg:$0x0] =	wrdreg $0xFFFFFFFF;
	(pc) =	sbr.abs _section_cstart, $3  }
0xc0: {  	[dreg:$0x1] =	wrdreg $0xFFFFFFFF  }
0xc1: {  	_ =	task.clear_ibuf [dreg:s6], $0x2FFFF;
	_ =	strace $0x9FFFFFFF  }
0xc2: {  	(tm) =	ssettm $0x7FFFFFFF  }
0xc3: {  	_ =	shalt  }
tec
execute0_lowered:
.L_overlay_start_1:
0x0: {  	(tag) =	ssettag $0x1  }
0x1: {  	s0 =	srdreg.scid;
	s6 =	rddreg [dreg:$0x0]  }
0x2: {  	s2 =	rddreg [dreg:$0x1];
	s3 =	simm.s32 $0x0;
	s14 =	simm.s32 $0x80  }
0x3: {  	s15 =	simm.s32 $0x5000;
	s5 =	sand.u32 $0x1, s0;
	s0 =	stileid.u32  }
0x4: {  	s16 =	simm.s32 $0x1;
	s17 =	simm.s32 $0x0;
	s8 =	smul.u32 $0x14000, s0  }
0x5: {  	[smem:$0x7FF] =	sst s3;
	s1 =	sshll.u32 s5, $0x4;
	s9 =	smul.u32 $0x140000, s5  }
0x6: {  	s5 =	ssub.s32 $0x2, s5;
	s29 =	smul.u32 $0x50000, s0;
	s31 =	sshll.u32 s0, $0x6  }
0x7: {  	s4 =	sor.u32 s0, s1;
	s1 =	rddreg [dreg:$0x2];
	_ =	strace $0x80000050  }
0x8: {  	s11 =	sshrl.u32 s5, $0x1;
	s7 =	smul.u32 $0x500, s4;
	s4 =	sadd.s32 $0x10E00, s6  }
0x9: {  	s28 =	sshrl.u32 s8, $0x3;
	s8 =	sadd.s32 s8, s9;
	s30 =	sshrl.u32 s29, $0x2  }
0xa: {  	s11 =	ssub.s32 s5, s11;
	s8 =	sshrl.u32 s8, $0x3;
	s13 =	sadd.s32 s30, s2  }
0xb: {  	s10 =	sadd.s32 s7, s6;
	s7 =	sadd.s32 s28, s6;
	s12 =	sadd.s32 s8, s6  }
0xc: {  	s6 =	sor.u32 $0x1C02, s31;
	s5 =	sadd.s32 $0x42400, s7;
	s7 =	sadd.s32 $0x6E00, s10  }
0xd: {  	s8 =	sadd.s32 $0x38400, s10;
	s9 =	sadd.s32 $0x6A400, s12;
	s10 =	smax.u32 s11, $0x1  }
0xe: {  	s11 =	sshrl.u32 s13, $0x3;
	s12 =	simm.s32 $0x2;
	s13 =	simm.s32 $0x2800  }
.LBB2_1:
0xf: {  	[spmem:s11], [sflag:s6] =	dma.local [hbm:s5], $0x2800  }
0x10: {  	_ =	swait.ge [sflag:s12], $0x2800  }
0x11: {  	[sflag:s12] =	ssyncset.done $0x0  }
0x12: {  	[sflag:s12] =	ssyncadd.s32 $0xFFFFD800  }
0x13: {  	[tilespmem:s3], [sflag:$0x2] =	stream.linear.gather [hbm4b:s7+s3], $0x2800, $0x38;
	[tilespmem:$0x1D000] =	vst v63  }
0x14: {  	_ =	swait.ge [sflag:s12], $0x2800  }
0x15: {  	[sflag:s12] =	ssyncset.done $0x0  }
0x16: {  	[sflag:s12] =	ssyncadd.s32 $0xFFFFD800  }
0x17: {  	[tilespmem:s13], [sflag:$0x2] =	stream.linear.gather [hbm4b:s8+s3], $0x2800, $0x38;
	[tilespmem:$0x1D000] =	vst v63  }
0x18: {  	_ =	swait.ge [sflag:s12], $0x2800  }
0x19: {  	[sflag:s12] =	ssyncset.done $0x0  }
0x1a: {  	[sflag:s12] =	ssyncadd.s32 $0xFFFFD800  }
0x1b: {  	s18 =	simm.s32 $0x0;
	[bflag:$0x0] =	sbarrier.arrive $0xFFFF  }
0x1c: {  	[tilespmem:s15], [sflag:$0x1] =	stream.indirect.gather [hbm4b:s4+s14], $0x80, s18, s14, $0xb8;
	[tilespmem:$0x1D000] =	vst v63  }
0x1d: {  	_ =	swait.ge [sflag:s16], $0x4000  }
0x1e: {  	[sflag:s16] =	ssyncset.done $0x0  }
0x1f: {  	s31 =	simm.s32 $0x2800;
	[sflag:s16] =	ssyncadd.s32 $0xFFFFC000  }
0x20: {  	[spmem:s2] =	stream.indirect.scatter.add.f32 [tilespmem:s15], [sflag:$0x2], $0x80, s31, s14, $0xb8;
	[tilespmem:$0x1D000] =	vst v63  }
0x21: {  	_ =	swait.ge [sflag:s12], $0x4000  }
0x22: {  	s19 =	simm.s32 $0x400;
	s18 =	simm.s32 $0x200;
	[sflag:s12] =	ssyncset.done $0x0  }
.LBB2_2:
0x23: {  	s20 =	sshra.s32 s18, $0x2  }
0x24: {  	[sflag:s12] =	ssyncadd.s32 $0xFFFFC000;
	s18 =	smov.u32 s19;
	s21 =	sadd.s32 $0x200, s19  }
0x25: {  	[tilespmem:s15], [sflag:$0x1] =	stream.indirect.gather [hbm4b:s4+s14], $0x80, s20, s14, $0xb8;
	[tilespmem:$0x1D000] =	vst v63  }
0x26: {  	p0 =	sne.s32 s19, $0x9E00;
	_ =	swait.ge [sflag:s16], $0x4000  }
.Ltmp0:
0x27: {  	[sflag:s16] =	ssyncset.done $0x0;
	(pc) =	sbr.rel @p0 .LBB2_2-.Ltmp0, $4  }
0x28: {  	s19 =	sadd.s32 $0x2800, s20;
	[sflag:s16] =	ssyncadd.s32 $0xFFFFC000  }
0x29: {  	[spmem:s2] =	stream.indirect.scatter.add.f32 [tilespmem:s15], [sflag:$0x2], $0x80, s19, s14, $0xb8;
	[tilespmem:$0x1D000] =	vst v63  }
0x2a: {  	_ =	swait.ge [sflag:s12], $0x4000  }
0x2b: {  	s19 =	smov.u32 s21;
	[sflag:s12] =	ssyncset.done $0x0  }
0x2c: {  	s18 =	sshra.s32 s18, $0x2;
	[sflag:s12] =	ssyncadd.s32 $0xFFFFC000  }
0x2d: {  	[tilespmem:s15], [sflag:$0x1] =	stream.indirect.gather [hbm4b:s4+s14], $0x80, s18, s14, $0xb8;
	[tilespmem:$0x1D000] =	vst v63  }
0x2e: {  	_ =	swait.ge [sflag:s16], $0x4000  }
0x2f: {  	[sflag:s16] =	ssyncset.done $0x0  }
0x30: {  	s18 =	sadd.s32 $0x2800, s18;
	[sflag:s16] =	ssyncadd.s32 $0xFFFFC000  }
0x31: {  	[spmem:s2] =	stream.indirect.scatter.add.f32 [tilespmem:s15], [sflag:$0x2], $0x80, s18, s14, $0xb8;
	[tilespmem:$0x1D000] =	vst v63  }
0x32: {  	_ =	swait.ge [sflag:s12], $0x4000  }
0x33: {  	s17 =	sadd.s32 $0x1, s17;
	[sflag:s12] =	ssyncset.done $0x0  }
0x34: {  	p0 =	sne.s32 s17, s10;
	[sflag:s12] =	ssyncadd.s32 $0xFFFFC000  }
.Ltmp1:
0x35: {  	[bflag:$0x0] =	sbarrier.arrive $0xFFFF;
	(pc) =	sbr.rel @p0 .LBB2_1-.Ltmp1, $4  }
0x36: {  	[hbm:s9], [sflag:s6] =	dma.local [spmem:s11], $0x2800  }
0x37: {  	_ =	swait.ge [sflag:s12], $0x2800  }
0x38: {  	[sflag:s12] =	ssyncset.done $0x0  }
0x39: {  	[sflag:s12] =	ssyncadd.s32 $0xFFFFD800  }
0x3a: {  	_ =	sfence.sel $0x180000  }
0x3b: {  	[bflag:$0x0] =	sbarrier.arrive $0xFFFF  }
0x3c: {  	p0 =	sne.s32 s0, $0x0;
	_ =	strace $0x90000050  }
0x3d: {  	s0 =	sadd.s32 @!p0 $0x100000, s1;
	[bflag:$0x2] =	sbarrier.arrive $0xFFFF  }
0x3e: {  	[sflag:s0] =	ssyncadd.tile.s32 @!p0 $0x1;
	_ =	shalt  }
.Lfunc_end2:
_tile_overlayer_lowered:
.L_overlay_start_2:
0x3f: {  	(tag) =	ssettag $0x2  }
0x40: {  	s0 =	rddreg [dreg:$0x0];
	s2 =	stileid.u32  }
0x41: {  	s1 =	rddreg [dreg:$0x1];
	p0 =	sne.s32 s2, $0x0  }
0x42: {  	s3 =	rddreg [dreg:$0x2];
	[bflag:$0x3] =	sbarrier.arrive $0xFFFF;
	s2 =	simm.s32 @!p0 $0x1C02  }
0x43: {  	[timem:s3], [sflag:s2] =	dma.local @!p0 [hbm:s0], s1  }
0x44: {  	s0 =	simm.s32 @!p0 $0x2  }
0x45: {  	_ =	swait.ge @!p0 [sflag:s0], s1  }
0x46: {  	s1 =	ssub.s32 @!p0 $0x0, s1;
	[sflag:s0] =	ssyncset.done @!p0 $0x0  }
0x47: {  	[sflag:s0] =	ssyncadd.s32 @!p0 s1  }
0x48: {  	[bflag:$0x3] =	sbarrier.arrive $0xFFFF  }
0x49: {  	_ =	shalt  }

// kernel: kernel.18.cloned.1.call-start
scs
__scs_entry_jumppad:
0x0: {  	(pc) =	sbr.rel $0x88, $3  }
0x1: {  	(tag) =	ssettag $0x0;
	lr =	simm.s32 $0x1  }
0x2: {  	[smem:$0x3F71] =	sst lr;
	_ =	strace $0xD0000000  }
0x3: {  	_ = 	snop  }
0x4: {  	_ = 	snop  }
0x5: {  	_ = 	snop  }
0x6: {  	_ = 	snop  }
0x7: {  	_ = 	snop  }
__scs_overlays_trampoline_lowered:
0x8: {  	[smem:$0x3F80] =	sst s0  }
0x9: {  	[smem:$0x3F81] =	sst s1  }
0xa: {  	[smem:$0x3F82] =	sst s2  }
0xb: {  	[smem:$0x3F83] =	sst s3  }
0xc: {  	[smem:$0x3F84] =	sst s4  }
0xd: {  	[smem:$0x3F85] =	sst s5  }
0xe: {  	[smem:$0x3F86] =	sst s6  }
0xf: {  	[smem:$0x3F87] =	sst s7  }
0x10: {  	[smem:$0x3F88] =	sst s8  }
0x11: {  	[smem:$0x3F89] =	sst s9;
	s0 =	simm.s32 @!p0 $0x0  }
0x12: {  	s1 =	sld [smem:$0x3F6F];
	s0 =	simm.s32 @p0 $0x1  }
0x13: {  	[smem:$0x3F8A] =	sst s0;
	s0 =	simm.s32 @!p1 $0x0  }
0x14: {  	s2 =	sld [smem:$0x3F6E];
	s0 =	simm.s32 @p1 $0x1  }
0x15: {  	[smem:$0x3F8B] =	sst s0;
	s0 =	simm.s32 @!p2 $0x0  }
0x16: {  	s3 =	sld [smem:$0x3FDB];
	s0 =	simm.s32 @p2 $0x1  }
0x17: {  	s4 =	simm.s32 $0x1BF5;
	[smem:$0x3F8D] =	sst s0  }
0x18: {  	s0 =	sld [smem:$0x3F70];
	_ =	swait.ge [sflag:s4], $0x0  }
0x19: {  	s7 =	sld [smem:$0x3F71]  }
0x1a: {  	s8 =	sadd.s32 $0xFFFFE003, lr  }
0x1b: {  	s9 =	sadd.s32 $0xFFFFFEF7, lr;
	s5 =	simm.s32 $0xFFFFFFFF;
	p2 =	slt.u32 s8, $0xFFFFF086  }
0x1c: {  	p1 =	slt.u32 s9, $0xF7A;
	s5 =	simm.s32 @!p2 $0x0  }
0x1d: {  	s5 =	simm.s32 @p1 $0x1;
	p0 =	seq.s32 s7, s2  }
0x1e: {  	s7 =	smul.u32 @!p0 $0xF7A, s2;
	p2 =	seq.s32 @!p0 s5, $0x0  }
0x1f: {  	s9 =	smul.u32 $0xF7A, s1;
	s8 =	simm.s32 @!p0 $0x1BF5;
	p2 =	por !p2, p0  }
0x20: {  	[sflag:s8] =	ssyncset.s32 @!p0 $0xFFFFF086;
	s6 =	sadd.s32 @!p0 s3, s7;
	s7 =	simm.s32 @!p0 $0x108  }
0x21: {  	s3 =	sadd.s32 s3, s9;
	s6 =	sadd.s32 @!p0 $0x88, s6;
	s7 =	simm.s32 @p2 $0x1082  }
0x22: {  	[simem:s7], [sflag:s8] =	dma.local @!p0 [hbm:s6], $0xF7A  }
0x23: {  	s9 =	sor.u32 $0xD0000000, s2;
	s6 =	simm.s32 $0x108;
	_ =	swait.ge @!p0 [sflag:s8], $0x0  }
0x24: {  	s3 =	sadd.s32 $0x88, s3;
	s6 =	simm.s32 @!p1 $0x1082;
	[sflag:s4] =	ssyncset.s32 $0xFFFFF086  }
0x25: {  	[simem:s6], [sflag:s4] =	dma.local [hbm:s3], $0xF7A  }
0x26: {  	[smem:$0x3F71] =	sst s1;
	(tag) =	ssettag s2;
	_ =	strace s9  }
0x27: {  	s1 =	sld [smem:$0x3F81]  }
0x28: {  	s2 =	sld [smem:$0x3F82]  }
0x29: {  	s4 =	sld [smem:$0x3F84]  }
0x2a: {  	p0 =	seq.s32 s5, $0x0;
	s5 =	sld [smem:$0x3F85]  }
0x2b: {  	s6 =	sld [smem:$0x3F86]  }
0x2c: {  	s7 =	sld [smem:$0x3F87]  }
0x2d: {  	s3 =	simm.s32 $0x108;
	s8 =	sld [smem:$0x3F88]  }
0x2e: {  	s3 =	simm.s32 @!p0 $0x1082;
	s9 =	sld [smem:$0x3F89]  }
0x2f: {  	lr =	sadd.s32 s0, s3;
	s0 =	sld [smem:$0x3F80]  }
0x30: {  	s3 =	sld [smem:$0x3F83]  }
0x31: {  	[smem:$0x3F8C] =	sst s10  }
0x32: {  	s10 =	sld [smem:$0x3F8A];
	_ =	sdelay $0x3  }
0x33: {  	p0 =	seq.s32 s10, $0x1;
	s10 =	sld [smem:$0x3F8C];
	_ =	sdelay $0x3  }
0x34: {  	[smem:$0x3F8C] =	sst s10  }
0x35: {  	s10 =	sld [smem:$0x3F8B];
	_ =	sdelay $0x3  }
0x36: {  	p1 =	seq.s32 s10, $0x1;
	s10 =	sld [smem:$0x3F8C];
	_ =	sdelay $0x3  }
0x37: {  	[smem:$0x3F8C] =	sst s10  }
0x38: {  	s10 =	sld [smem:$0x3F8D]  }
0x39: {  	_ = 	snop;
	(pc) =	sbr.ind lr, $3  }
0x3a: {  	_ = 	snop  }
0x3b: {  	_ = 	snop  }
0x3c: {  	p2 =	seq.s32 s10, $0x1;
	s10 =	sld [smem:$0x3F8C]  }
0x3d: {  	_ =	shalt  }
0x3e: {  	_ =	shalt  }
0x3f: {  	_ =	shalt  }
0x40: {  	_ =	shalt  }
0x41: {  	_ =	shalt  }
0x42: {  	_ =	shalt  }
0x43: {  	_ =	shalt  }
0x44: {  	_ =	shalt  }
0x45: {  	_ =	shalt  }
0x46: {  	_ =	shalt  }
0x47: {  	_ =	shalt  }
0x48: {  	_ =	shalt  }
0x49: {  	_ =	shalt  }
0x4a: {  	_ =	shalt  }
0x4b: {  	_ =	shalt  }
0x4c: {  	_ =	shalt  }
0x4d: {  	_ =	shalt  }
0x4e: {  	_ =	shalt  }
0x4f: {  	_ =	shalt  }
0x50: {  	_ =	shalt  }
0x51: {  	_ =	shalt  }
0x52: {  	_ =	shalt  }
0x53: {  	_ =	shalt  }
0x54: {  	_ =	shalt  }
0x55: {  	_ =	shalt  }
0x56: {  	_ =	shalt  }
0x57: {  	_ =	shalt  }
0x58: {  	_ =	shalt  }
0x59: {  	_ =	shalt  }
0x5a: {  	_ =	shalt  }
0x5b: {  	_ =	shalt  }
0x5c: {  	_ =	shalt  }
0x5d: {  	_ =	shalt  }
0x5e: {  	_ =	shalt  }
0x5f: {  	_ =	shalt  }
0x60: {  	_ =	shalt  }
0x61: {  	_ =	shalt  }
0x62: {  	_ =	shalt  }
0x63: {  	_ =	shalt  }
0x64: {  	_ =	shalt  }
0x65: {  	_ =	shalt  }
0x66: {  	_ =	shalt  }
0x67: {  	_ =	shalt  }
0x68: {  	_ =	shalt  }
0x69: {  	_ =	shalt  }
0x6a: {  	_ =	shalt  }
0x6b: {  	_ =	shalt  }
0x6c: {  	_ =	shalt  }
0x6d: {  	_ =	shalt  }
0x6e: {  	_ =	shalt  }
0x6f: {  	_ =	shalt  }
0x70: {  	_ =	shalt  }
0x71: {  	_ =	shalt  }
0x72: {  	_ =	shalt  }
0x73: {  	_ =	shalt  }
0x74: {  	_ =	shalt  }
0x75: {  	_ =	shalt  }
0x76: {  	_ =	shalt  }
0x77: {  	_ =	shalt  }
0x78: {  	_ =	shalt  }
0x79: {  	_ =	shalt  }
0x7a: {  	_ =	shalt  }
0x7b: {  	_ =	shalt  }
0x7c: {  	_ =	shalt  }
0x7d: {  	_ =	shalt  }
0x7e: {  	_ =	shalt  }
0x7f: {  	_ =	shalt  }
0x80: {  	_ =	shalt  }
0x81: {  	_ =	shalt  }
0x82: {  	_ =	shalt  }
0x83: {  	_ =	shalt  }
0x84: {  	_ =	shalt  }
0x85: {  	_ =	shalt  }
0x86: {  	_ =	shalt  }
0x87: {  	_ =	shalt  }
.Lfunc_end0:
.L_simem_size_0:
called_computation.4_lowered:
.L_overlay_start_0:
0x88: {  	s2 =	sld [smem:$0x3FD9]  }
0x89: {  	s3 =	sld [smem:$0x3FFE];
	_ =	sdelay $0x1  }
0x8a: {  	s1 =	srdreg.scid  }
0x8b: {  	s0 =	sand.u32 $0x1, s1  }
0x8c: {  	s16 =	sshll.u32 s0, $0xA;
	s2 =	sadd.s32 s3, s2  }
0x8d: {  	s2 =	sadd.s32 s2, s16  }
0x8e: {  	[smem:$0x3F98] =	sst s2  }
0x8f: {  	_ = 	snop  }
0x90: {  	(tm) =	ssettm $0x1  }
0x91: {  	s17 =	sld [smem:$0x3FFB];
	_ =	sdelay $0x3  }
0x92: {  	_ =	strace s17  }
0x93: {  	s2 =	sld [smem:$0x3FFC];
	_ =	sdelay $0x3  }
0x94: {  	_ =	strace s2  }
0x95: {  	s2 =	sld [smem:$0x3FFD];
	_ =	sdelay $0x3  }
0x96: {  	_ =	strace s2  }
0x97: {  	_ =	strace $0x8FFFFFFF  }
0x98: {  	s18 =	sld [smem:$0x3FDB];
	_ =	sdelay $0x1  }
0x99: {  	s19 =	simm.s32 $_scs_section_size  }
0x9a: {  	s4 =	simm.s32 $_size__tile_overlayer_lowered;
	s5 =	simm.s32 $_tile_overlayer_lowered  }
0x9b: {  	s22 =	simm.s32 $0x1BFF;
	s21 =	sshll.u32 s5, $0x1;
	s2 =	sadd.s32 s19, s18  }
0x9c: {  	s6 =	simm.s32 $0x0;
	s20 =	sshll.u32 s4, $0x1;
	s4 =	sadd.s32 s21, s2  }
0x9d: {  	[timem:s6], [sflag:s22] =	dma.local [hbm:s4], s20  }
0x9e: {  	_ =	swait.ge [sflag:s22], s20  }
0x9f: {  	s3 =	ssub.s32 $0x0, s20;
	[sflag:s22] =	ssyncset.done $0x0  }
0xa0: {  	[sflag:s22] =	ssyncadd.s32 s3;
	_ =	sdelay $0x1  }
0xa1: {  	s23 =	simm.s32 $0x1B8B  }
0xa2: {  	_ =	swait.ge [sflag:s23], $0x1  }
0xa3: {  	[sflag:s23] =	ssyncset.done $0x0  }
0xa4: {  	s25 =	simm.s32 $0x1B8E;
	s24 =	sld [smem:$0x3FFE];
	[sflag:s23] =	ssyncadd.s32 $0xFFFFFFFF  }
0xa5: {  	s26 =	simm.s32 $execute0_lowered;
	[smem:$0x3FD2] =	sst s25  }
0xa6: {  	s4 =	sshll.u32 s26, $0x1;
	_ =	strace $0x80000052;
	[dreg:$0x1] =	wrdreg $0xFFFFFFFF  }
0xa7: {  	s28 =	simm.s32 $_size_execute0_lowered;
	s2 =	sadd.s32 s2, s4;
	[dreg:$0x0] =	wrdreg $0x0  }
0xa8: {  	s4 =	sshll.u32 s28, $0x1;
	[dreg:$0x2] =	wrdreg s2  }
0xa9: {  	[dreg:$0x3] =	wrdreg s4  }
0xaa: {  	[dreg:$0x4] =	wrdreg $0xC0  }
0xab: {  	_ =	task [dreg:s6], $0x5FFFF  }
0xac: {  	[dreg:$0x1] =	wrdreg $0xFFFFFFFF  }
0xad: {  	[dreg:$0x0] =	wrdreg $0x60  }
0xae: {  	[dreg:$0x2] =	wrdreg s24  }
0xaf: {  	[dreg:$0x3] =	wrdreg $0x90000  }
0xb0: {  	[dreg:$0x4] =	wrdreg $0x9  }
0xb1: {  	_ =	task.clear_ibuf [dreg:s6], $0x5FFFF;
	_ =	strace $0x90000052  }
0xb2: {  	s29 =	simm.s32 $0x9;
	_ =	strace $0x80000054  }
0xb3: {  	_ =	swait.ge [sflag:s29], $0x1  }
0xb4: {  	[sflag:s29] =	ssyncadd.s32 $0xFFFFFFFF  }
0xb5: {  	_ =	strace $0x90000054  }
0xb6: {  	_ =	sfence  }
0xb7: {  	s30 =	sld [smem:$0x0];
	_ =	sdelay $0x2  }
0xb8: {  	s31 =	sshll.u32 s1, $0xD;
	s1 =	sshrl.u32 s1, $0x2  }
0xb9: {  	s3 =	sand.u32 $0x4000, s31;
	s1 =	sadd.s32 s1, s30  }
0xba: {  	s0 =	sor.u32 s3, s0;
	s1 =	sshll.u32 s1, $0x11  }
0xbb: {  	s0 =	sor.u32 s1, s0  }
0xbc: {  	s0 =	sadd.s32 $0x8F2B, s0  }
0xbd: {  	[sflag:s0] =	ssyncadd.remote.s32 $0x1  }
0xbe: {  	_ =	sfence.sel $0xFFFF  }
0xbf: {  	[dreg:$0x0] =	wrdreg $0xFFFFFFFF;
	(pc) =	sbr.abs _section_cstart, $3  }
0xc0: {  	[dreg:$0x1] =	wrdreg $0xFFFFFFFF  }
0xc1: {  	_ =	task.clear_ibuf [dreg:s6], $0x2FFFF;
	_ =	strace $0x9FFFFFFF  }
0xc2: {  	(tm) =	ssettm $0x7FFFFFFF  }
0xc3: {  	_ =	shalt  }
tec
execute0_lowered:
.L_overlay_start_1:
0x0: {  	(tag) =	ssettag $0x1  }
0x1: {  	s0 =	srdreg.scid;
	s6 =	rddreg [dreg:$0x0]  }
0x2: {  	s2 =	rddreg [dreg:$0x1];
	s3 =	simm.s32 $0x0;
	s14 =	simm.s32 $0x80  }
0x3: {  	s15 =	simm.s32 $0x5000;
	s5 =	sand.u32 $0x1, s0;
	s0 =	stileid.u32  }
0x4: {  	s16 =	simm.s32 $0x1;
	s17 =	simm.s32 $0x0;
	s8 =	smul.u32 $0x14000, s0  }
0x5: {  	[smem:$0x7FF] =	sst s3;
	s1 =	sshll.u32 s5, $0x4;
	s9 =	smul.u32 $0x140000, s5  }
0x6: {  	s5 =	ssub.s32 $0x2, s5;
	s29 =	smul.u32 $0x50000, s0;
	s31 =	sshll.u32 s0, $0x6  }
0x7: {  	s4 =	sor.u32 s0, s1;
	s1 =	rddreg [dreg:$0x2];
	_ =	strace $0x80000053  }
0x8: {  	s11 =	sshrl.u32 s5, $0x1;
	s7 =	smul.u32 $0x500, s4;
	s4 =	sadd.s32 $0x10E00, s6  }
0x9: {  	s28 =	sshrl.u32 s8, $0x3;
	s8 =	sadd.s32 s8, s9;
	s30 =	sshrl.u32 s29, $0x2  }
0xa: {  	s11 =	ssub.s32 s5, s11;
	s8 =	sshrl.u32 s8, $0x3;
	s13 =	sadd.s32 s30, s2  }
0xb: {  	s10 =	sadd.s32 s7, s6;
	s7 =	sadd.s32 s28, s6;
	s12 =	sadd.s32 s8, s6  }
0xc: {  	s6 =	sor.u32 $0x1C02, s31;
	s5 =	sadd.s32 $0x42400, s7;
	s7 =	sadd.s32 $0x6E00, s10  }
0xd: {  	s8 =	sadd.s32 $0x38400, s10;
	s9 =	sadd.s32 $0x6A400, s12;
	s10 =	smax.u32 s11, $0x1  }
0xe: {  	s11 =	sshrl.u32 s13, $0x3;
	s12 =	simm.s32 $0x2;
	s13 =	simm.s32 $0x2800  }
.LBB2_1:
0xf: {  	[spmem:s11], [sflag:s6] =	dma.local [hbm:s5], $0x2800  }
0x10: {  	_ =	swait.ge [sflag:s12], $0x2800  }
0x11: {  	[sflag:s12] =	ssyncset.done $0x0  }
0x12: {  	[sflag:s12] =	ssyncadd.s32 $0xFFFFD800  }
0x13: {  	[tilespmem:s3], [sflag:$0x2] =	stream.linear.gather [hbm4b:s7+s3], $0x2800, $0x38;
	[tilespmem:$0x1D000] =	vst v63  }
0x14: {  	_ =	swait.ge [sflag:s12], $0x2800  }
0x15: {  	[sflag:s12] =	ssyncset.done $0x0  }
0x16: {  	[sflag:s12] =	ssyncadd.s32 $0xFFFFD800  }
0x17: {  	[tilespmem:s13], [sflag:$0x2] =	stream.linear.gather [hbm4b:s8+s3], $0x2800, $0x38;
	[tilespmem:$0x1D000] =	vst v63  }
0x18: {  	_ =	swait.ge [sflag:s12], $0x2800  }
0x19: {  	[sflag:s12] =	ssyncset.done $0x0  }
0x1a: {  	[sflag:s12] =	ssyncadd.s32 $0xFFFFD800  }
0x1b: {  	s18 =	simm.s32 $0x0;
	[bflag:$0x0] =	sbarrier.arrive $0xFFFF  }
0x1c: {  	[tilespmem:s15], [sflag:$0x1] =	stream.indirect.gather [hbm4b:s4+s14], $0x80, s18, s14, $0xb8;
	[tilespmem:$0x1D000] =	vst v63  }
0x1d: {  	_ =	swait.ge [sflag:s16], $0x4000  }
0x1e: {  	[sflag:s16] =	ssyncset.done $0x0  }
0x1f: {  	s31 =	simm.s32 $0x2800;
	[sflag:s16] =	ssyncadd.s32 $0xFFFFC000  }
0x20: {  	[spmem:s2] =	stream.indirect.scatter.add.f32 [tilespmem:s15], [sflag:$0x2], $0x80, s31, s14, $0xb8;
	[tilespmem:$0x1D000] =	vst v63  }
0x21: {  	_ =	swait.ge [sflag:s12], $0x4000  }
0x22: {  	s19 =	simm.s32 $0x400;
	s18 =	simm.s32 $0x200;
	[sflag:s12] =	ssyncset.done $0x0  }
.LBB2_2:
0x23: {  	s20 =	sshra.s32 s18, $0x2  }
0x24: {  	[sflag:s12] =	ssyncadd.s32 $0xFFFFC000;
	s18 =	smov.u32 s19;
	s21 =	sadd.s32 $0x200, s19  }
0x25: {  	[tilespmem:s15], [sflag:$0x1] =	stream.indirect.gather [hbm4b:s4+s14], $0x80, s20, s14, $0xb8;
	[tilespmem:$0x1D000] =	vst v63  }
0x26: {  	p0 =	sne.s32 s19, $0x9E00;
	_ =	swait.ge [sflag:s16], $0x4000  }
.Ltmp0:
0x27: {  	[sflag:s16] =	ssyncset.done $0x0;
	(pc) =	sbr.rel @p0 .LBB2_2-.Ltmp0, $4  }
0x28: {  	s19 =	sadd.s32 $0x2800, s20;
	[sflag:s16] =	ssyncadd.s32 $0xFFFFC000  }
0x29: {  	[spmem:s2] =	stream.indirect.scatter.add.f32 [tilespmem:s15], [sflag:$0x2], $0x80, s19, s14, $0xb8;
	[tilespmem:$0x1D000] =	vst v63  }
0x2a: {  	_ =	swait.ge [sflag:s12], $0x4000  }
0x2b: {  	s19 =	smov.u32 s21;
	[sflag:s12] =	ssyncset.done $0x0  }
0x2c: {  	s18 =	sshra.s32 s18, $0x2;
	[sflag:s12] =	ssyncadd.s32 $0xFFFFC000  }
0x2d: {  	[tilespmem:s15], [sflag:$0x1] =	stream.indirect.gather [hbm4b:s4+s14], $0x80, s18, s14, $0xb8;
	[tilespmem:$0x1D000] =	vst v63  }
0x2e: {  	_ =	swait.ge [sflag:s16], $0x4000  }
0x2f: {  	[sflag:s16] =	ssyncset.done $0x0  }
0x30: {  	s18 =	sadd.s32 $0x2800, s18;
	[sflag:s16] =	ssyncadd.s32 $0xFFFFC000  }
0x31: {  	[spmem:s2] =	stream.indirect.scatter.add.f32 [tilespmem:s15], [sflag:$0x2], $0x80, s18, s14, $0xb8;
	[tilespmem:$0x1D000] =	vst v63  }
0x32: {  	_ =	swait.ge [sflag:s12], $0x4000  }
0x33: {  	s17 =	sadd.s32 $0x1, s17;
	[sflag:s12] =	ssyncset.done $0x0  }
0x34: {  	p0 =	sne.s32 s17, s10;
	[sflag:s12] =	ssyncadd.s32 $0xFFFFC000  }
.Ltmp1:
0x35: {  	[bflag:$0x0] =	sbarrier.arrive $0xFFFF;
	(pc) =	sbr.rel @p0 .LBB2_1-.Ltmp1, $4  }
0x36: {  	[hbm:s9], [sflag:s6] =	dma.local [spmem:s11], $0x2800  }
0x37: {  	_ =	swait.ge [sflag:s12], $0x2800  }
0x38: {  	[sflag:s12] =	ssyncset.done $0x0  }
0x39: {  	[sflag:s12] =	ssyncadd.s32 $0xFFFFD800  }
0x3a: {  	_ =	sfence.sel $0x180000  }
0x3b: {  	[bflag:$0x0] =	sbarrier.arrive $0xFFFF  }
0x3c: {  	p0 =	sne.s32 s0, $0x0;
	_ =	strace $0x90000053  }
0x3d: {  	s0 =	sadd.s32 @!p0 $0x100000, s1;
	[bflag:$0x2] =	sbarrier.arrive $0xFFFF  }
0x3e: {  	[sflag:s0] =	ssyncadd.tile.s32 @!p0 $0x1;
	_ =	shalt  }
.Lfunc_end2:
_tile_overlayer_lowered:
.L_overlay_start_2:
0x3f: {  	(tag) =	ssettag $0x2  }
0x40: {  	s0 =	rddreg [dreg:$0x0];
	s2 =	stileid.u32  }
0x41: {  	s1 =	rddreg [dreg:$0x1];
	p0 =	sne.s32 s2, $0x0  }
0x42: {  	s3 =	rddreg [dreg:$0x2];
	[bflag:$0x3] =	sbarrier.arrive $0xFFFF;
	s2 =	simm.s32 @!p0 $0x1C02  }
0x43: {  	[timem:s3], [sflag:s2] =	dma.local @!p0 [hbm:s0], s1  }
0x44: {  	s0 =	simm.s32 @!p0 $0x2  }
0x45: {  	_ =	swait.ge @!p0 [sflag:s0], s1  }
0x46: {  	s1 =	ssub.s32 @!p0 $0x0, s1;
	[sflag:s0] =	ssyncset.done @!p0 $0x0  }
0x47: {  	[sflag:s0] =	ssyncadd.s32 @!p0 s1  }
0x48: {  	[bflag:$0x3] =	sbarrier.arrive $0xFFFF  }
0x49: {  	_ =	shalt  }

// kernel: kernel.21.cloned.1.call-start
scs
__scs_entry_jumppad:
0x0: {  	(pc) =	sbr.rel $0x88, $3  }
0x1: {  	(tag) =	ssettag $0x0;
	lr =	simm.s32 $0x1  }
0x2: {  	[smem:$0x3F71] =	sst lr;
	_ =	strace $0xD0000000  }
0x3: {  	_ = 	snop  }
0x4: {  	_ = 	snop  }
0x5: {  	_ = 	snop  }
0x6: {  	_ = 	snop  }
0x7: {  	_ = 	snop  }
__scs_overlays_trampoline_lowered:
0x8: {  	[smem:$0x3F80] =	sst s0  }
0x9: {  	[smem:$0x3F81] =	sst s1  }
0xa: {  	[smem:$0x3F82] =	sst s2  }
0xb: {  	[smem:$0x3F83] =	sst s3  }
0xc: {  	[smem:$0x3F84] =	sst s4  }
0xd: {  	[smem:$0x3F85] =	sst s5  }
0xe: {  	[smem:$0x3F86] =	sst s6  }
0xf: {  	[smem:$0x3F87] =	sst s7  }
0x10: {  	[smem:$0x3F88] =	sst s8  }
0x11: {  	[smem:$0x3F89] =	sst s9;
	s0 =	simm.s32 @!p0 $0x0  }
0x12: {  	s1 =	sld [smem:$0x3F6F];
	s0 =	simm.s32 @p0 $0x1  }
0x13: {  	[smem:$0x3F8A] =	sst s0;
	s0 =	simm.s32 @!p1 $0x0  }
0x14: {  	s2 =	sld [smem:$0x3F6E];
	s0 =	simm.s32 @p1 $0x1  }
0x15: {  	[smem:$0x3F8B] =	sst s0;
	s0 =	simm.s32 @!p2 $0x0  }
0x16: {  	s3 =	sld [smem:$0x3FDB];
	s0 =	simm.s32 @p2 $0x1  }
0x17: {  	s4 =	simm.s32 $0x1BF5;
	[smem:$0x3F8D] =	sst s0  }
0x18: {  	s0 =	sld [smem:$0x3F70];
	_ =	swait.ge [sflag:s4], $0x0  }
0x19: {  	s7 =	sld [smem:$0x3F71]  }
0x1a: {  	s8 =	sadd.s32 $0xFFFFE003, lr  }
0x1b: {  	s9 =	sadd.s32 $0xFFFFFEF7, lr;
	s5 =	simm.s32 $0xFFFFFFFF;
	p2 =	slt.u32 s8, $0xFFFFF086  }
0x1c: {  	p1 =	slt.u32 s9, $0xF7A;
	s5 =	simm.s32 @!p2 $0x0  }
0x1d: {  	s5 =	simm.s32 @p1 $0x1;
	p0 =	seq.s32 s7, s2  }
0x1e: {  	s7 =	smul.u32 @!p0 $0xF7A, s2;
	p2 =	seq.s32 @!p0 s5, $0x0  }
0x1f: {  	s9 =	smul.u32 $0xF7A, s1;
	s8 =	simm.s32 @!p0 $0x1BF5;
	p2 =	por !p2, p0  }
0x20: {  	[sflag:s8] =	ssyncset.s32 @!p0 $0xFFFFF086;
	s6 =	sadd.s32 @!p0 s3, s7;
	s7 =	simm.s32 @!p0 $0x108  }
0x21: {  	s3 =	sadd.s32 s3, s9;
	s6 =	sadd.s32 @!p0 $0x88, s6;
	s7 =	simm.s32 @p2 $0x1082  }
0x22: {  	[simem:s7], [sflag:s8] =	dma.local @!p0 [hbm:s6], $0xF7A  }
0x23: {  	s9 =	sor.u32 $0xD0000000, s2;
	s6 =	simm.s32 $0x108;
	_ =	swait.ge @!p0 [sflag:s8], $0x0  }
0x24: {  	s3 =	sadd.s32 $0x88, s3;
	s6 =	simm.s32 @!p1 $0x1082;
	[sflag:s4] =	ssyncset.s32 $0xFFFFF086  }
0x25: {  	[simem:s6], [sflag:s4] =	dma.local [hbm:s3], $0xF7A  }
0x26: {  	[smem:$0x3F71] =	sst s1;
	(tag) =	ssettag s2;
	_ =	strace s9  }
0x27: {  	s1 =	sld [smem:$0x3F81]  }
0x28: {  	s2 =	sld [smem:$0x3F82]  }
0x29: {  	s4 =	sld [smem:$0x3F84]  }
0x2a: {  	p0 =	seq.s32 s5, $0x0;
	s5 =	sld [smem:$0x3F85]  }
0x2b: {  	s6 =	sld [smem:$0x3F86]  }
0x2c: {  	s7 =	sld [smem:$0x3F87]  }
0x2d: {  	s3 =	simm.s32 $0x108;
	s8 =	sld [smem:$0x3F88]  }
0x2e: {  	s3 =	simm.s32 @!p0 $0x1082;
	s9 =	sld [smem:$0x3F89]  }
0x2f: {  	lr =	sadd.s32 s0, s3;
	s0 =	sld [smem:$0x3F80]  }
0x30: {  	s3 =	sld [smem:$0x3F83]  }
0x31: {  	[smem:$0x3F8C] =	sst s10  }
0x32: {  	s10 =	sld [smem:$0x3F8A];
	_ =	sdelay $0x3  }
0x33: {  	p0 =	seq.s32 s10, $0x1;
	s10 =	sld [smem:$0x3F8C];
	_ =	sdelay $0x3  }
0x34: {  	[smem:$0x3F8C] =	sst s10  }
0x35: {  	s10 =	sld [smem:$0x3F8B];
	_ =	sdelay $0x3  }
0x36: {  	p1 =	seq.s32 s10, $0x1;
	s10 =	sld [smem:$0x3F8C];
	_ =	sdelay $0x3  }
0x37: {  	[smem:$0x3F8C] =	sst s10  }
0x38: {  	s10 =	sld [smem:$0x3F8D]  }
0x39: {  	_ = 	snop;
	(pc) =	sbr.ind lr, $3  }
0x3a: {  	_ = 	snop  }
0x3b: {  	_ = 	snop  }
0x3c: {  	p2 =	seq.s32 s10, $0x1;
	s10 =	sld [smem:$0x3F8C]  }
0x3d: {  	_ =	shalt  }
0x3e: {  	_ =	shalt  }
0x3f: {  	_ =	shalt  }
0x40: {  	_ =	shalt  }
0x41: {  	_ =	shalt  }
0x42: {  	_ =	shalt  }
0x43: {  	_ =	shalt  }
0x44: {  	_ =	shalt  }
0x45: {  	_ =	shalt  }
0x46: {  	_ =	shalt  }
0x47: {  	_ =	shalt  }
0x48: {  	_ =	shalt  }
0x49: {  	_ =	shalt  }
0x4a: {  	_ =	shalt  }
0x4b: {  	_ =	shalt  }
0x4c: {  	_ =	shalt  }
0x4d: {  	_ =	shalt  }
0x4e: {  	_ =	shalt  }
0x4f: {  	_ =	shalt  }
0x50: {  	_ =	shalt  }
0x51: {  	_ =	shalt  }
0x52: {  	_ =	shalt  }
0x53: {  	_ =	shalt  }
0x54: {  	_ =	shalt  }
0x55: {  	_ =	shalt  }
0x56: {  	_ =	shalt  }
0x57: {  	_ =	shalt  }
0x58: {  	_ =	shalt  }
0x59: {  	_ =	shalt  }
0x5a: {  	_ =	shalt  }
0x5b: {  	_ =	shalt  }
0x5c: {  	_ =	shalt  }
0x5d: {  	_ =	shalt  }
0x5e: {  	_ =	shalt  }
0x5f: {  	_ =	shalt  }
0x60: {  	_ =	shalt  }
0x61: {  	_ =	shalt  }
0x62: {  	_ =	shalt  }
0x63: {  	_ =	shalt  }
0x64: {  	_ =	shalt  }
0x65: {  	_ =	shalt  }
0x66: {  	_ =	shalt  }
0x67: {  	_ =	shalt  }
0x68: {  	_ =	shalt  }
0x69: {  	_ =	shalt  }
0x6a: {  	_ =	shalt  }
0x6b: {  	_ =	shalt  }
0x6c: {  	_ =	shalt  }
0x6d: {  	_ =	shalt  }
0x6e: {  	_ =	shalt  }
0x6f: {  	_ =	shalt  }
0x70: {  	_ =	shalt  }
0x71: {  	_ =	shalt  }
0x72: {  	_ =	shalt  }
0x73: {  	_ =	shalt  }
0x74: {  	_ =	shalt  }
0x75: {  	_ =	shalt  }
0x76: {  	_ =	shalt  }
0x77: {  	_ =	shalt  }
0x78: {  	_ =	shalt  }
0x79: {  	_ =	shalt  }
0x7a: {  	_ =	shalt  }
0x7b: {  	_ =	shalt  }
0x7c: {  	_ =	shalt  }
0x7d: {  	_ =	shalt  }
0x7e: {  	_ =	shalt  }
0x7f: {  	_ =	shalt  }
0x80: {  	_ =	shalt  }
0x81: {  	_ =	shalt  }
0x82: {  	_ =	shalt  }
0x83: {  	_ =	shalt  }
0x84: {  	_ =	shalt  }
0x85: {  	_ =	shalt  }
0x86: {  	_ =	shalt  }
0x87: {  	_ =	shalt  }
.Lfunc_end0:
.L_simem_size_0:
called_computation.5_lowered:
.L_overlay_start_0:
0x88: {  	s2 =	sld [smem:$0x3FD9]  }
0x89: {  	s3 =	sld [smem:$0x3FFE];
	_ =	sdelay $0x1  }
0x8a: {  	s1 =	srdreg.scid  }
0x8b: {  	s0 =	sand.u32 $0x1, s1  }
0x8c: {  	s16 =	sshll.u32 s0, $0xA;
	s2 =	sadd.s32 s3, s2  }
0x8d: {  	s2 =	sadd.s32 s2, s16  }
0x8e: {  	[smem:$0x3F98] =	sst s2  }
0x8f: {  	_ = 	snop  }
0x90: {  	(tm) =	ssettm $0x1  }
0x91: {  	s17 =	sld [smem:$0x3FFB];
	_ =	sdelay $0x3  }
0x92: {  	_ =	strace s17  }
0x93: {  	s2 =	sld [smem:$0x3FFC];
	_ =	sdelay $0x3  }
0x94: {  	_ =	strace s2  }
0x95: {  	s2 =	sld [smem:$0x3FFD];
	_ =	sdelay $0x3  }
0x96: {  	_ =	strace s2  }
0x97: {  	_ =	strace $0x8FFFFFFF  }
0x98: {  	s18 =	sld [smem:$0x3FDB];
	_ =	sdelay $0x1  }
0x99: {  	s19 =	simm.s32 $_scs_section_size  }
0x9a: {  	s4 =	simm.s32 $_size__tile_overlayer_lowered;
	s5 =	simm.s32 $_tile_overlayer_lowered  }
0x9b: {  	s22 =	simm.s32 $0x1BFF;
	s21 =	sshll.u32 s5, $0x1;
	s2 =	sadd.s32 s19, s18  }
0x9c: {  	s6 =	simm.s32 $0x0;
	s20 =	sshll.u32 s4, $0x1;
	s4 =	sadd.s32 s21, s2  }
0x9d: {  	[timem:s6], [sflag:s22] =	dma.local [hbm:s4], s20  }
0x9e: {  	_ =	swait.ge [sflag:s22], s20  }
0x9f: {  	s3 =	ssub.s32 $0x0, s20;
	[sflag:s22] =	ssyncset.done $0x0  }
0xa0: {  	[sflag:s22] =	ssyncadd.s32 s3;
	_ =	sdelay $0x1  }
0xa1: {  	s23 =	simm.s32 $0x1B8B  }
0xa2: {  	_ =	swait.ge [sflag:s23], $0x1  }
0xa3: {  	[sflag:s23] =	ssyncset.done $0x0  }
0xa4: {  	s25 =	simm.s32 $0x1B8E;
	s24 =	sld [smem:$0x3FFE];
	[sflag:s23] =	ssyncadd.s32 $0xFFFFFFFF  }
0xa5: {  	s26 =	simm.s32 $execute0_lowered;
	[smem:$0x3FD2] =	sst s25  }
0xa6: {  	s4 =	sshll.u32 s26, $0x1;
	_ =	strace $0x80000055;
	[dreg:$0x1] =	wrdreg $0xFFFFFFFF  }
0xa7: {  	s28 =	simm.s32 $_size_execute0_lowered;
	s2 =	sadd.s32 s2, s4;
	[dreg:$0x0] =	wrdreg $0x0  }
0xa8: {  	s4 =	sshll.u32 s28, $0x1;
	[dreg:$0x2] =	wrdreg s2  }
0xa9: {  	[dreg:$0x3] =	wrdreg s4  }
0xaa: {  	[dreg:$0x4] =	wrdreg $0xC0  }
0xab: {  	_ =	task [dreg:s6], $0x5FFFF  }
0xac: {  	[dreg:$0x1] =	wrdreg $0xFFFFFFFF  }
0xad: {  	[dreg:$0x0] =	wrdreg $0x60  }
0xae: {  	[dreg:$0x2] =	wrdreg s24  }
0xaf: {  	[dreg:$0x3] =	wrdreg $0x90000  }
0xb0: {  	[dreg:$0x4] =	wrdreg $0x9  }
0xb1: {  	_ =	task.clear_ibuf [dreg:s6], $0x5FFFF;
	_ =	strace $0x90000055  }
0xb2: {  	s29 =	simm.s32 $0x9;
	_ =	strace $0x80000057  }
0xb3: {  	_ =	swait.ge [sflag:s29], $0x1  }
0xb4: {  	[sflag:s29] =	ssyncadd.s32 $0xFFFFFFFF  }
0xb5: {  	_ =	strace $0x90000057  }
0xb6: {  	_ =	sfence  }
0xb7: {  	s30 =	sld [smem:$0x0];
	_ =	sdelay $0x2  }
0xb8: {  	s31 =	sshll.u32 s1, $0xD;
	s1 =	sshrl.u32 s1, $0x2  }
0xb9: {  	s3 =	sand.u32 $0x4000, s31;
	s1 =	sadd.s32 s1, s30  }
0xba: {  	s0 =	sor.u32 s3, s0;
	s1 =	sshll.u32 s1, $0x11  }
0xbb: {  	s0 =	sor.u32 s1, s0  }
0xbc: {  	s0 =	sadd.s32 $0x8F2B, s0  }
0xbd: {  	[sflag:s0] =	ssyncadd.remote.s32 $0x1  }
0xbe: {  	_ =	sfence.sel $0xFFFF  }
0xbf: {  	[dreg:$0x0] =	wrdreg $0xFFFFFFFF;
	(pc) =	sbr.abs _section_cstart, $3  }
0xc0: {  	[dreg:$0x1] =	wrdreg $0xFFFFFFFF  }
0xc1: {  	_ =	task.clear_ibuf [dreg:s6], $0x2FFFF;
	_ =	strace $0x9FFFFFFF  }
0xc2: {  	(tm) =	ssettm $0x7FFFFFFF  }
0xc3: {  	_ =	shalt  }
tec
execute0_lowered:
.L_overlay_start_1:
0x0: {  	(tag) =	ssettag $0x1  }
0x1: {  	s0 =	srdreg.scid;
	s6 =	rddreg [dreg:$0x0]  }
0x2: {  	s2 =	rddreg [dreg:$0x1];
	s3 =	simm.s32 $0x0;
	s14 =	simm.s32 $0x80  }
0x3: {  	s15 =	simm.s32 $0x5000;
	s5 =	sand.u32 $0x1, s0;
	s0 =	stileid.u32  }
0x4: {  	s16 =	simm.s32 $0x1;
	s17 =	simm.s32 $0x0;
	s8 =	smul.u32 $0x14000, s0  }
0x5: {  	[smem:$0x7FF] =	sst s3;
	s1 =	sshll.u32 s5, $0x4;
	s9 =	smul.u32 $0x140000, s5  }
0x6: {  	s5 =	ssub.s32 $0x2, s5;
	s29 =	smul.u32 $0x50000, s0;
	s31 =	sshll.u32 s0, $0x6  }
0x7: {  	s4 =	sor.u32 s0, s1;
	s1 =	rddreg [dreg:$0x2];
	_ =	strace $0x80000056  }
0x8: {  	s11 =	sshrl.u32 s5, $0x1;
	s7 =	smul.u32 $0x500, s4;
	s4 =	sadd.s32 $0x10E00, s6  }
0x9: {  	s28 =	sshrl.u32 s8, $0x3;
	s8 =	sadd.s32 s8, s9;
	s30 =	sshrl.u32 s29, $0x2  }
0xa: {  	s11 =	ssub.s32 s5, s11;
	s8 =	sshrl.u32 s8, $0x3;
	s13 =	sadd.s32 s30, s2  }
0xb: {  	s10 =	sadd.s32 s7, s6;
	s7 =	sadd.s32 s28, s6;
	s12 =	sadd.s32 s8, s6  }
0xc: {  	s6 =	sor.u32 $0x1C02, s31;
	s5 =	sadd.s32 $0x42400, s7;
	s7 =	sadd.s32 $0x6E00, s10  }
0xd: {  	s8 =	sadd.s32 $0x38400, s10;
	s9 =	sadd.s32 $0x6A400, s12;
	s10 =	smax.u32 s11, $0x1  }
0xe: {  	s11 =	sshrl.u32 s13, $0x3;
	s12 =	simm.s32 $0x2;
	s13 =	simm.s32 $0x2800  }
.LBB2_1:
0xf: {  	[spmem:s11], [sflag:s6] =	dma.local [hbm:s5], $0x2800  }
0x10: {  	_ =	swait.ge [sflag:s12], $0x2800  }
0x11: {  	[sflag:s12] =	ssyncset.done $0x0  }
0x12: {  	[sflag:s12] =	ssyncadd.s32 $0xFFFFD800  }
0x13: {  	[tilespmem:s3], [sflag:$0x2] =	stream.linear.gather [hbm4b:s7+s3], $0x2800, $0x38;
	[tilespmem:$0x1D000] =	vst v63  }
0x14: {  	_ =	swait.ge [sflag:s12], $0x2800  }
0x15: {  	[sflag:s12] =	ssyncset.done $0x0  }
0x16: {  	[sflag:s12] =	ssyncadd.s32 $0xFFFFD800  }
0x17: {  	[tilespmem:s13], [sflag:$0x2] =	stream.linear.gather [hbm4b:s8+s3], $0x2800, $0x38;
	[tilespmem:$0x1D000] =	vst v63  }
0x18: {  	_ =	swait.ge [sflag:s12], $0x2800  }
0x19: {  	[sflag:s12] =	ssyncset.done $0x0  }
0x1a: {  	[sflag:s12] =	ssyncadd.s32 $0xFFFFD800  }
0x1b: {  	s18 =	simm.s32 $0x0;
	[bflag:$0x0] =	sbarrier.arrive $0xFFFF  }
0x1c: {  	[tilespmem:s15], [sflag:$0x1] =	stream.indirect.gather [hbm4b:s4+s14], $0x80, s18, s14, $0xb8;
	[tilespmem:$0x1D000] =	vst v63  }
0x1d: {  	_ =	swait.ge [sflag:s16], $0x4000  }
0x1e: {  	[sflag:s16] =	ssyncset.done $0x0  }
0x1f: {  	s31 =	simm.s32 $0x2800;
	[sflag:s16] =	ssyncadd.s32 $0xFFFFC000  }
0x20: {  	[spmem:s2] =	stream.indirect.scatter.add.f32 [tilespmem:s15], [sflag:$0x2], $0x80, s31, s14, $0xb8;
	[tilespmem:$0x1D000] =	vst v63  }
0x21: {  	_ =	swait.ge [sflag:s12], $0x4000  }
0x22: {  	s19 =	simm.s32 $0x400;
	s18 =	simm.s32 $0x200;
	[sflag:s12] =	ssyncset.done $0x0  }
.LBB2_2:
0x23: {  	s20 =	sshra.s32 s18, $0x2  }
0x24: {  	[sflag:s12] =	ssyncadd.s32 $0xFFFFC000;
	s18 =	smov.u32 s19;
	s21 =	sadd.s32 $0x200, s19  }
0x25: {  	[tilespmem:s15], [sflag:$0x1] =	stream.indirect.gather [hbm4b:s4+s14], $0x80, s20, s14, $0xb8;
	[tilespmem:$0x1D000] =	vst v63  }
0x26: {  	p0 =	sne.s32 s19, $0x9E00;
	_ =	swait.ge [sflag:s16], $0x4000  }
.Ltmp0:
0x27: {  	[sflag:s16] =	ssyncset.done $0x0;
	(pc) =	sbr.rel @p0 .LBB2_2-.Ltmp0, $4  }
0x28: {  	s19 =	sadd.s32 $0x2800, s20;
	[sflag:s16] =	ssyncadd.s32 $0xFFFFC000  }
0x29: {  	[spmem:s2] =	stream.indirect.scatter.add.f32 [tilespmem:s15], [sflag:$0x2], $0x80, s19, s14, $0xb8;
	[tilespmem:$0x1D000] =	vst v63  }
0x2a: {  	_ =	swait.ge [sflag:s12], $0x4000  }
0x2b: {  	s19 =	smov.u32 s21;
	[sflag:s12] =	ssyncset.done $0x0  }
0x2c: {  	s18 =	sshra.s32 s18, $0x2;
	[sflag:s12] =	ssyncadd.s32 $0xFFFFC000  }
0x2d: {  	[tilespmem:s15], [sflag:$0x1] =	stream.indirect.gather [hbm4b:s4+s14], $0x80, s18, s14, $0xb8;
	[tilespmem:$0x1D000] =	vst v63  }
0x2e: {  	_ =	swait.ge [sflag:s16], $0x4000  }
0x2f: {  	[sflag:s16] =	ssyncset.done $0x0  }
0x30: {  	s18 =	sadd.s32 $0x2800, s18;
	[sflag:s16] =	ssyncadd.s32 $0xFFFFC000  }
0x31: {  	[spmem:s2] =	stream.indirect.scatter.add.f32 [tilespmem:s15], [sflag:$0x2], $0x80, s18, s14, $0xb8;
	[tilespmem:$0x1D000] =	vst v63  }
0x32: {  	_ =	swait.ge [sflag:s12], $0x4000  }
0x33: {  	s17 =	sadd.s32 $0x1, s17;
	[sflag:s12] =	ssyncset.done $0x0  }
0x34: {  	p0 =	sne.s32 s17, s10;
	[sflag:s12] =	ssyncadd.s32 $0xFFFFC000  }
.Ltmp1:
0x35: {  	[bflag:$0x0] =	sbarrier.arrive $0xFFFF;
	(pc) =	sbr.rel @p0 .LBB2_1-.Ltmp1, $4  }
0x36: {  	[hbm:s9], [sflag:s6] =	dma.local [spmem:s11], $0x2800  }
0x37: {  	_ =	swait.ge [sflag:s12], $0x2800  }
0x38: {  	[sflag:s12] =	ssyncset.done $0x0  }
0x39: {  	[sflag:s12] =	ssyncadd.s32 $0xFFFFD800  }
0x3a: {  	_ =	sfence.sel $0x180000  }
0x3b: {  	[bflag:$0x0] =	sbarrier.arrive $0xFFFF  }
0x3c: {  	p0 =	sne.s32 s0, $0x0;
	_ =	strace $0x90000056  }
0x3d: {  	s0 =	sadd.s32 @!p0 $0x100000, s1;
	[bflag:$0x2] =	sbarrier.arrive $0xFFFF  }
0x3e: {  	[sflag:s0] =	ssyncadd.tile.s32 @!p0 $0x1;
	_ =	shalt  }
.Lfunc_end2:
_tile_overlayer_lowered:
.L_overlay_start_2:
0x3f: {  	(tag) =	ssettag $0x2  }
0x40: {  	s0 =	rddreg [dreg:$0x0];
	s2 =	stileid.u32  }
0x41: {  	s1 =	rddreg [dreg:$0x1];
	p0 =	sne.s32 s2, $0x0  }
0x42: {  	s3 =	rddreg [dreg:$0x2];
	[bflag:$0x3] =	sbarrier.arrive $0xFFFF;
	s2 =	simm.s32 @!p0 $0x1C02  }
0x43: {  	[timem:s3], [sflag:s2] =	dma.local @!p0 [hbm:s0], s1  }
0x44: {  	s0 =	simm.s32 @!p0 $0x2  }
0x45: {  	_ =	swait.ge @!p0 [sflag:s0], s1  }
0x46: {  	s1 =	ssub.s32 @!p0 $0x0, s1;
	[sflag:s0] =	ssyncset.done @!p0 $0x0  }
0x47: {  	[sflag:s0] =	ssyncadd.s32 @!p0 s1  }
0x48: {  	[bflag:$0x3] =	sbarrier.arrive $0xFFFF  }
0x49: {  	_ =	shalt  }

</sc_bundles>
